<compile_context>
chip_gen: v7x
topology: tpu7x:2x2x1
jax: 0.10.2.dev20260603
libtpu: 0.0.44.dev20260713+nightly
codegen_flags: <defaults>
</compile_context>

<pallas_src>
import functools

import jax
import jax.numpy as jnp
from jax import lax
from jax.experimental import pallas as pl
from jax.experimental.pallas import tpu as pltpu
from jax.experimental.pallas import tpu_sc as plsc

N = 10000
E = 160000
IN_CH = 256
HID = 256
NCLS = 16
NSC = 2
NT = 16
LANES = 16
ROWS = 10240
EPAD = 163840
CK = 128
NC1 = EPAD // NT // CK
NC2 = EPAD // (NSC * NT) // CK
NBUF = 4
RB = 1000


def _mesh():
    return plsc.VectorSubcoreMesh(
        core_axis_name="c", subcore_axis_name="s",
        num_cores=NSC, num_subcores=NT)


def _sc_deg(dstB, zeros16):
    rpt = ROWS // NT

    @functools.partial(
        pl.kernel,
        out_type=jax.ShapeDtypeStruct((NSC, ROWS, 16), jnp.float32),
        mesh=_mesh(),
        scratch_types=[
            pltpu.VMEM((NC2, CK), jnp.int32),
            pltpu.VMEM((CK, 16), jnp.float32),
            pltpu.VMEM_SHARED((ROWS, 16), jnp.float32),
            pltpu.SemaphoreType.DMA,
            pltpu.SemaphoreType.DMA,
            pltpu.SemaphoreType.DMA,
            pltpu.SemaphoreType.DMA,
        ],
    )
    def k(dst_hbm, z_hbm, out_hbm, dsl, ones, acc, m0, m1, m2, m3):
        c = lax.axis_index("c")
        s = lax.axis_index("s")
        w = c * NT + s
        sems = [m0, m1, m2, m3]

        def fill_ones(i, _):
            ones[i, :] = jnp.ones((LANES,), jnp.float32)
            return 0
        lax.fori_loop(0, CK, fill_ones, 0)

        pltpu.sync_copy(z_hbm, acc.at[pl.ds(s * rpt, rpt)])
        pltpu.sync_copy(dst_hbm.at[w], dsl)
        plsc.subcore_barrier()

        def outer(g, _):
            base = g * 4
            descs = []
            for b in range(4):
                descs.append(
                    pltpu.async_copy(ones, acc.at[dsl.at[base + b]],
                                     sems[b], add=True))
            for d in descs:
                d.wait()
            return 0
        lax.fori_loop(0, NC2 // 4, outer, 0)

        plsc.subcore_barrier()
        pltpu.sync_copy(acc.at[pl.ds(s * rpt, rpt)],
                        out_hbm.at[c, pl.ds(s * rpt, rpt)])

    return k(dstB, zeros16)


def _sc_agg1(pkA, y_flat, zeros128):
    rpt = ROWS // NT
    G = 10

    @functools.partial(
        pl.kernel,
        out_type=jax.ShapeDtypeStruct((NSC, ROWS, 128), jnp.float32),
        mesh=_mesh(),
        scratch_types=[
            pltpu.VMEM((NC1, CK), jnp.int32),
            pltpu.VMEM((CK,), jnp.int32),
            pltpu.VMEM((CK,), jnp.int32),
            pltpu.VMEM((CK,), jnp.int32),
            pltpu.VMEM((CK,), jnp.int32),
            pltpu.VMEM((CK, 128), jnp.float32),
            pltpu.VMEM((CK, 128), jnp.float32),
            pltpu.VMEM_SHARED((ROWS, 128), jnp.float32),
            pltpu.SemaphoreType.DMA,
            pltpu.SemaphoreType.DMA,
        ],
    )
    def k(pk_hbm, y_hbm, z_hbm, out_hbm,
          pks, sb0, sb1, db0, db1, r0, r1, acc, m0, m1):
        c = lax.axis_index("c")
        s = lax.axis_index("s")
        off = c * N
        sb = [sb0, sb1]
        db = [db0, db1]
        rows = [r0, r1]
        sems = [m0, m1]

        pltpu.sync_copy(z_hbm, acc.at[pl.ds(s * rpt, rpt)])
        pltpu.sync_copy(pk_hbm.at[s], pks)
        plsc.subcore_barrier()

        def unpack(kk, b):
            def fill(j, _):
                p = pks[kk, pl.ds(j * LANES, LANES)]
                sb[b][pl.ds(j * LANES, LANES)] = (p & 0x3FFF) + off
                db[b][pl.ds(j * LANES, LANES)] = p >> 14
                return 0
            lax.fori_loop(0, CK // LANES, fill, 0)

        def outer(g, _):
            base = g * G
            descs = [None, None]
            for b in range(2):
                unpack(base + b, b)
                descs[b] = pltpu.async_copy(y_hbm.at[sb[b]], rows[b], sems[b])
            for i in range(G):
                b = i % 2
                descs[b].wait()
                pltpu.sync_copy(rows[b], acc.at[db[b]], add=True)
                if i + 2 < G:
                    unpack(base + i + 2, b)
                    descs[b] = pltpu.async_copy(y_hbm.at[sb[b]], rows[b], sems[b])
            return 0
        lax.fori_loop(0, NC1 // G, outer, 0)

        plsc.subcore_barrier()
        pltpu.sync_copy(acc.at[pl.ds(s * rpt, rpt)],
                        out_hbm.at[c, pl.ds(s * rpt, rpt)])

    return k(pkA, y_flat, zeros128)


def _sc_agg2(pkB, y2, zeros16):
    rpt = ROWS // NT
    G = 10

    @functools.partial(
        pl.kernel,
        out_type=jax.ShapeDtypeStruct((NSC, ROWS, 16), jnp.float32),
        mesh=_mesh(),
        scratch_types=[
            pltpu.VMEM((NC2, CK), jnp.int32),
            pltpu.VMEM((CK,), jnp.int32),
            pltpu.VMEM((CK,), jnp.int32),
            pltpu.VMEM((CK,), jnp.int32),
            pltpu.VMEM((CK,), jnp.int32),
            pltpu.VMEM((CK, 16), jnp.float32),
            pltpu.VMEM((CK, 16), jnp.float32),
            pltpu.VMEM_SHARED((ROWS, 16), jnp.float32),
            pltpu.VMEM_SHARED((ROWS, 16), jnp.float32),
            pltpu.SemaphoreType.DMA,
            pltpu.SemaphoreType.DMA,
        ],
    )
    def k(pk_hbm, y_hbm, z_hbm, out_hbm,
          pks, sb0, sb1, db0, db1, r0, r1, acc, ys, m0, m1):
        c = lax.axis_index("c")
        s = lax.axis_index("s")
        w = c * NT + s
        sb = [sb0, sb1]
        db = [db0, db1]
        rows = [r0, r1]
        sems = [m0, m1]

        pltpu.sync_copy(z_hbm, acc.at[pl.ds(s * rpt, rpt)])
        pltpu.sync_copy(y_hbm.at[pl.ds(s * rpt, rpt)], ys.at[pl.ds(s * rpt, rpt)])
        pltpu.sync_copy(pk_hbm.at[w], pks)
        plsc.subcore_barrier()

        def unpack(kk, b):
            def fill(j, _):
                p = pks[kk, pl.ds(j * LANES, LANES)]
                sb[b][pl.ds(j * LANES, LANES)] = p & 0x3FFF
                db[b][pl.ds(j * LANES, LANES)] = p >> 14
                return 0
            lax.fori_loop(0, CK // LANES, fill, 0)

        def outer(g, _):
            base = g * G
            descs = [None, None]
            for b in range(2):
                unpack(base + b, b)
                descs[b] = pltpu.async_copy(ys.at[sb[b]], rows[b], sems[b])
            for i in range(G):
                b = i % 2
                descs[b].wait()
                pltpu.sync_copy(rows[b], acc.at[db[b]], add=True)
                if i + 2 < G:
                    unpack(base + i + 2, b)
                    descs[b] = pltpu.async_copy(ys.at[sb[b]], rows[b], sems[b])
            return 0
        lax.fori_loop(0, NC2 // G, outer, 0)

        plsc.subcore_barrier()
        pltpu.sync_copy(acc.at[pl.ds(s * rpt, rpt)],
                        out_hbm.at[c, pl.ds(s * rpt, rpt)])

    return k(pkB, y2, zeros16)


def _dinv_from(dp):
    deg = dp[0][:, 0:1] + dp[1][:, 0:1] + 1.0
    return lax.rsqrt(deg)


def _tc_xw(x, W1):
    def body(x_ref, w_ref, o_ref):
        o_ref[...] = lax.dot_general(x_ref[...], w_ref[...],
                                     (((1,), (0,)), ((), ())),
                                     precision=lax.Precision.HIGHEST,
                                     preferred_element_type=jnp.float32)

    return pl.pallas_call(
        body,
        grid=(N // RB, 2),
        in_specs=[
            pl.BlockSpec((RB, IN_CH), lambda i, c: (i, 0)),
            pl.BlockSpec((IN_CH, 128), lambda i, c: (0, c)),
        ],
        out_specs=pl.BlockSpec((RB, 128), lambda i, c: (c * (N // RB) + i, 0)),
        out_shape=jax.ShapeDtypeStruct((2 * N, 128), jnp.float32),
    )(x, W1)


def _tc_scale(xw, degp):
    def body(x_ref, dp_ref, o_ref):
        dinv = _dinv_from(dp_ref[...])
        x2 = x_ref[...]
        o_ref[...] = x2 * dinv[None]

    return pl.pallas_call(
        body,
        grid=(N // RB,),
        in_specs=[
            pl.BlockSpec((2, RB, 128), lambda i: (0, i, 0)),
            pl.BlockSpec((2, RB, 16), lambda i: (0, i, 0)),
        ],
        out_specs=pl.BlockSpec((2, RB, 128), lambda i: (0, i, 0)),
        out_shape=jax.ShapeDtypeStruct((2, N, 128), jnp.float32),
    )(xw, degp)


def _tc_comb1(agg1, y1r, degp, b1, W2):
    def body(a_ref, y_ref, dp_ref, b1_ref, w2_ref, o_ref):
        dinv = _dinv_from(dp_ref[...])
        a = a_ref[...]
        y = y_ref[...]
        aggf = jnp.concatenate([a[0], a[1]], axis=1)
        yf = jnp.concatenate([y[0], y[1]], axis=1)
        h = jnp.maximum(dinv * (aggf + yf) + b1_ref[...], 0.0)
        xw2 = lax.dot_general(h, w2_ref[...], (((1,), (0,)), ((), ())),
                              precision=lax.Precision.HIGHEST,
                              preferred_element_type=jnp.float32)
        o_ref[...] = dinv * xw2

    return pl.pallas_call(
        body,
        grid=(N // RB,),
        in_specs=[
            pl.BlockSpec((2, RB, 128), lambda i: (0, i, 0)),
            pl.BlockSpec((2, RB, 128), lambda i: (0, i, 0)),
            pl.BlockSpec((2, RB, 16), lambda i: (0, i, 0)),
            pl.BlockSpec((1, HID), lambda i: (0, 0)),
            pl.BlockSpec((HID, NCLS), lambda i: (0, 0)),
        ],
        out_specs=pl.BlockSpec((RB, NCLS), lambda i: (i, 0)),
        out_shape=jax.ShapeDtypeStruct((ROWS, NCLS), jnp.float32),
    )(agg1, y1r, degp, b1.reshape(1, HID), W2)


def _tc_final(agg2, y2, degp, b2):
    def body(a_ref, y_ref, dp_ref, b2_ref, o_ref):
        dinv = _dinv_from(dp_ref[...])
        a = a_ref[...]
        o = dinv * (a[0] + a[1] + y_ref[...]) + b2_ref[...]
        m = jnp.max(o, axis=1, keepdims=True)
        e = jnp.exp(o - m)
        ssum = jnp.sum(e, axis=1, keepdims=True)
        o_ref[...] = (o - m) - jnp.log(ssum)

    return pl.pallas_call(
        body,
        grid=(N // RB,),
        in_specs=[
            pl.BlockSpec((2, RB, 16), lambda i: (0, i, 0)),
            pl.BlockSpec((RB, NCLS), lambda i: (i, 0)),
            pl.BlockSpec((2, RB, 16), lambda i: (0, i, 0)),
            pl.BlockSpec((1, NCLS), lambda i: (0, 0)),
        ],
        out_specs=pl.BlockSpec((RB, NCLS), lambda i: (i, 0)),
        out_shape=jax.ShapeDtypeStruct((N, NCLS), jnp.float32),
    )(agg2, y2, degp, b2.reshape(1, NCLS))


def _tc_pack(ei):
    def body(e_ref, o_ref):
        e = e_ref[...]
        o_ref[...] = e[0] | (e[1] << 14)

    return pl.pallas_call(
        body,
        in_specs=[pl.BlockSpec((2, E // 128, 128), lambda: (0, 0, 0))],
        out_specs=pl.BlockSpec((E // 128, 128), lambda: (0, 0)),
        out_shape=jax.ShapeDtypeStruct((E // 128, 128), jnp.int32),
    )(ei)


def kernel(x, edge_index, W1, b1, W2, b2):
    ei = edge_index.astype(jnp.int32).reshape(2, E // 128, 128)
    pad = EPAD - E
    padr = jnp.arange(pad, dtype=jnp.int32)
    pad_pk = (padr % N) | ((N + padr % (ROWS - N)) << 14)
    packed = jnp.concatenate([_tc_pack(ei).reshape(E), pad_pk])
    pkA = packed.reshape(NT, NC1, CK)
    pkB = packed.reshape(NSC * NT, NC2, CK)
    dstd = jnp.concatenate([ei.reshape(2, E)[1], N + padr % (ROWS - N)])
    dstB = dstd.reshape(NSC * NT, NC2, CK)
    z = jnp.zeros((ROWS // NT, 128), jnp.float32)
    z16 = jnp.zeros((ROWS // NT, 16), jnp.float32)

    degp = _sc_deg(dstB, z16)
    xw = _tc_xw(x, W1)
    y1r = _tc_scale(xw.reshape(NSC, N, 128), degp)
    y1 = y1r.reshape(2 * N, 128)
    agg1 = _sc_agg1(pkA, y1, z)
    y2 = _tc_comb1(agg1, y1r, degp, b1, W2)
    agg2 = _sc_agg2(pkB, y2, z16)
    return _tc_final(agg2, y2, degp, b2)

# --- scband reference (transcript-rebuilt; emitter-appended) ---
"""Pipeline reference for scband-net-5686536700029 (READ-ONLY COPY).

The authoritative reference and input builder live on the scoring server;
editing this copy changes nothing except your own understanding.
"""

import jax, jax.numpy as jnp
import numpy as np

N_NODES = 10000
N_EDGES = 160000
IN_CH = 256
HID_CH = 256
NUM_CLASSES = 16


def gcn_conv(x, edge_index, W, b, num_nodes):
    # GCNConv: x' = D^{-1/2} (A + I) D^{-1/2} X W + b
    src = edge_index[0]
    dst = edge_index[1]
    loop = jnp.arange(num_nodes, dtype=edge_index.dtype)
    src = jnp.concatenate([src, loop], axis=0)
    dst = jnp.concatenate([dst, loop], axis=0)
    deg = jnp.zeros((num_nodes,), dtype=x.dtype).at[dst].add(1.0)
    deg_inv_sqrt = jnp.where(deg > 0, 1.0 / jnp.sqrt(jnp.clip(deg, 1.0)), 0.0)
    norm = deg_inv_sqrt[src] * deg_inv_sqrt[dst]
    xw = x @ W
    msg = xw[src] * norm[:, None]
    out = jnp.zeros((num_nodes, W.shape[1]), dtype=x.dtype).at[dst].add(msg)
    return out + b


def setup_inputs(seed: int = 0) -> dict:
    key = jax.random.key(seed)
    k_x, k_e, k_w1, k_w2 = jax.random.split(key, 4)
    x = jax.random.normal(k_x, (N_NODES, IN_CH), dtype=jnp.float32)
    edge_index = jax.random.randint(k_e, (2, N_EDGES), 0, N_NODES, dtype=jnp.int64)
    W1 = jax.random.normal(k_w1, (IN_CH, HID_CH), dtype=jnp.float32) * (1.0 / np.sqrt(IN_CH))
    b1 = jnp.zeros((HID_CH,), dtype=jnp.float32)
    W2 = jax.random.normal(k_w2, (HID_CH, NUM_CLASSES), dtype=jnp.float32) * (1.0 / np.sqrt(HID_CH))
    b2 = jnp.zeros((NUM_CLASSES,), dtype=jnp.float32)
    return {"x": x, "edge_index": edge_index, "W1": W1, "b1": b1, "W2": W2, "b2": b2}


def reference(x, edge_index, W1, b1, W2, b2):
    h = gcn_conv(x, edge_index, W1, b1, N_NODES)
    h = jax.nn.relu(h)
    out = gcn_conv(h, edge_index, W2, b2, N_NODES)
    return jax.nn.log_softmax(out, axis=1)

if __name__ == "__main__":
    import jax
    _d = setup_inputs()
    print(jax.jit(kernel)(*tuple(_d.values())))

</pallas_src>

<mosaic_0001>
#map = affine_map<(d0, d1) -> (0, 0, 0)>
#map1 = affine_map<(d0, d1) -> (0, 0)>
module attributes {stable_mosaic.version = 14 : i64} {
  func.func @k(%arg0: i32, %arg1: i32, %arg2: memref<32x40x128xi32, #tpu.memory_space<hbm>>, %arg3: memref<640x16xf32, #tpu.memory_space<hbm>>, %arg4: memref<2x10240x16xf32, #tpu.memory_space<hbm>>, %arg5: memref<40x128xi32, #tpu.memory_space<vmem>>, %arg6: memref<128x16xf32, #tpu.memory_space<vmem>>, %arg7: memref<10240x16xf32, #tpu.memory_space<vmem_shared>>, %arg8: memref<!tpu.dma_semaphore, #tpu.memory_space<semaphore_mem>>, %arg9: memref<!tpu.dma_semaphore, #tpu.memory_space<semaphore_mem>>, %arg10: memref<!tpu.dma_semaphore, #tpu.memory_space<semaphore_mem>>, %arg11: memref<!tpu.dma_semaphore, #tpu.memory_space<semaphore_mem>>) attributes {dimension_semantics = [#tpu.dimension_semantics<core_parallel>, #tpu.dimension_semantics<subcore_parallel>], iteration_bounds = array<i64: 2, 16>, scalar_prefetch = 0 : i64, scratch_operands = 7 : i64, tpu.core_type = #tpu.core_type<sc_vector_subcore>, window_params = [{transform_indices = #map}, {transform_indices = #map1}, {transform_indices = #map}]} {
    %mul3A = arith.constant 16 : i32
    %mul3A_0 = arith.muli %arg0, %mul3A : i32
    %add3A = arith.addi %mul3A_0, %arg1 : i32
    %scan3A = arith.constant 0 : i32
    %scan3A_1 = arith.constant 0 : i32
    %scan3A_2 = arith.constant 128 : i32
    %scan3A_3 = arith.addi %scan3A_1, %scan3A_2 : i32
    %scan3A_4 = arith.constant 1 : i32
    %scan3A_5 = scf.for %scan3A_21 = %scan3A_1 to %scan3A_3 step %scan3A_4 iter_args(%scan3A_22 = %scan3A) -> (i32)  : i32 {
      %broadcast_in_dim3A = arith.constant 1.000000e+00 : f32
      %broadcast_in_dim3A_23 = vector.broadcast %broadcast_in_dim3A : f32 to vector<16xf32>
      %swap3A = arith.index_cast %scan3A_21 : i32 to index
      %swap3A_24 = arith.constant 0 : index
      %swap3A_25 = tpu.vector_load %arg6[%swap3A, %swap3A_24] {strides = array<i32>} : memref<128x16xf32, #tpu.memory_space<vmem>>, vector<1x16xf32>,
      %swap3A_26 = vector.shape_cast %swap3A_25 : vector<1x16xf32> to vector<16xf32>
      %swap3A_27 = vector.shape_cast %broadcast_in_dim3A_23 : vector<16xf32> to vector<1x16xf32>
      tpu.vector_store %arg6[%swap3A, %swap3A_24], %swap3A_27 {strides = array<i32>} : memref<128x16xf32, #tpu.memory_space<vmem>>, vector<1x16xf32>,
      %scan3A_28 = arith.constant 0 : i32
      scf.yield %scan3A_28 : i32
    }
    %scan3A_6 = arith.constant 128 : i32
    %mul3A_7 = arith.constant 640 : i32
    %mul3A_8 = arith.muli %arg1, %mul3A_7 : i32
    "tpu.region"() ({
      %run_scoped3A = tpu.sem_alloc : memref<!tpu.dma_semaphore, #tpu.memory_space<semaphore_mem>>
      %dma_start3A = arith.constant 0 : i32
      %dma_start3A_21 = tpu.memref_slice %arg7[%mul3A_8, %dma_start3A] : memref<10240x16xf32, #tpu.memory_space<vmem_shared>> -> memref<640x16xf32, #tpu.memory_space<vmem_shared>>
      tpu.enqueue_dma source(%arg3 : memref<640x16xf32, #tpu.memory_space<hbm>>) target(%dma_start3A_21 : memref<640x16xf32, #tpu.memory_space<vmem_shared>>) target_semaphore(%run_scoped3A : memref<!tpu.dma_semaphore, #tpu.memory_space<semaphore_mem>>)
      %dma_wait3A = arith.constant 0 : i32
      %dma_wait3A_22 = tpu.memref_slice %arg7[%mul3A_8, %dma_wait3A] : memref<10240x16xf32, #tpu.memory_space<vmem_shared>> -> memref<640x16xf32, #tpu.memory_space<vmem_shared>>
      tpu.wait_dma2 semaphore(%run_scoped3A : memref<!tpu.dma_semaphore, #tpu.memory_space<semaphore_mem>>) src(%arg3 : memref<640x16xf32, #tpu.memory_space<hbm>>) dst(%dma_wait3A_22 : memref<640x16xf32, #tpu.memory_space<vmem_shared>>)
      tpu.yield
    }) : () -> ()
    "tpu.region"() ({
      %run_scoped3A = tpu.sem_alloc : memref<!tpu.dma_semaphore, #tpu.memory_space<semaphore_mem>>
      %dma_start3A = arith.constant 0 : i32
      %dma_start3A_21 = arith.constant 0 : i32
      %dma_start3A_22 = tpu.memref_slice %arg2[%add3A, %dma_start3A, %dma_start3A_21] : memref<32x40x128xi32, #tpu.memory_space<hbm>> -> memref<1x40x128xi32, #tpu.memory_space<hbm>>
      %dma_start3A_23 = tpu.memref_squeeze %dma_start3A_22 : memref<1x40x128xi32, #tpu.memory_space<hbm>> -> memref<40x128xi32, #tpu.memory_space<hbm>>
      %dma_start3A_24 = arith.constant 0 : i32
      %dma_start3A_25 = arith.constant 0 : i32
      %dma_start3A_26 = tpu.memref_slice %arg2[%add3A, %dma_start3A_24, %dma_start3A_25] : memref<32x40x128xi32, #tpu.memory_space<hbm>> -> memref<1x40x128xi32, #tpu.memory_space<hbm>>
      %dma_start3A_27 = tpu.memref_squeeze %dma_start3A_26 : memref<1x40x128xi32, #tpu.memory_space<hbm>> -> memref<40x128xi32, #tpu.memory_space<hbm>>
      tpu.enqueue_dma source(%dma_start3A_27 : memref<40x128xi32, #tpu.memory_space<hbm>>) target(%arg5 : memref<40x128xi32, #tpu.memory_space<vmem>>) target_semaphore(%run_scoped3A : memref<!tpu.dma_semaphore, #tpu.memory_space<semaphore_mem>>)
      %dma_wait3A = arith.constant 0 : i32
      %dma_wait3A_28 = arith.constant 0 : i32
      %dma_wait3A_29 = tpu.memref_slice %arg2[%add3A, %dma_wait3A, %dma_wait3A_28] : memref<32x40x128xi32, #tpu.memory_space<hbm>> -> memref<1x40x128xi32, #tpu.memory_space<hbm>>
      %dma_wait3A_30 = tpu.memref_squeeze %dma_wait3A_29 : memref<1x40x128xi32, #tpu.memory_space<hbm>> -> memref<40x128xi32, #tpu.memory_space<hbm>>
      %dma_wait3A_31 = arith.constant 0 : i32
      %dma_wait3A_32 = arith.constant 0 : i32
      %dma_wait3A_33 = tpu.memref_slice %arg2[%add3A, %dma_wait3A_31, %dma_wait3A_32] : memref<32x40x128xi32, #tpu.memory_space<hbm>> -> memref<1x40x128xi32, #tpu.memory_space<hbm>>
      %dma_wait3A_34 = tpu.memref_squeeze %dma_wait3A_33 : memref<1x40x128xi32, #tpu.memory_space<hbm>> -> memref<40x128xi32, #tpu.memory_space<hbm>>
      tpu.wait_dma2 semaphore(%run_scoped3A : memref<!tpu.dma_semaphore, #tpu.memory_space<semaphore_mem>>) src(%dma_wait3A_34 : memref<40x128xi32, #tpu.memory_space<hbm>>) dst(%arg5 : memref<40x128xi32, #tpu.memory_space<vmem>>)
      tpu.yield
    }) : () -> ()
    %barrier3A = arith.constant 0 : index
    tpu.barrier barrier_id(%barrier3A)
    %scan3A_9 = arith.constant 0 : i32
    %scan3A_10 = arith.constant 0 : i32
    %scan3A_11 = arith.constant 10 : i32
    %scan3A_12 = arith.addi %scan3A_10, %scan3A_11 : i32
    %scan3A_13 = arith.constant 1 : i32
    %scan3A_14 = scf.for %scan3A_21 = %scan3A_10 to %scan3A_12 step %scan3A_13 iter_args(%scan3A_22 = %scan3A_9) -> (i32)  : i32 {
      %mul3A_23 = arith.constant 4 : i32
      %mul3A_24 = arith.muli %scan3A_21, %mul3A_23 : i32
      %add3A_25 = arith.constant 0 : i32
      %add3A_26 = arith.addi %mul3A_24, %add3A_25 : i32
      %dma_start3A = arith.constant 0 : i32
      %dma_start3A_27 = tpu.memref_slice %arg5[%add3A_26, %dma_start3A] : memref<40x128xi32, #tpu.memory_space<vmem>> -> memref<1x128xi32, #tpu.memory_space<vmem>>
      %dma_start3A_28 = tpu.memref_squeeze %dma_start3A_27 : memref<1x128xi32, #tpu.memory_space<vmem>> -> memref<128xi32, #tpu.memory_space<vmem>>
      %dma_start3A_29 = arith.constant 0 : i32
      %dma_start3A_30 = arith.constant 0 : i32
      %dma_start3A_31 = tpu.memref_slice %arg7[%dma_start3A_29, %dma_start3A_30] : memref<10240x16xf32, #tpu.memory_space<vmem_shared>> -> memref<10240x16xf32, #tpu.memory_space<vmem_shared>>
      tpu.enqueue_indirect_dma source(%arg6 : memref<128x16xf32, #tpu.memory_space<vmem>>) target(%dma_start3A_31 : memref<10240x16xf32, #tpu.memory_space<vmem_shared>>) offsets(%dma_start3A_28 : memref<128xi32, #tpu.memory_space<vmem>>) semaphore(%arg8 : memref<!tpu.dma_semaphore, #tpu.memory_space<semaphore_mem>>) {add = true}
      %add3A_32 = arith.constant 1 : i32
      %add3A_33 = arith.addi %mul3A_24, %add3A_32 : i32
      %dma_start3A_34 = arith.constant 0 : i32
      %dma_start3A_35 = tpu.memref_slice %arg5[%add3A_33, %dma_start3A_34] : memref<40x128xi32, #tpu.memory_space<vmem>> -> memref<1x128xi32, #tpu.memory_space<vmem>>
      %dma_start3A_36 = tpu.memref_squeeze %dma_start3A_35 : memref<1x128xi32, #tpu.memory_space<vmem>> -> memref<128xi32, #tpu.memory_space<vmem>>
      %dma_start3A_37 = arith.constant 0 : i32
      %dma_start3A_38 = arith.constant 0 : i32
      %dma_start3A_39 = tpu.memref_slice %arg7[%dma_start3A_37, %dma_start3A_38] : memref<10240x16xf32, #tpu.memory_space<vmem_shared>> -> memref<10240x16xf32, #tpu.memory_space<vmem_shared>>
      tpu.enqueue_indirect_dma source(%arg6 : memref<128x16xf32, #tpu.memory_space<vmem>>) target(%dma_start3A_39 : memref<10240x16xf32, #tpu.memory_space<vmem_shared>>) offsets(%dma_start3A_36 : memref<128xi32, #tpu.memory_space<vmem>>) semaphore(%arg9 : memref<!tpu.dma_semaphore, #tpu.memory_space<semaphore_mem>>) {add = true}
      %add3A_40 = arith.constant 2 : i32
      %add3A_41 = arith.addi %mul3A_24, %add3A_40 : i32
      %dma_start3A_42 = arith.constant 0 : i32
      %dma_start3A_43 = tpu.memref_slice %arg5[%add3A_41, %dma_start3A_42] : memref<40x128xi32, #tpu.memory_space<vmem>> -> memref<1x128xi32, #tpu.memory_space<vmem>>
      %dma_start3A_44 = tpu.memref_squeeze %dma_start3A_43 : memref<1x128xi32, #tpu.memory_space<vmem>> -> memref<128xi32, #tpu.memory_space<vmem>>
      %dma_start3A_45 = arith.constant 0 : i32
      %dma_start3A_46 = arith.constant 0 : i32
      %dma_start3A_47 = tpu.memref_slice %arg7[%dma_start3A_45, %dma_start3A_46] : memref<10240x16xf32, #tpu.memory_space<vmem_shared>> -> memref<10240x16xf32, #tpu.memory_space<vmem_shared>>
      tpu.enqueue_indirect_dma source(%arg6 : memref<128x16xf32, #tpu.memory_space<vmem>>) target(%dma_start3A_47 : memref<10240x16xf32, #tpu.memory_space<vmem_shared>>) offsets(%dma_start3A_44 : memref<128xi32, #tpu.memory_space<vmem>>) semaphore(%arg10 : memref<!tpu.dma_semaphore, #tpu.memory_space<semaphore_mem>>) {add = true}
      %add3A_48 = arith.constant 3 : i32
      %add3A_49 = arith.addi %mul3A_24, %add3A_48 : i32
      %dma_start3A_50 = arith.constant 0 : i32
      %dma_start3A_51 = tpu.memref_slice %arg5[%add3A_49, %dma_start3A_50] : memref<40x128xi32, #tpu.memory_space<vmem>> -> memref<1x128xi32, #tpu.memory_space<vmem>>
      %dma_start3A_52 = tpu.memref_squeeze %dma_start3A_51 : memref<1x128xi32, #tpu.memory_space<vmem>> -> memref<128xi32, #tpu.memory_space<vmem>>
      %dma_start3A_53 = arith.constant 0 : i32
      %dma_start3A_54 = arith.constant 0 : i32
      %dma_start3A_55 = tpu.memref_slice %arg7[%dma_start3A_53, %dma_start3A_54] : memref<10240x16xf32, #tpu.memory_space<vmem_shared>> -> memref<10240x16xf32, #tpu.memory_space<vmem_shared>>
      tpu.enqueue_indirect_dma source(%arg6 : memref<128x16xf32, #tpu.memory_space<vmem>>) target(%dma_start3A_55 : memref<10240x16xf32, #tpu.memory_space<vmem_shared>>) offsets(%dma_start3A_52 : memref<128xi32, #tpu.memory_space<vmem>>) semaphore(%arg11 : memref<!tpu.dma_semaphore, #tpu.memory_space<semaphore_mem>>) {add = true}
      %dma_wait3A = arith.constant 0 : i32
      %dma_wait3A_56 = tpu.memref_slice %arg5[%add3A_26, %dma_wait3A] : memref<40x128xi32, #tpu.memory_space<vmem>> -> memref<1x128xi32, #tpu.memory_space<vmem>>
      %dma_wait3A_57 = tpu.memref_squeeze %dma_wait3A_56 : memref<1x128xi32, #tpu.memory_space<vmem>> -> memref<128xi32, #tpu.memory_space<vmem>>
      %dma_wait3A_58 = arith.constant 0 : i32
      %dma_wait3A_59 = arith.constant 0 : i32
      %dma_wait3A_60 = tpu.memref_slice %arg7[%dma_wait3A_58, %dma_wait3A_59] : memref<10240x16xf32, #tpu.memory_space<vmem_shared>> -> memref<10240x16xf32, #tpu.memory_space<vmem_shared>>
      tpu.wait_indirect_dma semaphore(%arg8 : memref<!tpu.dma_semaphore, #tpu.memory_space<semaphore_mem>>) src(%arg6 : memref<128x16xf32, #tpu.memory_space<vmem>>) dst(%dma_wait3A_60 : memref<10240x16xf32, #tpu.memory_space<vmem_shared>>)
      %dma_wait3A_61 = arith.constant 0 : i32
      %dma_wait3A_62 = tpu.memref_slice %arg5[%add3A_33, %dma_wait3A_61] : memref<40x128xi32, #tpu.memory_space<vmem>> -> memref<1x128xi32, #tpu.memory_space<vmem>>
      %dma_wait3A_63 = tpu.memref_squeeze %dma_wait3A_62 : memref<1x128xi32, #tpu.memory_space<vmem>> -> memref<128xi32, #tpu.memory_space<vmem>>
      %dma_wait3A_64 = arith.constant 0 : i32
      %dma_wait3A_65 = arith.constant 0 : i32
      %dma_wait3A_66 = tpu.memref_slice %arg7[%dma_wait3A_64, %dma_wait3A_65] : memref<10240x16xf32, #tpu.memory_space<vmem_shared>> -> memref<10240x16xf32, #tpu.memory_space<vmem_shared>>
      tpu.wait_indirect_dma semaphore(%arg9 : memref<!tpu.dma_semaphore, #tpu.memory_space<semaphore_mem>>) src(%arg6 : memref<128x16xf32, #tpu.memory_space<vmem>>) dst(%dma_wait3A_66 : memref<10240x16xf32, #tpu.memory_space<vmem_shared>>)
      %dma_wait3A_67 = arith.constant 0 : i32
      %dma_wait3A_68 = tpu.memref_slice %arg5[%add3A_41, %dma_wait3A_67] : memref<40x128xi32, #tpu.memory_space<vmem>> -> memref<1x128xi32, #tpu.memory_space<vmem>>
      %dma_wait3A_69 = tpu.memref_squeeze %dma_wait3A_68 : memref<1x128xi32, #tpu.memory_space<vmem>> -> memref<128xi32, #tpu.memory_space<vmem>>
      %dma_wait3A_70 = arith.constant 0 : i32
      %dma_wait3A_71 = arith.constant 0 : i32
      %dma_wait3A_72 = tpu.memref_slice %arg7[%dma_wait3A_70, %dma_wait3A_71] : memref<10240x16xf32, #tpu.memory_space<vmem_shared>> -> memref<10240x16xf32, #tpu.memory_space<vmem_shared>>
      tpu.wait_indirect_dma semaphore(%arg10 : memref<!tpu.dma_semaphore, #tpu.memory_space<semaphore_mem>>) src(%arg6 : memref<128x16xf32, #tpu.memory_space<vmem>>) dst(%dma_wait3A_72 : memref<10240x16xf32, #tpu.memory_space<vmem_shared>>)
      %dma_wait3A_73 = arith.constant 0 : i32
      %dma_wait3A_74 = tpu.memref_slice %arg5[%add3A_49, %dma_wait3A_73] : memref<40x128xi32, #tpu.memory_space<vmem>> -> memref<1x128xi32, #tpu.memory_space<vmem>>
      %dma_wait3A_75 = tpu.memref_squeeze %dma_wait3A_74 : memref<1x128xi32, #tpu.memory_space<vmem>> -> memref<128xi32, #tpu.memory_space<vmem>>
      %dma_wait3A_76 = arith.constant 0 : i32
      %dma_wait3A_77 = arith.constant 0 : i32
      %dma_wait3A_78 = tpu.memref_slice %arg7[%dma_wait3A_76, %dma_wait3A_77] : memref<10240x16xf32, #tpu.memory_space<vmem_shared>> -> memref<10240x16xf32, #tpu.memory_space<vmem_shared>>
      tpu.wait_indirect_dma semaphore(%arg11 : memref<!tpu.dma_semaphore, #tpu.memory_space<semaphore_mem>>) src(%arg6 : memref<128x16xf32, #tpu.memory_space<vmem>>) dst(%dma_wait3A_78 : memref<10240x16xf32, #tpu.memory_space<vmem_shared>>)
      %scan3A_79 = arith.constant 0 : i32
      scf.yield %scan3A_79 : i32
    }
    %scan3A_15 = arith.constant 10 : i32
    %barrier3A_16 = arith.constant 0 : index
    tpu.barrier barrier_id(%barrier3A_16)
    %mul3A_17 = arith.constant 640 : i32
    %mul3A_18 = arith.muli %arg1, %mul3A_17 : i32
    %mul3A_19 = arith.constant 640 : i32
    %mul3A_20 = arith.muli %arg1, %mul3A_19 : i32
    "tpu.region"() ({
      %run_scoped3A = tpu.sem_alloc : memref<!tpu.dma_semaphore, #tpu.memory_space<semaphore_mem>>
      %dma_start3A = arith.constant 0 : i32
      %dma_start3A_21 = tpu.memref_slice %arg4[%arg0, %mul3A_20, %dma_start3A] : memref<2x10240x16xf32, #tpu.memory_space<hbm>> -> memref<1x640x16xf32, #tpu.memory_space<hbm>>
      %dma_start3A_22 = tpu.memref_squeeze %dma_start3A_21 : memref<1x640x16xf32, #tpu.memory_space<hbm>> -> memref<640x16xf32, #tpu.memory_space<hbm>>
      %dma_start3A_23 = arith.constant 0 : i32
      %dma_start3A_24 = tpu.memref_slice %arg7[%mul3A_18, %dma_start3A_23] : memref<10240x16xf32, #tpu.memory_space<vmem_shared>> -> memref<640x16xf32, #tpu.memory_space<vmem_shared>>
      tpu.enqueue_dma source(%dma_start3A_24 : memref<640x16xf32, #tpu.memory_space<vmem_shared>>) target(%dma_start3A_22 : memref<640x16xf32, #tpu.memory_space<hbm>>) target_semaphore(%run_scoped3A : memref<!tpu.dma_semaphore, #tpu.memory_space<semaphore_mem>>)
      %dma_wait3A = arith.constant 0 : i32
      %dma_wait3A_25 = tpu.memref_slice %arg4[%arg0, %mul3A_20, %dma_wait3A] : memref<2x10240x16xf32, #tpu.memory_space<hbm>> -> memref<1x640x16xf32, #tpu.memory_space<hbm>>
      %dma_wait3A_26 = tpu.memref_squeeze %dma_wait3A_25 : memref<1x640x16xf32, #tpu.memory_space<hbm>> -> memref<640x16xf32, #tpu.memory_space<hbm>>
      %dma_wait3A_27 = arith.constant 0 : i32
      %dma_wait3A_28 = tpu.memref_slice %arg7[%mul3A_18, %dma_wait3A_27] : memref<10240x16xf32, #tpu.memory_space<vmem_shared>> -> memref<640x16xf32, #tpu.memory_space<vmem_shared>>
      tpu.wait_dma2 semaphore(%run_scoped3A : memref<!tpu.dma_semaphore, #tpu.memory_space<semaphore_mem>>) src(%dma_wait3A_28 : memref<640x16xf32, #tpu.memory_space<vmem_shared>>) dst(%dma_wait3A_26 : memref<640x16xf32, #tpu.memory_space<hbm>>)
      tpu.yield
    }) : () -> ()
    return
  }
}

#map = affine_map<(d0, d1) -> (0, 0, 0)>
#map1 = affine_map<(d0, d1) -> (0, 0)>
module attributes {stable_mosaic.version = 14 : i64} {
  func.func @k(%arg0: i32, %arg1: i32, %arg2: memref<32x40x128xi32, #tpu.memory_space<hbm>>, %arg3: memref<10240x16xf32, #tpu.memory_space<hbm>>, %arg4: memref<640x16xf32, #tpu.memory_space<hbm>>, %arg5: memref<2x10240x16xf32, #tpu.memory_space<hbm>>, %arg6: memref<40x128xi32, #tpu.memory_space<vmem>>, %arg7: memref<128xi32, #tpu.memory_space<vmem>>, %arg8: memref<128xi32, #tpu.memory_space<vmem>>, %arg9: memref<128xi32, #tpu.memory_space<vmem>>, %arg10: memref<128xi32, #tpu.memory_space<vmem>>, %arg11: memref<128x16xf32, #tpu.memory_space<vmem>>, %arg12: memref<128x16xf32, #tpu.memory_space<vmem>>, %arg13: memref<10240x16xf32, #tpu.memory_space<vmem_shared>>, %arg14: memref<10240x16xf32, #tpu.memory_space<vmem_shared>>, %arg15: memref<!tpu.dma_semaphore, #tpu.memory_space<semaphore_mem>>, %arg16: memref<!tpu.dma_semaphore, #tpu.memory_space<semaphore_mem>>) attributes {dimension_semantics = [#tpu.dimension_semantics<core_parallel>, #tpu.dimension_semantics<subcore_parallel>], iteration_bounds = array<i64: 2, 16>, scalar_prefetch = 0 : i64, scratch_operands = 11 : i64, tpu.core_type = #tpu.core_type<sc_vector_subcore>, window_params = [{transform_indices = #map}, {transform_indices = #map1}, {transform_indices = #map1}, {transform_indices = #map}]} {
    %mul3A = arith.constant 16 : i32
    %mul3A_0 = arith.muli %arg0, %mul3A : i32
    %add3A = arith.addi %mul3A_0, %arg1 : i32
    %mul3A_1 = arith.constant 640 : i32
    %mul3A_2 = arith.muli %arg1, %mul3A_1 : i32
    "tpu.region"() ({
      %run_scoped3A = tpu.sem_alloc : memref<!tpu.dma_semaphore, #tpu.memory_space<semaphore_mem>>
      %dma_start3A = arith.constant 0 : i32
      %dma_start3A_18 = tpu.memref_slice %arg13[%mul3A_2, %dma_start3A] : memref<10240x16xf32, #tpu.memory_space<vmem_shared>> -> memref<640x16xf32, #tpu.memory_space<vmem_shared>>
      tpu.enqueue_dma source(%arg4 : memref<640x16xf32, #tpu.memory_space<hbm>>) target(%dma_start3A_18 : memref<640x16xf32, #tpu.memory_space<vmem_shared>>) target_semaphore(%run_scoped3A : memref<!tpu.dma_semaphore, #tpu.memory_space<semaphore_mem>>)
      %dma_wait3A = arith.constant 0 : i32
      %dma_wait3A_19 = tpu.memref_slice %arg13[%mul3A_2, %dma_wait3A] : memref<10240x16xf32, #tpu.memory_space<vmem_shared>> -> memref<640x16xf32, #tpu.memory_space<vmem_shared>>
      tpu.wait_dma2 semaphore(%run_scoped3A : memref<!tpu.dma_semaphore, #tpu.memory_space<semaphore_mem>>) src(%arg4 : memref<640x16xf32, #tpu.memory_space<hbm>>) dst(%dma_wait3A_19 : memref<640x16xf32, #tpu.memory_space<vmem_shared>>)
      tpu.yield
    }) : () -> ()
    %mul3A_3 = arith.constant 640 : i32
    %mul3A_4 = arith.muli %arg1, %mul3A_3 : i32
    %mul3A_5 = arith.constant 640 : i32
    %mul3A_6 = arith.muli %arg1, %mul3A_5 : i32
    "tpu.region"() ({
      %run_scoped3A = tpu.sem_alloc : memref<!tpu.dma_semaphore, #tpu.memory_space<semaphore_mem>>
      %dma_start3A = arith.constant 0 : i32
      %dma_start3A_18 = tpu.memref_slice %arg14[%mul3A_6, %dma_start3A] : memref<10240x16xf32, #tpu.memory_space<vmem_shared>> -> memref<640x16xf32, #tpu.memory_space<vmem_shared>>
      %dma_start3A_19 = arith.constant 0 : i32
      %dma_start3A_20 = tpu.memref_slice %arg3[%mul3A_4, %dma_start3A_19] : memref<10240x16xf32, #tpu.memory_space<hbm>> -> memref<640x16xf32, #tpu.memory_space<hbm>>
      tpu.enqueue_dma source(%dma_start3A_20 : memref<640x16xf32, #tpu.memory_space<hbm>>) target(%dma_start3A_18 : memref<640x16xf32, #tpu.memory_space<vmem_shared>>) target_semaphore(%run_scoped3A : memref<!tpu.dma_semaphore, #tpu.memory_space<semaphore_mem>>)
      %dma_wait3A = arith.constant 0 : i32
      %dma_wait3A_21 = tpu.memref_slice %arg14[%mul3A_6, %dma_wait3A] : memref<10240x16xf32, #tpu.memory_space<vmem_shared>> -> memref<640x16xf32, #tpu.memory_space<vmem_shared>>
      %dma_wait3A_22 = arith.constant 0 : i32
      %dma_wait3A_23 = tpu.memref_slice %arg3[%mul3A_4, %dma_wait3A_22] : memref<10240x16xf32, #tpu.memory_space<hbm>> -> memref<640x16xf32, #tpu.memory_space<hbm>>
      tpu.wait_dma2 semaphore(%run_scoped3A : memref<!tpu.dma_semaphore, #tpu.memory_space<semaphore_mem>>) src(%dma_wait3A_23 : memref<640x16xf32, #tpu.memory_space<hbm>>) dst(%dma_wait3A_21 : memref<640x16xf32, #tpu.memory_space<vmem_shared>>)
      tpu.yield
    }) : () -> ()
    "tpu.region"() ({
      %run_scoped3A = tpu.sem_alloc : memref<!tpu.dma_semaphore, #tpu.memory_space<semaphore_mem>>
      %dma_start3A = arith.constant 0 : i32
      %dma_start3A_18 = arith.constant 0 : i32
      %dma_start3A_19 = tpu.memref_slice %arg2[%add3A, %dma_start3A, %dma_start3A_18] : memref<32x40x128xi32, #tpu.memory_space<hbm>> -> memref<1x40x128xi32, #tpu.memory_space<hbm>>
      %dma_start3A_20 = tpu.memref_squeeze %dma_start3A_19 : memref<1x40x128xi32, #tpu.memory_space<hbm>> -> memref<40x128xi32, #tpu.memory_space<hbm>>
      %dma_start3A_21 = arith.constant 0 : i32
      %dma_start3A_22 = arith.constant 0 : i32
      %dma_start3A_23 = tpu.memref_slice %arg2[%add3A, %dma_start3A_21, %dma_start3A_22] : memref<32x40x128xi32, #tpu.memory_space<hbm>> -> memref<1x40x128xi32, #tpu.memory_space<hbm>>
      %dma_start3A_24 = tpu.memref_squeeze %dma_start3A_23 : memref<1x40x128xi32, #tpu.memory_space<hbm>> -> memref<40x128xi32, #tpu.memory_space<hbm>>
      tpu.enqueue_dma source(%dma_start3A_24 : memref<40x128xi32, #tpu.memory_space<hbm>>) target(%arg6 : memref<40x128xi32, #tpu.memory_space<vmem>>) target_semaphore(%run_scoped3A : memref<!tpu.dma_semaphore, #tpu.memory_space<semaphore_mem>>)
      %dma_wait3A = arith.constant 0 : i32
      %dma_wait3A_25 = arith.constant 0 : i32
      %dma_wait3A_26 = tpu.memref_slice %arg2[%add3A, %dma_wait3A, %dma_wait3A_25] : memref<32x40x128xi32, #tpu.memory_space<hbm>> -> memref<1x40x128xi32, #tpu.memory_space<hbm>>
      %dma_wait3A_27 = tpu.memref_squeeze %dma_wait3A_26 : memref<1x40x128xi32, #tpu.memory_space<hbm>> -> memref<40x128xi32, #tpu.memory_space<hbm>>
      %dma_wait3A_28 = arith.constant 0 : i32
      %dma_wait3A_29 = arith.constant 0 : i32
      %dma_wait3A_30 = tpu.memref_slice %arg2[%add3A, %dma_wait3A_28, %dma_wait3A_29] : memref<32x40x128xi32, #tpu.memory_space<hbm>> -> memref<1x40x128xi32, #tpu.memory_space<hbm>>
      %dma_wait3A_31 = tpu.memref_squeeze %dma_wait3A_30 : memref<1x40x128xi32, #tpu.memory_space<hbm>> -> memref<40x128xi32, #tpu.memory_space<hbm>>
      tpu.wait_dma2 semaphore(%run_scoped3A : memref<!tpu.dma_semaphore, #tpu.memory_space<semaphore_mem>>) src(%dma_wait3A_31 : memref<40x128xi32, #tpu.memory_space<hbm>>) dst(%arg6 : memref<40x128xi32, #tpu.memory_space<vmem>>)
      tpu.yield
    }) : () -> ()
    %barrier3A = arith.constant 0 : index
    tpu.barrier barrier_id(%barrier3A)
    %scan3A = arith.constant 0 : i32
    %scan3A_7 = arith.constant 0 : i32
    %scan3A_8 = arith.constant 4 : i32
    %scan3A_9 = arith.addi %scan3A_7, %scan3A_8 : i32
    %scan3A_10 = arith.constant 1 : i32
    %scan3A_11 = scf.for %scan3A_18 = %scan3A_7 to %scan3A_9 step %scan3A_10 iter_args(%scan3A_19 = %scan3A) -> (i32)  : i32 {
      %mul3A_20 = arith.constant 10 : i32
      %mul3A_21 = arith.muli %scan3A_18, %mul3A_20 : i32
      %add3A_22 = arith.constant 0 : i32
      %add3A_23 = arith.addi %mul3A_21, %add3A_22 : i32
      %scan3A_24 = arith.constant 0 : i32
      %scan3A_25 = arith.constant 0 : i32
      %scan3A_26 = arith.constant 8 : i32
      %scan3A_27 = arith.addi %scan3A_25, %scan3A_26 : i32
      %scan3A_28 = arith.constant 1 : i32
      %scan3A_29 = scf.for %scan3A_187 = %scan3A_25 to %scan3A_27 step %scan3A_28 iter_args(%scan3A_188 = %scan3A_24) -> (i32)  : i32 {
        %mul3A_189 = arith.constant 16 : i32
        %mul3A_190 = arith.muli %scan3A_187, %mul3A_189 : i32
        %get3A = arith.index_cast %add3A_23 : i32 to index
        %get3A_191 = arith.index_cast %mul3A_190 : i32 to index
        %get3A_192 = tpu.vector_load %arg6[%get3A, %get3A_191] {strides = array<i32>} : memref<40x128xi32, #tpu.memory_space<vmem>>, vector<1x16xi32>,
        %get3A_193 = vector.shape_cast %get3A_192 : vector<1x16xi32> to vector<16xi32>
        %and3A = arith.constant 16383 : i32
        %and3A_194 = vector.broadcast %and3A : i32 to vector<16xi32>
        %and3A_195 = arith.andi %get3A_193, %and3A_194 : vector<16xi32>
        %mul3A_196 = arith.constant 16 : i32
        %mul3A_197 = arith.muli %scan3A_187, %mul3A_196 : i32
        %swap3A = arith.index_cast %mul3A_197 : i32 to index
        %swap3A_198 = tpu.vector_load %arg7[%swap3A] {strides = array<i32>} : memref<128xi32, #tpu.memory_space<vmem>>, vector<16xi32>,
        %swap3A_199 = vector.shape_cast %swap3A_198 : vector<16xi32> to vector<16xi32>
        %swap3A_200 = vector.shape_cast %and3A_195 : vector<16xi32> to vector<16xi32>
        tpu.vector_store %arg7[%swap3A], %swap3A_200 {strides = array<i32>} : memref<128xi32, #tpu.memory_space<vmem>>, vector<16xi32>,
        %shift_right_arithmetic3A = arith.constant 14 : i32
        %shift_right_arithmetic3A_201 = vector.broadcast %shift_right_arithmetic3A : i32 to vector<16xi32>
        %shift_right_arithmetic3A_202 = arith.shrsi %get3A_193, %shift_right_arithmetic3A_201 : vector<16xi32>
        %mul3A_203 = arith.constant 16 : i32
        %mul3A_204 = arith.muli %scan3A_187, %mul3A_203 : i32
        %swap3A_205 = arith.index_cast %mul3A_204 : i32 to index
        %swap3A_206 = tpu.vector_load %arg9[%swap3A_205] {strides = array<i32>} : memref<128xi32, #tpu.memory_space<vmem>>, vector<16xi32>,
        %swap3A_207 = vector.shape_cast %swap3A_206 : vector<16xi32> to vector<16xi32>
        %swap3A_208 = vector.shape_cast %shift_right_arithmetic3A_202 : vector<16xi32> to vector<16xi32>
        tpu.vector_store %arg9[%swap3A_205], %swap3A_208 {strides = array<i32>} : memref<128xi32, #tpu.memory_space<vmem>>, vector<16xi32>,
        %scan3A_209 = arith.constant 0 : i32
        scf.yield %scan3A_209 : i32
      }
      %scan3A_30 = arith.constant 8 : i32
      %dma_start3A = arith.constant 0 : i32
      %dma_start3A_31 = arith.constant 0 : i32
      %dma_start3A_32 = tpu.memref_slice %arg14[%dma_start3A, %dma_start3A_31] : memref<10240x16xf32, #tpu.memory_space<vmem_shared>> -> memref<10240x16xf32, #tpu.memory_space<vmem_shared>>
      tpu.enqueue_indirect_dma source(%dma_start3A_32 : memref<10240x16xf32, #tpu.memory_space<vmem_shared>>) target(%arg11 : memref<128x16xf32, #tpu.memory_space<vmem>>) offsets(%arg7 : memref<128xi32, #tpu.memory_space<vmem>>) semaphore(%arg15 : memref<!tpu.dma_semaphore, #tpu.memory_space<semaphore_mem>>)
      %add3A_33 = arith.constant 1 : i32
      %add3A_34 = arith.addi %mul3A_21, %add3A_33 : i32
      %scan3A_35 = arith.constant 0 : i32
      %scan3A_36 = arith.constant 0 : i32
      %scan3A_37 = arith.constant 8 : i32
      %scan3A_38 = arith.addi %scan3A_36, %scan3A_37 : i32
      %scan3A_39 = arith.constant 1 : i32
      %scan3A_40 = scf.for %scan3A_187 = %scan3A_36 to %scan3A_38 step %scan3A_39 iter_args(%scan3A_188 = %scan3A_35) -> (i32)  : i32 {
        %mul3A_189 = arith.constant 16 : i32
        %mul3A_190 = arith.muli %scan3A_187, %mul3A_189 : i32
        %get3A = arith.index_cast %add3A_34 : i32 to index
        %get3A_191 = arith.index_cast %mul3A_190 : i32 to index
        %get3A_192 = tpu.vector_load %arg6[%get3A, %get3A_191] {strides = array<i32>} : memref<40x128xi32, #tpu.memory_space<vmem>>, vector<1x16xi32>,
        %get3A_193 = vector.shape_cast %get3A_192 : vector<1x16xi32> to vector<16xi32>
        %and3A = arith.constant 16383 : i32
        %and3A_194 = vector.broadcast %and3A : i32 to vector<16xi32>
        %and3A_195 = arith.andi %get3A_193, %and3A_194 : vector<16xi32>
        %mul3A_196 = arith.constant 16 : i32
        %mul3A_197 = arith.muli %scan3A_187, %mul3A_196 : i32
        %swap3A = arith.index_cast %mul3A_197 : i32 to index
        %swap3A_198 = tpu.vector_load %arg8[%swap3A] {strides = array<i32>} : memref<128xi32, #tpu.memory_space<vmem>>, vector<16xi32>,
        %swap3A_199 = vector.shape_cast %swap3A_198 : vector<16xi32> to vector<16xi32>
        %swap3A_200 = vector.shape_cast %and3A_195 : vector<16xi32> to vector<16xi32>
        tpu.vector_store %arg8[%swap3A], %swap3A_200 {strides = array<i32>} : memref<128xi32, #tpu.memory_space<vmem>>, vector<16xi32>,
        %shift_right_arithmetic3A = arith.constant 14 : i32
        %shift_right_arithmetic3A_201 = vector.broadcast %shift_right_arithmetic3A : i32 to vector<16xi32>
        %shift_right_arithmetic3A_202 = arith.shrsi %get3A_193, %shift_right_arithmetic3A_201 : vector<16xi32>
        %mul3A_203 = arith.constant 16 : i32
        %mul3A_204 = arith.muli %scan3A_187, %mul3A_203 : i32
        %swap3A_205 = arith.index_cast %mul3A_204 : i32 to index
        %swap3A_206 = tpu.vector_load %arg10[%swap3A_205] {strides = array<i32>} : memref<128xi32, #tpu.memory_space<vmem>>, vector<16xi32>,
        %swap3A_207 = vector.shape_cast %swap3A_206 : vector<16xi32> to vector<16xi32>
        %swap3A_208 = vector.shape_cast %shift_right_arithmetic3A_202 : vector<16xi32> to vector<16xi32>
        tpu.vector_store %arg10[%swap3A_205], %swap3A_208 {strides = array<i32>} : memref<128xi32, #tpu.memory_space<vmem>>, vector<16xi32>,
        %scan3A_209 = arith.constant 0 : i32
        scf.yield %scan3A_209 : i32
      }
      %scan3A_41 = arith.constant 8 : i32
      %dma_start3A_42 = arith.constant 0 : i32
      %dma_start3A_43 = arith.constant 0 : i32
      %dma_start3A_44 = tpu.memref_slice %arg14[%dma_start3A_42, %dma_start3A_43] : memref<10240x16xf32, #tpu.memory_space<vmem_shared>> -> memref<10240x16xf32, #tpu.memory_space<vmem_shared>>
      tpu.enqueue_indirect_dma source(%dma_start3A_44 : memref<10240x16xf32, #tpu.memory_space<vmem_shared>>) target(%arg12 : memref<128x16xf32, #tpu.memory_space<vmem>>) offsets(%arg8 : memref<128xi32, #tpu.memory_space<vmem>>) semaphore(%arg16 : memref<!tpu.dma_semaphore, #tpu.memory_space<semaphore_mem>>)
      %dma_wait3A = arith.constant 0 : i32
      %dma_wait3A_45 = arith.constant 0 : i32
      %dma_wait3A_46 = tpu.memref_slice %arg14[%dma_wait3A, %dma_wait3A_45] : memref<10240x16xf32, #tpu.memory_space<vmem_shared>> -> memref<10240x16xf32, #tpu.memory_space<vmem_shared>>
      tpu.wait_indirect_dma semaphore(%arg15 : memref<!tpu.dma_semaphore, #tpu.memory_space<semaphore_mem>>) src(%dma_wait3A_46 : memref<10240x16xf32, #tpu.memory_space<vmem_shared>>) dst(%arg11 : memref<128x16xf32, #tpu.memory_space<vmem>>)
      "tpu.region"() ({
        %run_scoped3A = tpu.sem_alloc : memref<!tpu.dma_semaphore, #tpu.memory_space<semaphore_mem>>
        %dma_start3A_187 = arith.constant 0 : i32
        %dma_start3A_188 = arith.constant 0 : i32
        %dma_start3A_189 = tpu.memref_slice %arg13[%dma_start3A_187, %dma_start3A_188] : memref<10240x16xf32, #tpu.memory_space<vmem_shared>> -> memref<10240x16xf32, #tpu.memory_space<vmem_shared>>
        tpu.enqueue_indirect_dma source(%arg11 : memref<128x16xf32, #tpu.memory_space<vmem>>) target(%dma_start3A_189 : memref<10240x16xf32, #tpu.memory_space<vmem_shared>>) offsets(%arg9 : memref<128xi32, #tpu.memory_space<vmem>>) semaphore(%run_scoped3A : memref<!tpu.dma_semaphore, #tpu.memory_space<semaphore_mem>>) {add = true}
        %dma_wait3A_190 = arith.constant 0 : i32
        %dma_wait3A_191 = arith.constant 0 : i32
        %dma_wait3A_192 = tpu.memref_slice %arg13[%dma_wait3A_190, %dma_wait3A_191] : memref<10240x16xf32, #tpu.memory_space<vmem_shared>> -> memref<10240x16xf32, #tpu.memory_space<vmem_shared>>
        tpu.wait_indirect_dma semaphore(%run_scoped3A : memref<!tpu.dma_semaphore, #tpu.memory_space<semaphore_mem>>) src(%arg11 : memref<128x16xf32, #tpu.memory_space<vmem>>) dst(%dma_wait3A_192 : memref<10240x16xf32, #tpu.memory_space<vmem_shared>>)
        tpu.yield
      }) : () -> ()
      %add3A_47 = arith.constant 0 : i32
      %add3A_48 = arith.addi %mul3A_21, %add3A_47 : i32
      %add3A_49 = arith.constant 2 : i32
      %add3A_50 = arith.addi %add3A_48, %add3A_49 : i32
      %scan3A_51 = arith.constant 0 : i32
      %scan3A_52 = arith.constant 0 : i32
      %scan3A_53 = arith.constant 8 : i32
      %scan3A_54 = arith.addi %scan3A_52, %scan3A_53 : i32
      %scan3A_55 = arith.constant 1 : i32
      %scan3A_56 = scf.for %scan3A_187 = %scan3A_52 to %scan3A_54 step %scan3A_55 iter_args(%scan3A_188 = %scan3A_51) -> (i32)  : i32 {
        %mul3A_189 = arith.constant 16 : i32
        %mul3A_190 = arith.muli %scan3A_187, %mul3A_189 : i32
        %get3A = arith.index_cast %add3A_50 : i32 to index
        %get3A_191 = arith.index_cast %mul3A_190 : i32 to index
        %get3A_192 = tpu.vector_load %arg6[%get3A, %get3A_191] {strides = array<i32>} : memref<40x128xi32, #tpu.memory_space<vmem>>, vector<1x16xi32>,
        %get3A_193 = vector.shape_cast %get3A_192 : vector<1x16xi32> to vector<16xi32>
        %and3A = arith.constant 16383 : i32
        %and3A_194 = vector.broadcast %and3A : i32 to vector<16xi32>
        %and3A_195 = arith.andi %get3A_193, %and3A_194 : vector<16xi32>
        %mul3A_196 = arith.constant 16 : i32
        %mul3A_197 = arith.muli %scan3A_187, %mul3A_196 : i32
        %swap3A = arith.index_cast %mul3A_197 : i32 to index
        %swap3A_198 = tpu.vector_load %arg7[%swap3A] {strides = array<i32>} : memref<128xi32, #tpu.memory_space<vmem>>, vector<16xi32>,
        %swap3A_199 = vector.shape_cast %swap3A_198 : vector<16xi32> to vector<16xi32>
        %swap3A_200 = vector.shape_cast %and3A_195 : vector<16xi32> to vector<16xi32>
        tpu.vector_store %arg7[%swap3A], %swap3A_200 {strides = array<i32>} : memref<128xi32, #tpu.memory_space<vmem>>, vector<16xi32>,
        %shift_right_arithmetic3A = arith.constant 14 : i32
        %shift_right_arithmetic3A_201 = vector.broadcast %shift_right_arithmetic3A : i32 to vector<16xi32>
        %shift_right_arithmetic3A_202 = arith.shrsi %get3A_193, %shift_right_arithmetic3A_201 : vector<16xi32>
        %mul3A_203 = arith.constant 16 : i32
        %mul3A_204 = arith.muli %scan3A_187, %mul3A_203 : i32
        %swap3A_205 = arith.index_cast %mul3A_204 : i32 to index
        %swap3A_206 = tpu.vector_load %arg9[%swap3A_205] {strides = array<i32>} : memref<128xi32, #tpu.memory_space<vmem>>, vector<16xi32>,
        %swap3A_207 = vector.shape_cast %swap3A_206 : vector<16xi32> to vector<16xi32>
        %swap3A_208 = vector.shape_cast %shift_right_arithmetic3A_202 : vector<16xi32> to vector<16xi32>
        tpu.vector_store %arg9[%swap3A_205], %swap3A_208 {strides = array<i32>} : memref<128xi32, #tpu.memory_space<vmem>>, vector<16xi32>,
        %scan3A_209 = arith.constant 0 : i32
        scf.yield %scan3A_209 : i32
      }
      %scan3A_57 = arith.constant 8 : i32
      %dma_start3A_58 = arith.constant 0 : i32
      %dma_start3A_59 = arith.constant 0 : i32
      %dma_start3A_60 = tpu.memref_slice %arg14[%dma_start3A_58, %dma_start3A_59] : memref<10240x16xf32, #tpu.memory_space<vmem_shared>> -> memref<10240x16xf32, #tpu.memory_space<vmem_shared>>
      tpu.enqueue_indirect_dma source(%dma_start3A_60 : memref<10240x16xf32, #tpu.memory_space<vmem_shared>>) target(%arg11 : memref<128x16xf32, #tpu.memory_space<vmem>>) offsets(%arg7 : memref<128xi32, #tpu.memory_space<vmem>>) semaphore(%arg15 : memref<!tpu.dma_semaphore, #tpu.memory_space<semaphore_mem>>)
      %dma_wait3A_61 = arith.constant 0 : i32
      %dma_wait3A_62 = arith.constant 0 : i32
      %dma_wait3A_63 = tpu.memref_slice %arg14[%dma_wait3A_61, %dma_wait3A_62] : memref<10240x16xf32, #tpu.memory_space<vmem_shared>> -> memref<10240x16xf32, #tpu.memory_space<vmem_shared>>
      tpu.wait_indirect_dma semaphore(%arg16 : memref<!tpu.dma_semaphore, #tpu.memory_space<semaphore_mem>>) src(%dma_wait3A_63 : memref<10240x16xf32, #tpu.memory_space<vmem_shared>>) dst(%arg12 : memref<128x16xf32, #tpu.memory_space<vmem>>)
      "tpu.region"() ({
        %run_scoped3A = tpu.sem_alloc : memref<!tpu.dma_semaphore, #tpu.memory_space<semaphore_mem>>
        %dma_start3A_187 = arith.constant 0 : i32
        %dma_start3A_188 = arith.constant 0 : i32
        %dma_start3A_189 = tpu.memref_slice %arg13[%dma_start3A_187, %dma_start3A_188] : memref<10240x16xf32, #tpu.memory_space<vmem_shared>> -> memref<10240x16xf32, #tpu.memory_space<vmem_shared>>
        tpu.enqueue_indirect_dma source(%arg12 : memref<128x16xf32, #tpu.memory_space<vmem>>) target(%dma_start3A_189 : memref<10240x16xf32, #tpu.memory_space<vmem_shared>>) offsets(%arg10 : memref<128xi32, #tpu.memory_space<vmem>>) semaphore(%run_scoped3A : memref<!tpu.dma_semaphore, #tpu.memory_space<semaphore_mem>>) {add = true}
        %dma_wait3A_190 = arith.constant 0 : i32
        %dma_wait3A_191 = arith.constant 0 : i32
        %dma_wait3A_192 = tpu.memref_slice %arg13[%dma_wait3A_190, %dma_wait3A_191] : memref<10240x16xf32, #tpu.memory_space<vmem_shared>> -> memref<10240x16xf32, #tpu.memory_space<vmem_shared>>
        tpu.wait_indirect_dma semaphore(%run_scoped3A : memref<!tpu.dma_semaphore, #tpu.memory_space<semaphore_mem>>) src(%arg12 : memref<128x16xf32, #tpu.memory_space<vmem>>) dst(%dma_wait3A_192 : memref<10240x16xf32, #tpu.memory_space<vmem_shared>>)
        tpu.yield
      }) : () -> ()
      %add3A_64 = arith.constant 1 : i32
      %add3A_65 = arith.addi %mul3A_21, %add3A_64 : i32
      %add3A_66 = arith.constant 2 : i32
      %add3A_67 = arith.addi %add3A_65, %add3A_66 : i32
      %scan3A_68 = arith.constant 0 : i32
      %scan3A_69 = arith.constant 0 : i32
      %scan3A_70 = arith.constant 8 : i32
      %scan3A_71 = arith.addi %scan3A_69, %scan3A_70 : i32
      %scan3A_72 = arith.constant 1 : i32
      %scan3A_73 = scf.for %scan3A_187 = %scan3A_69 to %scan3A_71 step %scan3A_72 iter_args(%scan3A_188 = %scan3A_68) -> (i32)  : i32 {
        %mul3A_189 = arith.constant 16 : i32
        %mul3A_190 = arith.muli %scan3A_187, %mul3A_189 : i32
        %get3A = arith.index_cast %add3A_67 : i32 to index
        %get3A_191 = arith.index_cast %mul3A_190 : i32 to index
        %get3A_192 = tpu.vector_load %arg6[%get3A, %get3A_191] {strides = array<i32>} : memref<40x128xi32, #tpu.memory_space<vmem>>, vector<1x16xi32>,
        %get3A_193 = vector.shape_cast %get3A_192 : vector<1x16xi32> to vector<16xi32>
        %and3A = arith.constant 16383 : i32
        %and3A_194 = vector.broadcast %and3A : i32 to vector<16xi32>
        %and3A_195 = arith.andi %get3A_193, %and3A_194 : vector<16xi32>
        %mul3A_196 = arith.constant 16 : i32
        %mul3A_197 = arith.muli %scan3A_187, %mul3A_196 : i32
        %swap3A = arith.index_cast %mul3A_197 : i32 to index
        %swap3A_198 = tpu.vector_load %arg8[%swap3A] {strides = array<i32>} : memref<128xi32, #tpu.memory_space<vmem>>, vector<16xi32>,
        %swap3A_199 = vector.shape_cast %swap3A_198 : vector<16xi32> to vector<16xi32>
        %swap3A_200 = vector.shape_cast %and3A_195 : vector<16xi32> to vector<16xi32>
        tpu.vector_store %arg8[%swap3A], %swap3A_200 {strides = array<i32>} : memref<128xi32, #tpu.memory_space<vmem>>, vector<16xi32>,
        %shift_right_arithmetic3A = arith.constant 14 : i32
        %shift_right_arithmetic3A_201 = vector.broadcast %shift_right_arithmetic3A : i32 to vector<16xi32>
        %shift_right_arithmetic3A_202 = arith.shrsi %get3A_193, %shift_right_arithmetic3A_201 : vector<16xi32>
        %mul3A_203 = arith.constant 16 : i32
        %mul3A_204 = arith.muli %scan3A_187, %mul3A_203 : i32
        %swap3A_205 = arith.index_cast %mul3A_204 : i32 to index
        %swap3A_206 = tpu.vector_load %arg10[%swap3A_205] {strides = array<i32>} : memref<128xi32, #tpu.memory_space<vmem>>, vector<16xi32>,
        %swap3A_207 = vector.shape_cast %swap3A_206 : vector<16xi32> to vector<16xi32>
        %swap3A_208 = vector.shape_cast %shift_right_arithmetic3A_202 : vector<16xi32> to vector<16xi32>
        tpu.vector_store %arg10[%swap3A_205], %swap3A_208 {strides = array<i32>} : memref<128xi32, #tpu.memory_space<vmem>>, vector<16xi32>,
        %scan3A_209 = arith.constant 0 : i32
        scf.yield %scan3A_209 : i32
      }
      %scan3A_74 = arith.constant 8 : i32
      %dma_start3A_75 = arith.constant 0 : i32
      %dma_start3A_76 = arith.constant 0 : i32
      %dma_start3A_77 = tpu.memref_slice %arg14[%dma_start3A_75, %dma_start3A_76] : memref<10240x16xf32, #tpu.memory_space<vmem_shared>> -> memref<10240x16xf32, #tpu.memory_space<vmem_shared>>
      tpu.enqueue_indirect_dma source(%dma_start3A_77 : memref<10240x16xf32, #tpu.memory_space<vmem_shared>>) target(%arg12 : memref<128x16xf32, #tpu.memory_space<vmem>>) offsets(%arg8 : memref<128xi32, #tpu.memory_space<vmem>>) semaphore(%arg16 : memref<!tpu.dma_semaphore, #tpu.memory_space<semaphore_mem>>)
      %dma_wait3A_78 = arith.constant 0 : i32
      %dma_wait3A_79 = arith.constant 0 : i32
      %dma_wait3A_80 = tpu.memref_slice %arg14[%dma_wait3A_78, %dma_wait3A_79] : memref<10240x16xf32, #tpu.memory_space<vmem_shared>> -> memref<10240x16xf32, #tpu.memory_space<vmem_shared>>
      tpu.wait_indirect_dma semaphore(%arg15 : memref<!tpu.dma_semaphore, #tpu.memory_space<semaphore_mem>>) src(%dma_wait3A_80 : memref<10240x16xf32, #tpu.memory_space<vmem_shared>>) dst(%arg11 : memref<128x16xf32, #tpu.memory_space<vmem>>)
      "tpu.region"() ({
        %run_scoped3A = tpu.sem_alloc : memref<!tpu.dma_semaphore, #tpu.memory_space<semaphore_mem>>
        %dma_start3A_187 = arith.constant 0 : i32
        %dma_start3A_188 = arith.constant 0 : i32
        %dma_start3A_189 = tpu.memref_slice %arg13[%dma_start3A_187, %dma_start3A_188] : memref<10240x16xf32, #tpu.memory_space<vmem_shared>> -> memref<10240x16xf32, #tpu.memory_space<vmem_shared>>
        tpu.enqueue_indirect_dma source(%arg11 : memref<128x16xf32, #tpu.memory_space<vmem>>) target(%dma_start3A_189 : memref<10240x16xf32, #tpu.memory_space<vmem_shared>>) offsets(%arg9 : memref<128xi32, #tpu.memory_space<vmem>>) semaphore(%run_scoped3A : memref<!tpu.dma_semaphore, #tpu.memory_space<semaphore_mem>>) {add = true}
        %dma_wait3A_190 = arith.constant 0 : i32
        %dma_wait3A_191 = arith.constant 0 : i32
        %dma_wait3A_192 = tpu.memref_slice %arg13[%dma_wait3A_190, %dma_wait3A_191] : memref<10240x16xf32, #tpu.memory_space<vmem_shared>> -> memref<10240x16xf32, #tpu.memory_space<vmem_shared>>
        tpu.wait_indirect_dma semaphore(%run_scoped3A : memref<!tpu.dma_semaphore, #tpu.memory_space<semaphore_mem>>) src(%arg11 : memref<128x16xf32, #tpu.memory_space<vmem>>) dst(%dma_wait3A_192 : memref<10240x16xf32, #tpu.memory_space<vmem_shared>>)
        tpu.yield
      }) : () -> ()
      %add3A_81 = arith.constant 2 : i32
      %add3A_82 = arith.addi %mul3A_21, %add3A_81 : i32
      %add3A_83 = arith.constant 2 : i32
      %add3A_84 = arith.addi %add3A_82, %add3A_83 : i32
      %scan3A_85 = arith.constant 0 : i32
      %scan3A_86 = arith.constant 0 : i32
      %scan3A_87 = arith.constant 8 : i32
      %scan3A_88 = arith.addi %scan3A_86, %scan3A_87 : i32
      %scan3A_89 = arith.constant 1 : i32
      %scan3A_90 = scf.for %scan3A_187 = %scan3A_86 to %scan3A_88 step %scan3A_89 iter_args(%scan3A_188 = %scan3A_85) -> (i32)  : i32 {
        %mul3A_189 = arith.constant 16 : i32
        %mul3A_190 = arith.muli %scan3A_187, %mul3A_189 : i32
        %get3A = arith.index_cast %add3A_84 : i32 to index
        %get3A_191 = arith.index_cast %mul3A_190 : i32 to index
        %get3A_192 = tpu.vector_load %arg6[%get3A, %get3A_191] {strides = array<i32>} : memref<40x128xi32, #tpu.memory_space<vmem>>, vector<1x16xi32>,
        %get3A_193 = vector.shape_cast %get3A_192 : vector<1x16xi32> to vector<16xi32>
        %and3A = arith.constant 16383 : i32
        %and3A_194 = vector.broadcast %and3A : i32 to vector<16xi32>
        %and3A_195 = arith.andi %get3A_193, %and3A_194 : vector<16xi32>
        %mul3A_196 = arith.constant 16 : i32
        %mul3A_197 = arith.muli %scan3A_187, %mul3A_196 : i32
        %swap3A = arith.index_cast %mul3A_197 : i32 to index
        %swap3A_198 = tpu.vector_load %arg7[%swap3A] {strides = array<i32>} : memref<128xi32, #tpu.memory_space<vmem>>, vector<16xi32>,
        %swap3A_199 = vector.shape_cast %swap3A_198 : vector<16xi32> to vector<16xi32>
        %swap3A_200 = vector.shape_cast %and3A_195 : vector<16xi32> to vector<16xi32>
        tpu.vector_store %arg7[%swap3A], %swap3A_200 {strides = array<i32>} : memref<128xi32, #tpu.memory_space<vmem>>, vector<16xi32>,
        %shift_right_arithmetic3A = arith.constant 14 : i32
        %shift_right_arithmetic3A_201 = vector.broadcast %shift_right_arithmetic3A : i32 to vector<16xi32>
        %shift_right_arithmetic3A_202 = arith.shrsi %get3A_193, %shift_right_arithmetic3A_201 : vector<16xi32>
        %mul3A_203 = arith.constant 16 : i32
        %mul3A_204 = arith.muli %scan3A_187, %mul3A_203 : i32
        %swap3A_205 = arith.index_cast %mul3A_204 : i32 to index
        %swap3A_206 = tpu.vector_load %arg9[%swap3A_205] {strides = array<i32>} : memref<128xi32, #tpu.memory_space<vmem>>, vector<16xi32>,
        %swap3A_207 = vector.shape_cast %swap3A_206 : vector<16xi32> to vector<16xi32>
        %swap3A_208 = vector.shape_cast %shift_right_arithmetic3A_202 : vector<16xi32> to vector<16xi32>
        tpu.vector_store %arg9[%swap3A_205], %swap3A_208 {strides = array<i32>} : memref<128xi32, #tpu.memory_space<vmem>>, vector<16xi32>,
        %scan3A_209 = arith.constant 0 : i32
        scf.yield %scan3A_209 : i32
      }
      %scan3A_91 = arith.constant 8 : i32
      %dma_start3A_92 = arith.constant 0 : i32
      %dma_start3A_93 = arith.constant 0 : i32
      %dma_start3A_94 = tpu.memref_slice %arg14[%dma_start3A_92, %dma_start3A_93] : memref<10240x16xf32, #tpu.memory_space<vmem_shared>> -> memref<10240x16xf32, #tpu.memory_space<vmem_shared>>
      tpu.enqueue_indirect_dma source(%dma_start3A_94 : memref<10240x16xf32, #tpu.memory_space<vmem_shared>>) target(%arg11 : memref<128x16xf32, #tpu.memory_space<vmem>>) offsets(%arg7 : memref<128xi32, #tpu.memory_space<vmem>>) semaphore(%arg15 : memref<!tpu.dma_semaphore, #tpu.memory_space<semaphore_mem>>)
      %dma_wait3A_95 = arith.constant 0 : i32
      %dma_wait3A_96 = arith.constant 0 : i32
      %dma_wait3A_97 = tpu.memref_slice %arg14[%dma_wait3A_95, %dma_wait3A_96] : memref<10240x16xf32, #tpu.memory_space<vmem_shared>> -> memref<10240x16xf32, #tpu.memory_space<vmem_shared>>
      tpu.wait_indirect_dma semaphore(%arg16 : memref<!tpu.dma_semaphore, #tpu.memory_space<semaphore_mem>>) src(%dma_wait3A_97 : memref<10240x16xf32, #tpu.memory_space<vmem_shared>>) dst(%arg12 : memref<128x16xf32, #tpu.memory_space<vmem>>)
      "tpu.region"() ({
        %run_scoped3A = tpu.sem_alloc : memref<!tpu.dma_semaphore, #tpu.memory_space<semaphore_mem>>
        %dma_start3A_187 = arith.constant 0 : i32
        %dma_start3A_188 = arith.constant 0 : i32
        %dma_start3A_189 = tpu.memref_slice %arg13[%dma_start3A_187, %dma_start3A_188] : memref<10240x16xf32, #tpu.memory_space<vmem_shared>> -> memref<10240x16xf32, #tpu.memory_space<vmem_shared>>
        tpu.enqueue_indirect_dma source(%arg12 : memref<128x16xf32, #tpu.memory_space<vmem>>) target(%dma_start3A_189 : memref<10240x16xf32, #tpu.memory_space<vmem_shared>>) offsets(%arg10 : memref<128xi32, #tpu.memory_space<vmem>>) semaphore(%run_scoped3A : memref<!tpu.dma_semaphore, #tpu.memory_space<semaphore_mem>>) {add = true}
        %dma_wait3A_190 = arith.constant 0 : i32
        %dma_wait3A_191 = arith.constant 0 : i32
        %dma_wait3A_192 = tpu.memref_slice %arg13[%dma_wait3A_190, %dma_wait3A_191] : memref<10240x16xf32, #tpu.memory_space<vmem_shared>> -> memref<10240x16xf32, #tpu.memory_space<vmem_shared>>
        tpu.wait_indirect_dma semaphore(%run_scoped3A : memref<!tpu.dma_semaphore, #tpu.memory_space<semaphore_mem>>) src(%arg12 : memref<128x16xf32, #tpu.memory_space<vmem>>) dst(%dma_wait3A_192 : memref<10240x16xf32, #tpu.memory_space<vmem_shared>>)
        tpu.yield
      }) : () -> ()
      %add3A_98 = arith.constant 3 : i32
      %add3A_99 = arith.addi %mul3A_21, %add3A_98 : i32
      %add3A_100 = arith.constant 2 : i32
      %add3A_101 = arith.addi %add3A_99, %add3A_100 : i32
      %scan3A_102 = arith.constant 0 : i32
      %scan3A_103 = arith.constant 0 : i32
      %scan3A_104 = arith.constant 8 : i32
      %scan3A_105 = arith.addi %scan3A_103, %scan3A_104 : i32
      %scan3A_106 = arith.constant 1 : i32
      %scan3A_107 = scf.for %scan3A_187 = %scan3A_103 to %scan3A_105 step %scan3A_106 iter_args(%scan3A_188 = %scan3A_102) -> (i32)  : i32 {
        %mul3A_189 = arith.constant 16 : i32
        %mul3A_190 = arith.muli %scan3A_187, %mul3A_189 : i32
        %get3A = arith.index_cast %add3A_101 : i32 to index
        %get3A_191 = arith.index_cast %mul3A_190 : i32 to index
        %get3A_192 = tpu.vector_load %arg6[%get3A, %get3A_191] {strides = array<i32>} : memref<40x128xi32, #tpu.memory_space<vmem>>, vector<1x16xi32>,
        %get3A_193 = vector.shape_cast %get3A_192 : vector<1x16xi32> to vector<16xi32>
        %and3A = arith.constant 16383 : i32
        %and3A_194 = vector.broadcast %and3A : i32 to vector<16xi32>
        %and3A_195 = arith.andi %get3A_193, %and3A_194 : vector<16xi32>
        %mul3A_196 = arith.constant 16 : i32
        %mul3A_197 = arith.muli %scan3A_187, %mul3A_196 : i32
        %swap3A = arith.index_cast %mul3A_197 : i32 to index
        %swap3A_198 = tpu.vector_load %arg8[%swap3A] {strides = array<i32>} : memref<128xi32, #tpu.memory_space<vmem>>, vector<16xi32>,
        %swap3A_199 = vector.shape_cast %swap3A_198 : vector<16xi32> to vector<16xi32>
        %swap3A_200 = vector.shape_cast %and3A_195 : vector<16xi32> to vector<16xi32>
        tpu.vector_store %arg8[%swap3A], %swap3A_200 {strides = array<i32>} : memref<128xi32, #tpu.memory_space<vmem>>, vector<16xi32>,
        %shift_right_arithmetic3A = arith.constant 14 : i32
        %shift_right_arithmetic3A_201 = vector.broadcast %shift_right_arithmetic3A : i32 to vector<16xi32>
        %shift_right_arithmetic3A_202 = arith.shrsi %get3A_193, %shift_right_arithmetic3A_201 : vector<16xi32>
        %mul3A_203 = arith.constant 16 : i32
        %mul3A_204 = arith.muli %scan3A_187, %mul3A_203 : i32
        %swap3A_205 = arith.index_cast %mul3A_204 : i32 to index
        %swap3A_206 = tpu.vector_load %arg10[%swap3A_205] {strides = array<i32>} : memref<128xi32, #tpu.memory_space<vmem>>, vector<16xi32>,
        %swap3A_207 = vector.shape_cast %swap3A_206 : vector<16xi32> to vector<16xi32>
        %swap3A_208 = vector.shape_cast %shift_right_arithmetic3A_202 : vector<16xi32> to vector<16xi32>
        tpu.vector_store %arg10[%swap3A_205], %swap3A_208 {strides = array<i32>} : memref<128xi32, #tpu.memory_space<vmem>>, vector<16xi32>,
        %scan3A_209 = arith.constant 0 : i32
        scf.yield %scan3A_209 : i32
      }
      %scan3A_108 = arith.constant 8 : i32
      %dma_start3A_109 = arith.constant 0 : i32
      %dma_start3A_110 = arith.constant 0 : i32
      %dma_start3A_111 = tpu.memref_slice %arg14[%dma_start3A_109, %dma_start3A_110] : memref<10240x16xf32, #tpu.memory_space<vmem_shared>> -> memref<10240x16xf32, #tpu.memory_space<vmem_shared>>
      tpu.enqueue_indirect_dma source(%dma_start3A_111 : memref<10240x16xf32, #tpu.memory_space<vmem_shared>>) target(%arg12 : memref<128x16xf32, #tpu.memory_space<vmem>>) offsets(%arg8 : memref<128xi32, #tpu.memory_space<vmem>>) semaphore(%arg16 : memref<!tpu.dma_semaphore, #tpu.memory_space<semaphore_mem>>)
      %dma_wait3A_112 = arith.constant 0 : i32
      %dma_wait3A_113 = arith.constant 0 : i32
      %dma_wait3A_114 = tpu.memref_slice %arg14[%dma_wait3A_112, %dma_wait3A_113] : memref<10240x16xf32, #tpu.memory_space<vmem_shared>> -> memref<10240x16xf32, #tpu.memory_space<vmem_shared>>
      tpu.wait_indirect_dma semaphore(%arg15 : memref<!tpu.dma_semaphore, #tpu.memory_space<semaphore_mem>>) src(%dma_wait3A_114 : memref<10240x16xf32, #tpu.memory_space<vmem_shared>>) dst(%arg11 : memref<128x16xf32, #tpu.memory_space<vmem>>)
      "tpu.region"() ({
        %run_scoped3A = tpu.sem_alloc : memref<!tpu.dma_semaphore, #tpu.memory_space<semaphore_mem>>
        %dma_start3A_187 = arith.constant 0 : i32
        %dma_start3A_188 = arith.constant 0 : i32
        %dma_start3A_189 = tpu.memref_slice %arg13[%dma_start3A_187, %dma_start3A_188] : memref<10240x16xf32, #tpu.memory_space<vmem_shared>> -> memref<10240x16xf32, #tpu.memory_space<vmem_shared>>
        tpu.enqueue_indirect_dma source(%arg11 : memref<128x16xf32, #tpu.memory_space<vmem>>) target(%dma_start3A_189 : memref<10240x16xf32, #tpu.memory_space<vmem_shared>>) offsets(%arg9 : memref<128xi32, #tpu.memory_space<vmem>>) semaphore(%run_scoped3A : memref<!tpu.dma_semaphore, #tpu.memory_space<semaphore_mem>>) {add = true}
        %dma_wait3A_190 = arith.constant 0 : i32
        %dma_wait3A_191 = arith.constant 0 : i32
        %dma_wait3A_192 = tpu.memref_slice %arg13[%dma_wait3A_190, %dma_wait3A_191] : memref<10240x16xf32, #tpu.memory_space<vmem_shared>> -> memref<10240x16xf32, #tpu.memory_space<vmem_shared>>
        tpu.wait_indirect_dma semaphore(%run_scoped3A : memref<!tpu.dma_semaphore, #tpu.memory_space<semaphore_mem>>) src(%arg11 : memref<128x16xf32, #tpu.memory_space<vmem>>) dst(%dma_wait3A_192 : memref<10240x16xf32, #tpu.memory_space<vmem_shared>>)
        tpu.yield
      }) : () -> ()
      %add3A_115 = arith.constant 4 : i32
      %add3A_116 = arith.addi %mul3A_21, %add3A_115 : i32
      %add3A_117 = arith.constant 2 : i32
      %add3A_118 = arith.addi %add3A_116, %add3A_117 : i32
      %scan3A_119 = arith.constant 0 : i32
      %scan3A_120 = arith.constant 0 : i32
      %scan3A_121 = arith.constant 8 : i32
      %scan3A_122 = arith.addi %scan3A_120, %scan3A_121 : i32
      %scan3A_123 = arith.constant 1 : i32
      %scan3A_124 = scf.for %scan3A_187 = %scan3A_120 to %scan3A_122 step %scan3A_123 iter_args(%scan3A_188 = %scan3A_119) -> (i32)  : i32 {
        %mul3A_189 = arith.constant 16 : i32
        %mul3A_190 = arith.muli %scan3A_187, %mul3A_189 : i32
        %get3A = arith.index_cast %add3A_118 : i32 to index
        %get3A_191 = arith.index_cast %mul3A_190 : i32 to index
        %get3A_192 = tpu.vector_load %arg6[%get3A, %get3A_191] {strides = array<i32>} : memref<40x128xi32, #tpu.memory_space<vmem>>, vector<1x16xi32>,
        %get3A_193 = vector.shape_cast %get3A_192 : vector<1x16xi32> to vector<16xi32>
        %and3A = arith.constant 16383 : i32
        %and3A_194 = vector.broadcast %and3A : i32 to vector<16xi32>
        %and3A_195 = arith.andi %get3A_193, %and3A_194 : vector<16xi32>
        %mul3A_196 = arith.constant 16 : i32
        %mul3A_197 = arith.muli %scan3A_187, %mul3A_196 : i32
        %swap3A = arith.index_cast %mul3A_197 : i32 to index
        %swap3A_198 = tpu.vector_load %arg7[%swap3A] {strides = array<i32>} : memref<128xi32, #tpu.memory_space<vmem>>, vector<16xi32>,
        %swap3A_199 = vector.shape_cast %swap3A_198 : vector<16xi32> to vector<16xi32>
        %swap3A_200 = vector.shape_cast %and3A_195 : vector<16xi32> to vector<16xi32>
        tpu.vector_store %arg7[%swap3A], %swap3A_200 {strides = array<i32>} : memref<128xi32, #tpu.memory_space<vmem>>, vector<16xi32>,
        %shift_right_arithmetic3A = arith.constant 14 : i32
        %shift_right_arithmetic3A_201 = vector.broadcast %shift_right_arithmetic3A : i32 to vector<16xi32>
        %shift_right_arithmetic3A_202 = arith.shrsi %get3A_193, %shift_right_arithmetic3A_201 : vector<16xi32>
        %mul3A_203 = arith.constant 16 : i32
        %mul3A_204 = arith.muli %scan3A_187, %mul3A_203 : i32
        %swap3A_205 = arith.index_cast %mul3A_204 : i32 to index
        %swap3A_206 = tpu.vector_load %arg9[%swap3A_205] {strides = array<i32>} : memref<128xi32, #tpu.memory_space<vmem>>, vector<16xi32>,
        %swap3A_207 = vector.shape_cast %swap3A_206 : vector<16xi32> to vector<16xi32>
        %swap3A_208 = vector.shape_cast %shift_right_arithmetic3A_202 : vector<16xi32> to vector<16xi32>
        tpu.vector_store %arg9[%swap3A_205], %swap3A_208 {strides = array<i32>} : memref<128xi32, #tpu.memory_space<vmem>>, vector<16xi32>,
        %scan3A_209 = arith.constant 0 : i32
        scf.yield %scan3A_209 : i32
      }
      %scan3A_125 = arith.constant 8 : i32
      %dma_start3A_126 = arith.constant 0 : i32
      %dma_start3A_127 = arith.constant 0 : i32
      %dma_start3A_128 = tpu.memref_slice %arg14[%dma_start3A_126, %dma_start3A_127] : memref<10240x16xf32, #tpu.memory_space<vmem_shared>> -> memref<10240x16xf32, #tpu.memory_space<vmem_shared>>
      tpu.enqueue_indirect_dma source(%dma_start3A_128 : memref<10240x16xf32, #tpu.memory_space<vmem_shared>>) target(%arg11 : memref<128x16xf32, #tpu.memory_space<vmem>>) offsets(%arg7 : memref<128xi32, #tpu.memory_space<vmem>>) semaphore(%arg15 : memref<!tpu.dma_semaphore, #tpu.memory_space<semaphore_mem>>)
      %dma_wait3A_129 = arith.constant 0 : i32
      %dma_wait3A_130 = arith.constant 0 : i32
      %dma_wait3A_131 = tpu.memref_slice %arg14[%dma_wait3A_129, %dma_wait3A_130] : memref<10240x16xf32, #tpu.memory_space<vmem_shared>> -> memref<10240x16xf32, #tpu.memory_space<vmem_shared>>
      tpu.wait_indirect_dma semaphore(%arg16 : memref<!tpu.dma_semaphore, #tpu.memory_space<semaphore_mem>>) src(%dma_wait3A_131 : memref<10240x16xf32, #tpu.memory_space<vmem_shared>>) dst(%arg12 : memref<128x16xf32, #tpu.memory_space<vmem>>)
      "tpu.region"() ({
        %run_scoped3A = tpu.sem_alloc : memref<!tpu.dma_semaphore, #tpu.memory_space<semaphore_mem>>
        %dma_start3A_187 = arith.constant 0 : i32
        %dma_start3A_188 = arith.constant 0 : i32
        %dma_start3A_189 = tpu.memref_slice %arg13[%dma_start3A_187, %dma_start3A_188] : memref<10240x16xf32, #tpu.memory_space<vmem_shared>> -> memref<10240x16xf32, #tpu.memory_space<vmem_shared>>
        tpu.enqueue_indirect_dma source(%arg12 : memref<128x16xf32, #tpu.memory_space<vmem>>) target(%dma_start3A_189 : memref<10240x16xf32, #tpu.memory_space<vmem_shared>>) offsets(%arg10 : memref<128xi32, #tpu.memory_space<vmem>>) semaphore(%run_scoped3A : memref<!tpu.dma_semaphore, #tpu.memory_space<semaphore_mem>>) {add = true}
        %dma_wait3A_190 = arith.constant 0 : i32
        %dma_wait3A_191 = arith.constant 0 : i32
        %dma_wait3A_192 = tpu.memref_slice %arg13[%dma_wait3A_190, %dma_wait3A_191] : memref<10240x16xf32, #tpu.memory_space<vmem_shared>> -> memref<10240x16xf32, #tpu.memory_space<vmem_shared>>
        tpu.wait_indirect_dma semaphore(%run_scoped3A : memref<!tpu.dma_semaphore, #tpu.memory_space<semaphore_mem>>) src(%arg12 : memref<128x16xf32, #tpu.memory_space<vmem>>) dst(%dma_wait3A_192 : memref<10240x16xf32, #tpu.memory_space<vmem_shared>>)
        tpu.yield
      }) : () -> ()
      %add3A_132 = arith.constant 5 : i32
      %add3A_133 = arith.addi %mul3A_21, %add3A_132 : i32
      %add3A_134 = arith.constant 2 : i32
      %add3A_135 = arith.addi %add3A_133, %add3A_134 : i32
      %scan3A_136 = arith.constant 0 : i32
      %scan3A_137 = arith.constant 0 : i32
      %scan3A_138 = arith.constant 8 : i32
      %scan3A_139 = arith.addi %scan3A_137, %scan3A_138 : i32
      %scan3A_140 = arith.constant 1 : i32
      %scan3A_141 = scf.for %scan3A_187 = %scan3A_137 to %scan3A_139 step %scan3A_140 iter_args(%scan3A_188 = %scan3A_136) -> (i32)  : i32 {
        %mul3A_189 = arith.constant 16 : i32
        %mul3A_190 = arith.muli %scan3A_187, %mul3A_189 : i32
        %get3A = arith.index_cast %add3A_135 : i32 to index
        %get3A_191 = arith.index_cast %mul3A_190 : i32 to index
        %get3A_192 = tpu.vector_load %arg6[%get3A, %get3A_191] {strides = array<i32>} : memref<40x128xi32, #tpu.memory_space<vmem>>, vector<1x16xi32>,
        %get3A_193 = vector.shape_cast %get3A_192 : vector<1x16xi32> to vector<16xi32>
        %and3A = arith.constant 16383 : i32
        %and3A_194 = vector.broadcast %and3A : i32 to vector<16xi32>
        %and3A_195 = arith.andi %get3A_193, %and3A_194 : vector<16xi32>
        %mul3A_196 = arith.constant 16 : i32
        %mul3A_197 = arith.muli %scan3A_187, %mul3A_196 : i32
        %swap3A = arith.index_cast %mul3A_197 : i32 to index
        %swap3A_198 = tpu.vector_load %arg8[%swap3A] {strides = array<i32>} : memref<128xi32, #tpu.memory_space<vmem>>, vector<16xi32>,
        %swap3A_199 = vector.shape_cast %swap3A_198 : vector<16xi32> to vector<16xi32>
        %swap3A_200 = vector.shape_cast %and3A_195 : vector<16xi32> to vector<16xi32>
        tpu.vector_store %arg8[%swap3A], %swap3A_200 {strides = array<i32>} : memref<128xi32, #tpu.memory_space<vmem>>, vector<16xi32>,
        %shift_right_arithmetic3A = arith.constant 14 : i32
        %shift_right_arithmetic3A_201 = vector.broadcast %shift_right_arithmetic3A : i32 to vector<16xi32>
        %shift_right_arithmetic3A_202 = arith.shrsi %get3A_193, %shift_right_arithmetic3A_201 : vector<16xi32>
        %mul3A_203 = arith.constant 16 : i32
        %mul3A_204 = arith.muli %scan3A_187, %mul3A_203 : i32
        %swap3A_205 = arith.index_cast %mul3A_204 : i32 to index
        %swap3A_206 = tpu.vector_load %arg10[%swap3A_205] {strides = array<i32>} : memref<128xi32, #tpu.memory_space<vmem>>, vector<16xi32>,
        %swap3A_207 = vector.shape_cast %swap3A_206 : vector<16xi32> to vector<16xi32>
        %swap3A_208 = vector.shape_cast %shift_right_arithmetic3A_202 : vector<16xi32> to vector<16xi32>
        tpu.vector_store %arg10[%swap3A_205], %swap3A_208 {strides = array<i32>} : memref<128xi32, #tpu.memory_space<vmem>>, vector<16xi32>,
        %scan3A_209 = arith.constant 0 : i32
        scf.yield %scan3A_209 : i32
      }
      %scan3A_142 = arith.constant 8 : i32
      %dma_start3A_143 = arith.constant 0 : i32
      %dma_start3A_144 = arith.constant 0 : i32
      %dma_start3A_145 = tpu.memref_slice %arg14[%dma_start3A_143, %dma_start3A_144] : memref<10240x16xf32, #tpu.memory_space<vmem_shared>> -> memref<10240x16xf32, #tpu.memory_space<vmem_shared>>
      tpu.enqueue_indirect_dma source(%dma_start3A_145 : memref<10240x16xf32, #tpu.memory_space<vmem_shared>>) target(%arg12 : memref<128x16xf32, #tpu.memory_space<vmem>>) offsets(%arg8 : memref<128xi32, #tpu.memory_space<vmem>>) semaphore(%arg16 : memref<!tpu.dma_semaphore, #tpu.memory_space<semaphore_mem>>)
      %dma_wait3A_146 = arith.constant 0 : i32
      %dma_wait3A_147 = arith.constant 0 : i32
      %dma_wait3A_148 = tpu.memref_slice %arg14[%dma_wait3A_146, %dma_wait3A_147] : memref<10240x16xf32, #tpu.memory_space<vmem_shared>> -> memref<10240x16xf32, #tpu.memory_space<vmem_shared>>
      tpu.wait_indirect_dma semaphore(%arg15 : memref<!tpu.dma_semaphore, #tpu.memory_space<semaphore_mem>>) src(%dma_wait3A_148 : memref<10240x16xf32, #tpu.memory_space<vmem_shared>>) dst(%arg11 : memref<128x16xf32, #tpu.memory_space<vmem>>)
      "tpu.region"() ({
        %run_scoped3A = tpu.sem_alloc : memref<!tpu.dma_semaphore, #tpu.memory_space<semaphore_mem>>
        %dma_start3A_187 = arith.constant 0 : i32
        %dma_start3A_188 = arith.constant 0 : i32
        %dma_start3A_189 = tpu.memref_slice %arg13[%dma_start3A_187, %dma_start3A_188] : memref<10240x16xf32, #tpu.memory_space<vmem_shared>> -> memref<10240x16xf32, #tpu.memory_space<vmem_shared>>
        tpu.enqueue_indirect_dma source(%arg11 : memref<128x16xf32, #tpu.memory_space<vmem>>) target(%dma_start3A_189 : memref<10240x16xf32, #tpu.memory_space<vmem_shared>>) offsets(%arg9 : memref<128xi32, #tpu.memory_space<vmem>>) semaphore(%run_scoped3A : memref<!tpu.dma_semaphore, #tpu.memory_space<semaphore_mem>>) {add = true}
        %dma_wait3A_190 = arith.constant 0 : i32
        %dma_wait3A_191 = arith.constant 0 : i32
        %dma_wait3A_192 = tpu.memref_slice %arg13[%dma_wait3A_190, %dma_wait3A_191] : memref<10240x16xf32, #tpu.memory_space<vmem_shared>> -> memref<10240x16xf32, #tpu.memory_space<vmem_shared>>
        tpu.wait_indirect_dma semaphore(%run_scoped3A : memref<!tpu.dma_semaphore, #tpu.memory_space<semaphore_mem>>) src(%arg11 : memref<128x16xf32, #tpu.memory_space<vmem>>) dst(%dma_wait3A_192 : memref<10240x16xf32, #tpu.memory_space<vmem_shared>>)
        tpu.yield
      }) : () -> ()
      %add3A_149 = arith.constant 6 : i32
      %add3A_150 = arith.addi %mul3A_21, %add3A_149 : i32
      %add3A_151 = arith.constant 2 : i32
      %add3A_152 = arith.addi %add3A_150, %add3A_151 : i32
      %scan3A_153 = arith.constant 0 : i32
      %scan3A_154 = arith.constant 0 : i32
      %scan3A_155 = arith.constant 8 : i32
      %scan3A_156 = arith.addi %scan3A_154, %scan3A_155 : i32
      %scan3A_157 = arith.constant 1 : i32
      %scan3A_158 = scf.for %scan3A_187 = %scan3A_154 to %scan3A_156 step %scan3A_157 iter_args(%scan3A_188 = %scan3A_153) -> (i32)  : i32 {
        %mul3A_189 = arith.constant 16 : i32
        %mul3A_190 = arith.muli %scan3A_187, %mul3A_189 : i32
        %get3A = arith.index_cast %add3A_152 : i32 to index
        %get3A_191 = arith.index_cast %mul3A_190 : i32 to index
        %get3A_192 = tpu.vector_load %arg6[%get3A, %get3A_191] {strides = array<i32>} : memref<40x128xi32, #tpu.memory_space<vmem>>, vector<1x16xi32>,
        %get3A_193 = vector.shape_cast %get3A_192 : vector<1x16xi32> to vector<16xi32>
        %and3A = arith.constant 16383 : i32
        %and3A_194 = vector.broadcast %and3A : i32 to vector<16xi32>
        %and3A_195 = arith.andi %get3A_193, %and3A_194 : vector<16xi32>
        %mul3A_196 = arith.constant 16 : i32
        %mul3A_197 = arith.muli %scan3A_187, %mul3A_196 : i32
        %swap3A = arith.index_cast %mul3A_197 : i32 to index
        %swap3A_198 = tpu.vector_load %arg7[%swap3A] {strides = array<i32>} : memref<128xi32, #tpu.memory_space<vmem>>, vector<16xi32>,
        %swap3A_199 = vector.shape_cast %swap3A_198 : vector<16xi32> to vector<16xi32>
        %swap3A_200 = vector.shape_cast %and3A_195 : vector<16xi32> to vector<16xi32>
        tpu.vector_store %arg7[%swap3A], %swap3A_200 {strides = array<i32>} : memref<128xi32, #tpu.memory_space<vmem>>, vector<16xi32>,
        %shift_right_arithmetic3A = arith.constant 14 : i32
        %shift_right_arithmetic3A_201 = vector.broadcast %shift_right_arithmetic3A : i32 to vector<16xi32>
        %shift_right_arithmetic3A_202 = arith.shrsi %get3A_193, %shift_right_arithmetic3A_201 : vector<16xi32>
        %mul3A_203 = arith.constant 16 : i32
        %mul3A_204 = arith.muli %scan3A_187, %mul3A_203 : i32
        %swap3A_205 = arith.index_cast %mul3A_204 : i32 to index
        %swap3A_206 = tpu.vector_load %arg9[%swap3A_205] {strides = array<i32>} : memref<128xi32, #tpu.memory_space<vmem>>, vector<16xi32>,
        %swap3A_207 = vector.shape_cast %swap3A_206 : vector<16xi32> to vector<16xi32>
        %swap3A_208 = vector.shape_cast %shift_right_arithmetic3A_202 : vector<16xi32> to vector<16xi32>
        tpu.vector_store %arg9[%swap3A_205], %swap3A_208 {strides = array<i32>} : memref<128xi32, #tpu.memory_space<vmem>>, vector<16xi32>,
        %scan3A_209 = arith.constant 0 : i32
        scf.yield %scan3A_209 : i32
      }
      %scan3A_159 = arith.constant 8 : i32
      %dma_start3A_160 = arith.constant 0 : i32
      %dma_start3A_161 = arith.constant 0 : i32
      %dma_start3A_162 = tpu.memref_slice %arg14[%dma_start3A_160, %dma_start3A_161] : memref<10240x16xf32, #tpu.memory_space<vmem_shared>> -> memref<10240x16xf32, #tpu.memory_space<vmem_shared>>
      tpu.enqueue_indirect_dma source(%dma_start3A_162 : memref<10240x16xf32, #tpu.memory_space<vmem_shared>>) target(%arg11 : memref<128x16xf32, #tpu.memory_space<vmem>>) offsets(%arg7 : memref<128xi32, #tpu.memory_space<vmem>>) semaphore(%arg15 : memref<!tpu.dma_semaphore, #tpu.memory_space<semaphore_mem>>)
      %dma_wait3A_163 = arith.constant 0 : i32
      %dma_wait3A_164 = arith.constant 0 : i32
      %dma_wait3A_165 = tpu.memref_slice %arg14[%dma_wait3A_163, %dma_wait3A_164] : memref<10240x16xf32, #tpu.memory_space<vmem_shared>> -> memref<10240x16xf32, #tpu.memory_space<vmem_shared>>
      tpu.wait_indirect_dma semaphore(%arg16 : memref<!tpu.dma_semaphore, #tpu.memory_space<semaphore_mem>>) src(%dma_wait3A_165 : memref<10240x16xf32, #tpu.memory_space<vmem_shared>>) dst(%arg12 : memref<128x16xf32, #tpu.memory_space<vmem>>)
      "tpu.region"() ({
        %run_scoped3A = tpu.sem_alloc : memref<!tpu.dma_semaphore, #tpu.memory_space<semaphore_mem>>
        %dma_start3A_187 = arith.constant 0 : i32
        %dma_start3A_188 = arith.constant 0 : i32
        %dma_start3A_189 = tpu.memref_slice %arg13[%dma_start3A_187, %dma_start3A_188] : memref<10240x16xf32, #tpu.memory_space<vmem_shared>> -> memref<10240x16xf32, #tpu.memory_space<vmem_shared>>
        tpu.enqueue_indirect_dma source(%arg12 : memref<128x16xf32, #tpu.memory_space<vmem>>) target(%dma_start3A_189 : memref<10240x16xf32, #tpu.memory_space<vmem_shared>>) offsets(%arg10 : memref<128xi32, #tpu.memory_space<vmem>>) semaphore(%run_scoped3A : memref<!tpu.dma_semaphore, #tpu.memory_space<semaphore_mem>>) {add = true}
        %dma_wait3A_190 = arith.constant 0 : i32
        %dma_wait3A_191 = arith.constant 0 : i32
        %dma_wait3A_192 = tpu.memref_slice %arg13[%dma_wait3A_190, %dma_wait3A_191] : memref<10240x16xf32, #tpu.memory_space<vmem_shared>> -> memref<10240x16xf32, #tpu.memory_space<vmem_shared>>
        tpu.wait_indirect_dma semaphore(%run_scoped3A : memref<!tpu.dma_semaphore, #tpu.memory_space<semaphore_mem>>) src(%arg12 : memref<128x16xf32, #tpu.memory_space<vmem>>) dst(%dma_wait3A_192 : memref<10240x16xf32, #tpu.memory_space<vmem_shared>>)
        tpu.yield
      }) : () -> ()
      %add3A_166 = arith.constant 7 : i32
      %add3A_167 = arith.addi %mul3A_21, %add3A_166 : i32
      %add3A_168 = arith.constant 2 : i32
      %add3A_169 = arith.addi %add3A_167, %add3A_168 : i32
      %scan3A_170 = arith.constant 0 : i32
      %scan3A_171 = arith.constant 0 : i32
      %scan3A_172 = arith.constant 8 : i32
      %scan3A_173 = arith.addi %scan3A_171, %scan3A_172 : i32
      %scan3A_174 = arith.constant 1 : i32
      %scan3A_175 = scf.for %scan3A_187 = %scan3A_171 to %scan3A_173 step %scan3A_174 iter_args(%scan3A_188 = %scan3A_170) -> (i32)  : i32 {
        %mul3A_189 = arith.constant 16 : i32
        %mul3A_190 = arith.muli %scan3A_187, %mul3A_189 : i32
        %get3A = arith.index_cast %add3A_169 : i32 to index
        %get3A_191 = arith.index_cast %mul3A_190 : i32 to index
        %get3A_192 = tpu.vector_load %arg6[%get3A, %get3A_191] {strides = array<i32>} : memref<40x128xi32, #tpu.memory_space<vmem>>, vector<1x16xi32>,
        %get3A_193 = vector.shape_cast %get3A_192 : vector<1x16xi32> to vector<16xi32>
        %and3A = arith.constant 16383 : i32
        %and3A_194 = vector.broadcast %and3A : i32 to vector<16xi32>
        %and3A_195 = arith.andi %get3A_193, %and3A_194 : vector<16xi32>
        %mul3A_196 = arith.constant 16 : i32
        %mul3A_197 = arith.muli %scan3A_187, %mul3A_196 : i32
        %swap3A = arith.index_cast %mul3A_197 : i32 to index
        %swap3A_198 = tpu.vector_load %arg8[%swap3A] {strides = array<i32>} : memref<128xi32, #tpu.memory_space<vmem>>, vector<16xi32>,
        %swap3A_199 = vector.shape_cast %swap3A_198 : vector<16xi32> to vector<16xi32>
        %swap3A_200 = vector.shape_cast %and3A_195 : vector<16xi32> to vector<16xi32>
        tpu.vector_store %arg8[%swap3A], %swap3A_200 {strides = array<i32>} : memref<128xi32, #tpu.memory_space<vmem>>, vector<16xi32>,
        %shift_right_arithmetic3A = arith.constant 14 : i32
        %shift_right_arithmetic3A_201 = vector.broadcast %shift_right_arithmetic3A : i32 to vector<16xi32>
        %shift_right_arithmetic3A_202 = arith.shrsi %get3A_193, %shift_right_arithmetic3A_201 : vector<16xi32>
        %mul3A_203 = arith.constant 16 : i32
        %mul3A_204 = arith.muli %scan3A_187, %mul3A_203 : i32
        %swap3A_205 = arith.index_cast %mul3A_204 : i32 to index
        %swap3A_206 = tpu.vector_load %arg10[%swap3A_205] {strides = array<i32>} : memref<128xi32, #tpu.memory_space<vmem>>, vector<16xi32>,
        %swap3A_207 = vector.shape_cast %swap3A_206 : vector<16xi32> to vector<16xi32>
        %swap3A_208 = vector.shape_cast %shift_right_arithmetic3A_202 : vector<16xi32> to vector<16xi32>
        tpu.vector_store %arg10[%swap3A_205], %swap3A_208 {strides = array<i32>} : memref<128xi32, #tpu.memory_space<vmem>>, vector<16xi32>,
        %scan3A_209 = arith.constant 0 : i32
        scf.yield %scan3A_209 : i32
      }
      %scan3A_176 = arith.constant 8 : i32
      %dma_start3A_177 = arith.constant 0 : i32
      %dma_start3A_178 = arith.constant 0 : i32
      %dma_start3A_179 = tpu.memref_slice %arg14[%dma_start3A_177, %dma_start3A_178] : memref<10240x16xf32, #tpu.memory_space<vmem_shared>> -> memref<10240x16xf32, #tpu.memory_space<vmem_shared>>
      tpu.enqueue_indirect_dma source(%dma_start3A_179 : memref<10240x16xf32, #tpu.memory_space<vmem_shared>>) target(%arg12 : memref<128x16xf32, #tpu.memory_space<vmem>>) offsets(%arg8 : memref<128xi32, #tpu.memory_space<vmem>>) semaphore(%arg16 : memref<!tpu.dma_semaphore, #tpu.memory_space<semaphore_mem>>)
      %dma_wait3A_180 = arith.constant 0 : i32
      %dma_wait3A_181 = arith.constant 0 : i32
      %dma_wait3A_182 = tpu.memref_slice %arg14[%dma_wait3A_180, %dma_wait3A_181] : memref<10240x16xf32, #tpu.memory_space<vmem_shared>> -> memref<10240x16xf32, #tpu.memory_space<vmem_shared>>
      tpu.wait_indirect_dma semaphore(%arg15 : memref<!tpu.dma_semaphore, #tpu.memory_space<semaphore_mem>>) src(%dma_wait3A_182 : memref<10240x16xf32, #tpu.memory_space<vmem_shared>>) dst(%arg11 : memref<128x16xf32, #tpu.memory_space<vmem>>)
      "tpu.region"() ({
        %run_scoped3A = tpu.sem_alloc : memref<!tpu.dma_semaphore, #tpu.memory_space<semaphore_mem>>
        %dma_start3A_187 = arith.constant 0 : i32
        %dma_start3A_188 = arith.constant 0 : i32
        %dma_start3A_189 = tpu.memref_slice %arg13[%dma_start3A_187, %dma_start3A_188] : memref<10240x16xf32, #tpu.memory_space<vmem_shared>> -> memref<10240x16xf32, #tpu.memory_space<vmem_shared>>
        tpu.enqueue_indirect_dma source(%arg11 : memref<128x16xf32, #tpu.memory_space<vmem>>) target(%dma_start3A_189 : memref<10240x16xf32, #tpu.memory_space<vmem_shared>>) offsets(%arg9 : memref<128xi32, #tpu.memory_space<vmem>>) semaphore(%run_scoped3A : memref<!tpu.dma_semaphore, #tpu.memory_space<semaphore_mem>>) {add = true}
        %dma_wait3A_190 = arith.constant 0 : i32
        %dma_wait3A_191 = arith.constant 0 : i32
        %dma_wait3A_192 = tpu.memref_slice %arg13[%dma_wait3A_190, %dma_wait3A_191] : memref<10240x16xf32, #tpu.memory_space<vmem_shared>> -> memref<10240x16xf32, #tpu.memory_space<vmem_shared>>
        tpu.wait_indirect_dma semaphore(%run_scoped3A : memref<!tpu.dma_semaphore, #tpu.memory_space<semaphore_mem>>) src(%arg11 : memref<128x16xf32, #tpu.memory_space<vmem>>) dst(%dma_wait3A_192 : memref<10240x16xf32, #tpu.memory_space<vmem_shared>>)
        tpu.yield
      }) : () -> ()
      %dma_wait3A_183 = arith.constant 0 : i32
      %dma_wait3A_184 = arith.constant 0 : i32
      %dma_wait3A_185 = tpu.memref_slice %arg14[%dma_wait3A_183, %dma_wait3A_184] : memref<10240x16xf32, #tpu.memory_space<vmem_shared>> -> memref<10240x16xf32, #tpu.memory_space<vmem_shared>>
      tpu.wait_indirect_dma semaphore(%arg16 : memref<!tpu.dma_semaphore, #tpu.memory_space<semaphore_mem>>) src(%dma_wait3A_185 : memref<10240x16xf32, #tpu.memory_space<vmem_shared>>) dst(%arg12 : memref<128x16xf32, #tpu.memory_space<vmem>>)
      "tpu.region"() ({
        %run_scoped3A = tpu.sem_alloc : memref<!tpu.dma_semaphore, #tpu.memory_space<semaphore_mem>>
        %dma_start3A_187 = arith.constant 0 : i32
        %dma_start3A_188 = arith.constant 0 : i32
        %dma_start3A_189 = tpu.memref_slice %arg13[%dma_start3A_187, %dma_start3A_188] : memref<10240x16xf32, #tpu.memory_space<vmem_shared>> -> memref<10240x16xf32, #tpu.memory_space<vmem_shared>>
        tpu.enqueue_indirect_dma source(%arg12 : memref<128x16xf32, #tpu.memory_space<vmem>>) target(%dma_start3A_189 : memref<10240x16xf32, #tpu.memory_space<vmem_shared>>) offsets(%arg10 : memref<128xi32, #tpu.memory_space<vmem>>) semaphore(%run_scoped3A : memref<!tpu.dma_semaphore, #tpu.memory_space<semaphore_mem>>) {add = true}
        %dma_wait3A_190 = arith.constant 0 : i32
        %dma_wait3A_191 = arith.constant 0 : i32
        %dma_wait3A_192 = tpu.memref_slice %arg13[%dma_wait3A_190, %dma_wait3A_191] : memref<10240x16xf32, #tpu.memory_space<vmem_shared>> -> memref<10240x16xf32, #tpu.memory_space<vmem_shared>>
        tpu.wait_indirect_dma semaphore(%run_scoped3A : memref<!tpu.dma_semaphore, #tpu.memory_space<semaphore_mem>>) src(%arg12 : memref<128x16xf32, #tpu.memory_space<vmem>>) dst(%dma_wait3A_192 : memref<10240x16xf32, #tpu.memory_space<vmem_shared>>)
        tpu.yield
      }) : () -> ()
      %scan3A_186 = arith.constant 0 : i32
      scf.yield %scan3A_186 : i32
    }
    %scan3A_12 = arith.constant 4 : i32
    %barrier3A_13 = arith.constant 0 : index
    tpu.barrier barrier_id(%barrier3A_13)
    %mul3A_14 = arith.constant 640 : i32
    %mul3A_15 = arith.muli %arg1, %mul3A_14 : i32
    %mul3A_16 = arith.constant 640 : i32
    %mul3A_17 = arith.muli %arg1, %mul3A_16 : i32
    "tpu.region"() ({
      %run_scoped3A = tpu.sem_alloc : memref<!tpu.dma_semaphore, #tpu.memory_space<semaphore_mem>>
      %dma_start3A = arith.constant 0 : i32
      %dma_start3A_18 = tpu.memref_slice %arg5[%arg0, %mul3A_17, %dma_start3A] : memref<2x10240x16xf32, #tpu.memory_space<hbm>> -> memref<1x640x16xf32, #tpu.memory_space<hbm>>
      %dma_start3A_19 = tpu.memref_squeeze %dma_start3A_18 : memref<1x640x16xf32, #tpu.memory_space<hbm>> -> memref<640x16xf32, #tpu.memory_space<hbm>>
      %dma_start3A_20 = arith.constant 0 : i32
      %dma_start3A_21 = tpu.memref_slice %arg13[%mul3A_15, %dma_start3A_20] : memref<10240x16xf32, #tpu.memory_space<vmem_shared>> -> memref<640x16xf32, #tpu.memory_space<vmem_shared>>
      tpu.enqueue_dma source(%dma_start3A_21 : memref<640x16xf32, #tpu.memory_space<vmem_shared>>) target(%dma_start3A_19 : memref<640x16xf32, #tpu.memory_space<hbm>>) target_semaphore(%run_scoped3A : memref<!tpu.dma_semaphore, #tpu.memory_space<semaphore_mem>>)
      %dma_wait3A = arith.constant 0 : i32
      %dma_wait3A_22 = tpu.memref_slice %arg5[%arg0, %mul3A_17, %dma_wait3A] : memref<2x10240x16xf32, #tpu.memory_space<hbm>> -> memref<1x640x16xf32, #tpu.memory_space<hbm>>
      %dma_wait3A_23 = tpu.memref_squeeze %dma_wait3A_22 : memref<1x640x16xf32, #tpu.memory_space<hbm>> -> memref<640x16xf32, #tpu.memory_space<hbm>>
      %dma_wait3A_24 = arith.constant 0 : i32
      %dma_wait3A_25 = tpu.memref_slice %arg13[%mul3A_15, %dma_wait3A_24] : memref<10240x16xf32, #tpu.memory_space<vmem_shared>> -> memref<640x16xf32, #tpu.memory_space<vmem_shared>>
      tpu.wait_dma2 semaphore(%run_scoped3A : memref<!tpu.dma_semaphore, #tpu.memory_space<semaphore_mem>>) src(%dma_wait3A_25 : memref<640x16xf32, #tpu.memory_space<vmem_shared>>) dst(%dma_wait3A_23 : memref<640x16xf32, #tpu.memory_space<hbm>>)
      tpu.yield
    }) : () -> ()
    return
  }
}

#map = affine_map<(d0, d1) -> (0, 0, 0)>
#map1 = affine_map<(d0, d1) -> (0, 0)>
module attributes {stable_mosaic.version = 14 : i64} {
  func.func @k(%arg0: i32, %arg1: i32, %arg2: memref<16x80x128xi32, #tpu.memory_space<hbm>>, %arg3: memref<20000x128xf32, #tpu.memory_space<hbm>>, %arg4: memref<640x128xf32, #tpu.memory_space<hbm>>, %arg5: memref<2x10240x128xf32, #tpu.memory_space<hbm>>, %arg6: memref<80x128xi32, #tpu.memory_space<vmem>>, %arg7: memref<128xi32, #tpu.memory_space<vmem>>, %arg8: memref<128xi32, #tpu.memory_space<vmem>>, %arg9: memref<128xi32, #tpu.memory_space<vmem>>, %arg10: memref<128xi32, #tpu.memory_space<vmem>>, %arg11: memref<128x128xf32, #tpu.memory_space<vmem>>, %arg12: memref<128x128xf32, #tpu.memory_space<vmem>>, %arg13: memref<10240x128xf32, #tpu.memory_space<vmem_shared>>, %arg14: memref<!tpu.dma_semaphore, #tpu.memory_space<semaphore_mem>>, %arg15: memref<!tpu.dma_semaphore, #tpu.memory_space<semaphore_mem>>) attributes {dimension_semantics = [#tpu.dimension_semantics<core_parallel>, #tpu.dimension_semantics<subcore_parallel>], iteration_bounds = array<i64: 2, 16>, scalar_prefetch = 0 : i64, scratch_operands = 10 : i64, tpu.core_type = #tpu.core_type<sc_vector_subcore>, window_params = [{transform_indices = #map}, {transform_indices = #map1}, {transform_indices = #map1}, {transform_indices = #map}]} {
    %mul3A = arith.constant 10000 : i32
    %mul3A_0 = arith.muli %arg0, %mul3A : i32
    %mul3A_1 = arith.constant 640 : i32
    %mul3A_2 = arith.muli %arg1, %mul3A_1 : i32
    "tpu.region"() ({
      %run_scoped3A = tpu.sem_alloc : memref<!tpu.dma_semaphore, #tpu.memory_space<semaphore_mem>>
      %dma_start3A = arith.constant 0 : i32
      %dma_start3A_14 = tpu.memref_slice %arg13[%mul3A_2, %dma_start3A] : memref<10240x128xf32, #tpu.memory_space<vmem_shared>> -> memref<640x128xf32, #tpu.memory_space<vmem_shared>>
      tpu.enqueue_dma source(%arg4 : memref<640x128xf32, #tpu.memory_space<hbm>>) target(%dma_start3A_14 : memref<640x128xf32, #tpu.memory_space<vmem_shared>>) target_semaphore(%run_scoped3A : memref<!tpu.dma_semaphore, #tpu.memory_space<semaphore_mem>>)
      %dma_wait3A = arith.constant 0 : i32
      %dma_wait3A_15 = tpu.memref_slice %arg13[%mul3A_2, %dma_wait3A] : memref<10240x128xf32, #tpu.memory_space<vmem_shared>> -> memref<640x128xf32, #tpu.memory_space<vmem_shared>>
      tpu.wait_dma2 semaphore(%run_scoped3A : memref<!tpu.dma_semaphore, #tpu.memory_space<semaphore_mem>>) src(%arg4 : memref<640x128xf32, #tpu.memory_space<hbm>>) dst(%dma_wait3A_15 : memref<640x128xf32, #tpu.memory_space<vmem_shared>>)
      tpu.yield
    }) : () -> ()
    "tpu.region"() ({
      %run_scoped3A = tpu.sem_alloc : memref<!tpu.dma_semaphore, #tpu.memory_space<semaphore_mem>>
      %dma_start3A = arith.constant 0 : i32
      %dma_start3A_14 = arith.constant 0 : i32
      %dma_start3A_15 = tpu.memref_slice %arg2[%arg1, %dma_start3A, %dma_start3A_14] : memref<16x80x128xi32, #tpu.memory_space<hbm>> -> memref<1x80x128xi32, #tpu.memory_space<hbm>>
      %dma_start3A_16 = tpu.memref_squeeze %dma_start3A_15 : memref<1x80x128xi32, #tpu.memory_space<hbm>> -> memref<80x128xi32, #tpu.memory_space<hbm>>
      %dma_start3A_17 = arith.constant 0 : i32
      %dma_start3A_18 = arith.constant 0 : i32
      %dma_start3A_19 = tpu.memref_slice %arg2[%arg1, %dma_start3A_17, %dma_start3A_18] : memref<16x80x128xi32, #tpu.memory_space<hbm>> -> memref<1x80x128xi32, #tpu.memory_space<hbm>>
      %dma_start3A_20 = tpu.memref_squeeze %dma_start3A_19 : memref<1x80x128xi32, #tpu.memory_space<hbm>> -> memref<80x128xi32, #tpu.memory_space<hbm>>
      tpu.enqueue_dma source(%dma_start3A_20 : memref<80x128xi32, #tpu.memory_space<hbm>>) target(%arg6 : memref<80x128xi32, #tpu.memory_space<vmem>>) target_semaphore(%run_scoped3A : memref<!tpu.dma_semaphore, #tpu.memory_space<semaphore_mem>>)
      %dma_wait3A = arith.constant 0 : i32
      %dma_wait3A_21 = arith.constant 0 : i32
      %dma_wait3A_22 = tpu.memref_slice %arg2[%arg1, %dma_wait3A, %dma_wait3A_21] : memref<16x80x128xi32, #tpu.memory_space<hbm>> -> memref<1x80x128xi32, #tpu.memory_space<hbm>>
      %dma_wait3A_23 = tpu.memref_squeeze %dma_wait3A_22 : memref<1x80x128xi32, #tpu.memory_space<hbm>> -> memref<80x128xi32, #tpu.memory_space<hbm>>
      %dma_wait3A_24 = arith.constant 0 : i32
      %dma_wait3A_25 = arith.constant 0 : i32
      %dma_wait3A_26 = tpu.memref_slice %arg2[%arg1, %dma_wait3A_24, %dma_wait3A_25] : memref<16x80x128xi32, #tpu.memory_space<hbm>> -> memref<1x80x128xi32, #tpu.memory_space<hbm>>
      %dma_wait3A_27 = tpu.memref_squeeze %dma_wait3A_26 : memref<1x80x128xi32, #tpu.memory_space<hbm>> -> memref<80x128xi32, #tpu.memory_space<hbm>>
      tpu.wait_dma2 semaphore(%run_scoped3A : memref<!tpu.dma_semaphore, #tpu.memory_space<semaphore_mem>>) src(%dma_wait3A_27 : memref<80x128xi32, #tpu.memory_space<hbm>>) dst(%arg6 : memref<80x128xi32, #tpu.memory_space<vmem>>)
      tpu.yield
    }) : () -> ()
    %barrier3A = arith.constant 0 : index
    tpu.barrier barrier_id(%barrier3A)
    %scan3A = arith.constant 0 : i32
    %scan3A_3 = arith.constant 0 : i32
    %scan3A_4 = arith.constant 8 : i32
    %scan3A_5 = arith.addi %scan3A_3, %scan3A_4 : i32
    %scan3A_6 = arith.constant 1 : i32
    %scan3A_7 = scf.for %scan3A_14 = %scan3A_3 to %scan3A_5 step %scan3A_6 iter_args(%scan3A_15 = %scan3A) -> (i32)  : i32 {
      %mul3A_16 = arith.constant 10 : i32
      %mul3A_17 = arith.muli %scan3A_14, %mul3A_16 : i32
      %add3A = arith.constant 0 : i32
      %add3A_18 = arith.addi %mul3A_17, %add3A : i32
      %scan3A_19 = arith.constant 0 : i32
      %scan3A_20 = arith.constant 0 : i32
      %scan3A_21 = arith.constant 8 : i32
      %scan3A_22 = arith.addi %scan3A_20, %scan3A_21 : i32
      %scan3A_23 = arith.constant 1 : i32
      %scan3A_24 = scf.for %scan3A_182 = %scan3A_20 to %scan3A_22 step %scan3A_23 iter_args(%scan3A_183 = %scan3A_19) -> (i32)  : i32 {
        %mul3A_184 = arith.constant 16 : i32
        %mul3A_185 = arith.muli %scan3A_182, %mul3A_184 : i32
        %get3A = arith.index_cast %add3A_18 : i32 to index
        %get3A_186 = arith.index_cast %mul3A_185 : i32 to index
        %get3A_187 = tpu.vector_load %arg6[%get3A, %get3A_186] {strides = array<i32>} : memref<80x128xi32, #tpu.memory_space<vmem>>, vector<1x16xi32>,
        %get3A_188 = vector.shape_cast %get3A_187 : vector<1x16xi32> to vector<16xi32>
        %and3A = arith.constant 16383 : i32
        %and3A_189 = vector.broadcast %and3A : i32 to vector<16xi32>
        %and3A_190 = arith.andi %get3A_188, %and3A_189 : vector<16xi32>
        %add3A_191 = vector.broadcast %mul3A_0 : i32 to vector<16xi32>
        %add3A_192 = arith.addi %and3A_190, %add3A_191 : vector<16xi32>
        %mul3A_193 = arith.constant 16 : i32
        %mul3A_194 = arith.muli %scan3A_182, %mul3A_193 : i32
        %swap3A = arith.index_cast %mul3A_194 : i32 to index
        %swap3A_195 = tpu.vector_load %arg7[%swap3A] {strides = array<i32>} : memref<128xi32, #tpu.memory_space<vmem>>, vector<16xi32>,
        %swap3A_196 = vector.shape_cast %swap3A_195 : vector<16xi32> to vector<16xi32>
        %swap3A_197 = vector.shape_cast %add3A_192 : vector<16xi32> to vector<16xi32>
        tpu.vector_store %arg7[%swap3A], %swap3A_197 {strides = array<i32>} : memref<128xi32, #tpu.memory_space<vmem>>, vector<16xi32>,
        %shift_right_arithmetic3A = arith.constant 14 : i32
        %shift_right_arithmetic3A_198 = vector.broadcast %shift_right_arithmetic3A : i32 to vector<16xi32>
        %shift_right_arithmetic3A_199 = arith.shrsi %get3A_188, %shift_right_arithmetic3A_198 : vector<16xi32>
        %mul3A_200 = arith.constant 16 : i32
        %mul3A_201 = arith.muli %scan3A_182, %mul3A_200 : i32
        %swap3A_202 = arith.index_cast %mul3A_201 : i32 to index
        %swap3A_203 = tpu.vector_load %arg9[%swap3A_202] {strides = array<i32>} : memref<128xi32, #tpu.memory_space<vmem>>, vector<16xi32>,
        %swap3A_204 = vector.shape_cast %swap3A_203 : vector<16xi32> to vector<16xi32>
        %swap3A_205 = vector.shape_cast %shift_right_arithmetic3A_199 : vector<16xi32> to vector<16xi32>
        tpu.vector_store %arg9[%swap3A_202], %swap3A_205 {strides = array<i32>} : memref<128xi32, #tpu.memory_space<vmem>>, vector<16xi32>,
        %scan3A_206 = arith.constant 0 : i32
        scf.yield %scan3A_206 : i32
      }
      %scan3A_25 = arith.constant 8 : i32
      %dma_start3A = arith.constant 0 : i32
      %dma_start3A_26 = arith.constant 0 : i32
      %dma_start3A_27 = tpu.memref_slice %arg3[%dma_start3A, %dma_start3A_26] : memref<20000x128xf32, #tpu.memory_space<hbm>> -> memref<20000x128xf32, #tpu.memory_space<hbm>>
      tpu.enqueue_indirect_dma source(%dma_start3A_27 : memref<20000x128xf32, #tpu.memory_space<hbm>>) target(%arg11 : memref<128x128xf32, #tpu.memory_space<vmem>>) offsets(%arg7 : memref<128xi32, #tpu.memory_space<vmem>>) semaphore(%arg14 : memref<!tpu.dma_semaphore, #tpu.memory_space<semaphore_mem>>)
      %add3A_28 = arith.constant 1 : i32
      %add3A_29 = arith.addi %mul3A_17, %add3A_28 : i32
      %scan3A_30 = arith.constant 0 : i32
      %scan3A_31 = arith.constant 0 : i32
      %scan3A_32 = arith.constant 8 : i32
      %scan3A_33 = arith.addi %scan3A_31, %scan3A_32 : i32
      %scan3A_34 = arith.constant 1 : i32
      %scan3A_35 = scf.for %scan3A_182 = %scan3A_31 to %scan3A_33 step %scan3A_34 iter_args(%scan3A_183 = %scan3A_30) -> (i32)  : i32 {
        %mul3A_184 = arith.constant 16 : i32
        %mul3A_185 = arith.muli %scan3A_182, %mul3A_184 : i32
        %get3A = arith.index_cast %add3A_29 : i32 to index
        %get3A_186 = arith.index_cast %mul3A_185 : i32 to index
        %get3A_187 = tpu.vector_load %arg6[%get3A, %get3A_186] {strides = array<i32>} : memref<80x128xi32, #tpu.memory_space<vmem>>, vector<1x16xi32>,
        %get3A_188 = vector.shape_cast %get3A_187 : vector<1x16xi32> to vector<16xi32>
        %and3A = arith.constant 16383 : i32
        %and3A_189 = vector.broadcast %and3A : i32 to vector<16xi32>
        %and3A_190 = arith.andi %get3A_188, %and3A_189 : vector<16xi32>
        %add3A_191 = vector.broadcast %mul3A_0 : i32 to vector<16xi32>
        %add3A_192 = arith.addi %and3A_190, %add3A_191 : vector<16xi32>
        %mul3A_193 = arith.constant 16 : i32
        %mul3A_194 = arith.muli %scan3A_182, %mul3A_193 : i32
        %swap3A = arith.index_cast %mul3A_194 : i32 to index
        %swap3A_195 = tpu.vector_load %arg8[%swap3A] {strides = array<i32>} : memref<128xi32, #tpu.memory_space<vmem>>, vector<16xi32>,
        %swap3A_196 = vector.shape_cast %swap3A_195 : vector<16xi32> to vector<16xi32>
        %swap3A_197 = vector.shape_cast %add3A_192 : vector<16xi32> to vector<16xi32>
        tpu.vector_store %arg8[%swap3A], %swap3A_197 {strides = array<i32>} : memref<128xi32, #tpu.memory_space<vmem>>, vector<16xi32>,
        %shift_right_arithmetic3A = arith.constant 14 : i32
        %shift_right_arithmetic3A_198 = vector.broadcast %shift_right_arithmetic3A : i32 to vector<16xi32>
        %shift_right_arithmetic3A_199 = arith.shrsi %get3A_188, %shift_right_arithmetic3A_198 : vector<16xi32>
        %mul3A_200 = arith.constant 16 : i32
        %mul3A_201 = arith.muli %scan3A_182, %mul3A_200 : i32
        %swap3A_202 = arith.index_cast %mul3A_201 : i32 to index
        %swap3A_203 = tpu.vector_load %arg10[%swap3A_202] {strides = array<i32>} : memref<128xi32, #tpu.memory_space<vmem>>, vector<16xi32>,
        %swap3A_204 = vector.shape_cast %swap3A_203 : vector<16xi32> to vector<16xi32>
        %swap3A_205 = vector.shape_cast %shift_right_arithmetic3A_199 : vector<16xi32> to vector<16xi32>
        tpu.vector_store %arg10[%swap3A_202], %swap3A_205 {strides = array<i32>} : memref<128xi32, #tpu.memory_space<vmem>>, vector<16xi32>,
        %scan3A_206 = arith.constant 0 : i32
        scf.yield %scan3A_206 : i32
      }
      %scan3A_36 = arith.constant 8 : i32
      %dma_start3A_37 = arith.constant 0 : i32
      %dma_start3A_38 = arith.constant 0 : i32
      %dma_start3A_39 = tpu.memref_slice %arg3[%dma_start3A_37, %dma_start3A_38] : memref<20000x128xf32, #tpu.memory_space<hbm>> -> memref<20000x128xf32, #tpu.memory_space<hbm>>
      tpu.enqueue_indirect_dma source(%dma_start3A_39 : memref<20000x128xf32, #tpu.memory_space<hbm>>) target(%arg12 : memref<128x128xf32, #tpu.memory_space<vmem>>) offsets(%arg8 : memref<128xi32, #tpu.memory_space<vmem>>) semaphore(%arg15 : memref<!tpu.dma_semaphore, #tpu.memory_space<semaphore_mem>>)
      %dma_wait3A = arith.constant 0 : i32
      %dma_wait3A_40 = arith.constant 0 : i32
      %dma_wait3A_41 = tpu.memref_slice %arg3[%dma_wait3A, %dma_wait3A_40] : memref<20000x128xf32, #tpu.memory_space<hbm>> -> memref<20000x128xf32, #tpu.memory_space<hbm>>
      tpu.wait_indirect_dma semaphore(%arg14 : memref<!tpu.dma_semaphore, #tpu.memory_space<semaphore_mem>>) src(%dma_wait3A_41 : memref<20000x128xf32, #tpu.memory_space<hbm>>) dst(%arg11 : memref<128x128xf32, #tpu.memory_space<vmem>>)
      "tpu.region"() ({
        %run_scoped3A = tpu.sem_alloc : memref<!tpu.dma_semaphore, #tpu.memory_space<semaphore_mem>>
        %dma_start3A_182 = arith.constant 0 : i32
        %dma_start3A_183 = arith.constant 0 : i32
        %dma_start3A_184 = tpu.memref_slice %arg13[%dma_start3A_182, %dma_start3A_183] : memref<10240x128xf32, #tpu.memory_space<vmem_shared>> -> memref<10240x128xf32, #tpu.memory_space<vmem_shared>>
        tpu.enqueue_indirect_dma source(%arg11 : memref<128x128xf32, #tpu.memory_space<vmem>>) target(%dma_start3A_184 : memref<10240x128xf32, #tpu.memory_space<vmem_shared>>) offsets(%arg9 : memref<128xi32, #tpu.memory_space<vmem>>) semaphore(%run_scoped3A : memref<!tpu.dma_semaphore, #tpu.memory_space<semaphore_mem>>) {add = true}
        %dma_wait3A_185 = arith.constant 0 : i32
        %dma_wait3A_186 = arith.constant 0 : i32
        %dma_wait3A_187 = tpu.memref_slice %arg13[%dma_wait3A_185, %dma_wait3A_186] : memref<10240x128xf32, #tpu.memory_space<vmem_shared>> -> memref<10240x128xf32, #tpu.memory_space<vmem_shared>>
        tpu.wait_indirect_dma semaphore(%run_scoped3A : memref<!tpu.dma_semaphore, #tpu.memory_space<semaphore_mem>>) src(%arg11 : memref<128x128xf32, #tpu.memory_space<vmem>>) dst(%dma_wait3A_187 : memref<10240x128xf32, #tpu.memory_space<vmem_shared>>)
        tpu.yield
      }) : () -> ()
      %add3A_42 = arith.constant 0 : i32
      %add3A_43 = arith.addi %mul3A_17, %add3A_42 : i32
      %add3A_44 = arith.constant 2 : i32
      %add3A_45 = arith.addi %add3A_43, %add3A_44 : i32
      %scan3A_46 = arith.constant 0 : i32
      %scan3A_47 = arith.constant 0 : i32
      %scan3A_48 = arith.constant 8 : i32
      %scan3A_49 = arith.addi %scan3A_47, %scan3A_48 : i32
      %scan3A_50 = arith.constant 1 : i32
      %scan3A_51 = scf.for %scan3A_182 = %scan3A_47 to %scan3A_49 step %scan3A_50 iter_args(%scan3A_183 = %scan3A_46) -> (i32)  : i32 {
        %mul3A_184 = arith.constant 16 : i32
        %mul3A_185 = arith.muli %scan3A_182, %mul3A_184 : i32
        %get3A = arith.index_cast %add3A_45 : i32 to index
        %get3A_186 = arith.index_cast %mul3A_185 : i32 to index
        %get3A_187 = tpu.vector_load %arg6[%get3A, %get3A_186] {strides = array<i32>} : memref<80x128xi32, #tpu.memory_space<vmem>>, vector<1x16xi32>,
        %get3A_188 = vector.shape_cast %get3A_187 : vector<1x16xi32> to vector<16xi32>
        %and3A = arith.constant 16383 : i32
        %and3A_189 = vector.broadcast %and3A : i32 to vector<16xi32>
        %and3A_190 = arith.andi %get3A_188, %and3A_189 : vector<16xi32>
        %add3A_191 = vector.broadcast %mul3A_0 : i32 to vector<16xi32>
        %add3A_192 = arith.addi %and3A_190, %add3A_191 : vector<16xi32>
        %mul3A_193 = arith.constant 16 : i32
        %mul3A_194 = arith.muli %scan3A_182, %mul3A_193 : i32
        %swap3A = arith.index_cast %mul3A_194 : i32 to index
        %swap3A_195 = tpu.vector_load %arg7[%swap3A] {strides = array<i32>} : memref<128xi32, #tpu.memory_space<vmem>>, vector<16xi32>,
        %swap3A_196 = vector.shape_cast %swap3A_195 : vector<16xi32> to vector<16xi32>
        %swap3A_197 = vector.shape_cast %add3A_192 : vector<16xi32> to vector<16xi32>
        tpu.vector_store %arg7[%swap3A], %swap3A_197 {strides = array<i32>} : memref<128xi32, #tpu.memory_space<vmem>>, vector<16xi32>,
        %shift_right_arithmetic3A = arith.constant 14 : i32
        %shift_right_arithmetic3A_198 = vector.broadcast %shift_right_arithmetic3A : i32 to vector<16xi32>
        %shift_right_arithmetic3A_199 = arith.shrsi %get3A_188, %shift_right_arithmetic3A_198 : vector<16xi32>
        %mul3A_200 = arith.constant 16 : i32
        %mul3A_201 = arith.muli %scan3A_182, %mul3A_200 : i32
        %swap3A_202 = arith.index_cast %mul3A_201 : i32 to index
        %swap3A_203 = tpu.vector_load %arg9[%swap3A_202] {strides = array<i32>} : memref<128xi32, #tpu.memory_space<vmem>>, vector<16xi32>,
        %swap3A_204 = vector.shape_cast %swap3A_203 : vector<16xi32> to vector<16xi32>
        %swap3A_205 = vector.shape_cast %shift_right_arithmetic3A_199 : vector<16xi32> to vector<16xi32>
        tpu.vector_store %arg9[%swap3A_202], %swap3A_205 {strides = array<i32>} : memref<128xi32, #tpu.memory_space<vmem>>, vector<16xi32>,
        %scan3A_206 = arith.constant 0 : i32
        scf.yield %scan3A_206 : i32
      }
      %scan3A_52 = arith.constant 8 : i32
      %dma_start3A_53 = arith.constant 0 : i32
      %dma_start3A_54 = arith.constant 0 : i32
      %dma_start3A_55 = tpu.memref_slice %arg3[%dma_start3A_53, %dma_start3A_54] : memref<20000x128xf32, #tpu.memory_space<hbm>> -> memref<20000x128xf32, #tpu.memory_space<hbm>>
      tpu.enqueue_indirect_dma source(%dma_start3A_55 : memref<20000x128xf32, #tpu.memory_space<hbm>>) target(%arg11 : memref<128x128xf32, #tpu.memory_space<vmem>>) offsets(%arg7 : memref<128xi32, #tpu.memory_space<vmem>>) semaphore(%arg14 : memref<!tpu.dma_semaphore, #tpu.memory_space<semaphore_mem>>)
      %dma_wait3A_56 = arith.constant 0 : i32
      %dma_wait3A_57 = arith.constant 0 : i32
      %dma_wait3A_58 = tpu.memref_slice %arg3[%dma_wait3A_56, %dma_wait3A_57] : memref<20000x128xf32, #tpu.memory_space<hbm>> -> memref<20000x128xf32, #tpu.memory_space<hbm>>
      tpu.wait_indirect_dma semaphore(%arg15 : memref<!tpu.dma_semaphore, #tpu.memory_space<semaphore_mem>>) src(%dma_wait3A_58 : memref<20000x128xf32, #tpu.memory_space<hbm>>) dst(%arg12 : memref<128x128xf32, #tpu.memory_space<vmem>>)
      "tpu.region"() ({
        %run_scoped3A = tpu.sem_alloc : memref<!tpu.dma_semaphore, #tpu.memory_space<semaphore_mem>>
        %dma_start3A_182 = arith.constant 0 : i32
        %dma_start3A_183 = arith.constant 0 : i32
        %dma_start3A_184 = tpu.memref_slice %arg13[%dma_start3A_182, %dma_start3A_183] : memref<10240x128xf32, #tpu.memory_space<vmem_shared>> -> memref<10240x128xf32, #tpu.memory_space<vmem_shared>>
        tpu.enqueue_indirect_dma source(%arg12 : memref<128x128xf32, #tpu.memory_space<vmem>>) target(%dma_start3A_184 : memref<10240x128xf32, #tpu.memory_space<vmem_shared>>) offsets(%arg10 : memref<128xi32, #tpu.memory_space<vmem>>) semaphore(%run_scoped3A : memref<!tpu.dma_semaphore, #tpu.memory_space<semaphore_mem>>) {add = true}
        %dma_wait3A_185 = arith.constant 0 : i32
        %dma_wait3A_186 = arith.constant 0 : i32
        %dma_wait3A_187 = tpu.memref_slice %arg13[%dma_wait3A_185, %dma_wait3A_186] : memref<10240x128xf32, #tpu.memory_space<vmem_shared>> -> memref<10240x128xf32, #tpu.memory_space<vmem_shared>>
        tpu.wait_indirect_dma semaphore(%run_scoped3A : memref<!tpu.dma_semaphore, #tpu.memory_space<semaphore_mem>>) src(%arg12 : memref<128x128xf32, #tpu.memory_space<vmem>>) dst(%dma_wait3A_187 : memref<10240x128xf32, #tpu.memory_space<vmem_shared>>)
        tpu.yield
      }) : () -> ()
      %add3A_59 = arith.constant 1 : i32
      %add3A_60 = arith.addi %mul3A_17, %add3A_59 : i32
      %add3A_61 = arith.constant 2 : i32
      %add3A_62 = arith.addi %add3A_60, %add3A_61 : i32
      %scan3A_63 = arith.constant 0 : i32
      %scan3A_64 = arith.constant 0 : i32
      %scan3A_65 = arith.constant 8 : i32
      %scan3A_66 = arith.addi %scan3A_64, %scan3A_65 : i32
      %scan3A_67 = arith.constant 1 : i32
      %scan3A_68 = scf.for %scan3A_182 = %scan3A_64 to %scan3A_66 step %scan3A_67 iter_args(%scan3A_183 = %scan3A_63) -> (i32)  : i32 {
        %mul3A_184 = arith.constant 16 : i32
        %mul3A_185 = arith.muli %scan3A_182, %mul3A_184 : i32
        %get3A = arith.index_cast %add3A_62 : i32 to index
        %get3A_186 = arith.index_cast %mul3A_185 : i32 to index
        %get3A_187 = tpu.vector_load %arg6[%get3A, %get3A_186] {strides = array<i32>} : memref<80x128xi32, #tpu.memory_space<vmem>>, vector<1x16xi32>,
        %get3A_188 = vector.shape_cast %get3A_187 : vector<1x16xi32> to vector<16xi32>
        %and3A = arith.constant 16383 : i32
        %and3A_189 = vector.broadcast %and3A : i32 to vector<16xi32>
        %and3A_190 = arith.andi %get3A_188, %and3A_189 : vector<16xi32>
        %add3A_191 = vector.broadcast %mul3A_0 : i32 to vector<16xi32>
        %add3A_192 = arith.addi %and3A_190, %add3A_191 : vector<16xi32>
        %mul3A_193 = arith.constant 16 : i32
        %mul3A_194 = arith.muli %scan3A_182, %mul3A_193 : i32
        %swap3A = arith.index_cast %mul3A_194 : i32 to index
        %swap3A_195 = tpu.vector_load %arg8[%swap3A] {strides = array<i32>} : memref<128xi32, #tpu.memory_space<vmem>>, vector<16xi32>,
        %swap3A_196 = vector.shape_cast %swap3A_195 : vector<16xi32> to vector<16xi32>
        %swap3A_197 = vector.shape_cast %add3A_192 : vector<16xi32> to vector<16xi32>
        tpu.vector_store %arg8[%swap3A], %swap3A_197 {strides = array<i32>} : memref<128xi32, #tpu.memory_space<vmem>>, vector<16xi32>,
        %shift_right_arithmetic3A = arith.constant 14 : i32
        %shift_right_arithmetic3A_198 = vector.broadcast %shift_right_arithmetic3A : i32 to vector<16xi32>
        %shift_right_arithmetic3A_199 = arith.shrsi %get3A_188, %shift_right_arithmetic3A_198 : vector<16xi32>
        %mul3A_200 = arith.constant 16 : i32
        %mul3A_201 = arith.muli %scan3A_182, %mul3A_200 : i32
        %swap3A_202 = arith.index_cast %mul3A_201 : i32 to index
        %swap3A_203 = tpu.vector_load %arg10[%swap3A_202] {strides = array<i32>} : memref<128xi32, #tpu.memory_space<vmem>>, vector<16xi32>,
        %swap3A_204 = vector.shape_cast %swap3A_203 : vector<16xi32> to vector<16xi32>
        %swap3A_205 = vector.shape_cast %shift_right_arithmetic3A_199 : vector<16xi32> to vector<16xi32>
        tpu.vector_store %arg10[%swap3A_202], %swap3A_205 {strides = array<i32>} : memref<128xi32, #tpu.memory_space<vmem>>, vector<16xi32>,
        %scan3A_206 = arith.constant 0 : i32
        scf.yield %scan3A_206 : i32
      }
      %scan3A_69 = arith.constant 8 : i32
      %dma_start3A_70 = arith.constant 0 : i32
      %dma_start3A_71 = arith.constant 0 : i32
      %dma_start3A_72 = tpu.memref_slice %arg3[%dma_start3A_70, %dma_start3A_71] : memref<20000x128xf32, #tpu.memory_space<hbm>> -> memref<20000x128xf32, #tpu.memory_space<hbm>>
      tpu.enqueue_indirect_dma source(%dma_start3A_72 : memref<20000x128xf32, #tpu.memory_space<hbm>>) target(%arg12 : memref<128x128xf32, #tpu.memory_space<vmem>>) offsets(%arg8 : memref<128xi32, #tpu.memory_space<vmem>>) semaphore(%arg15 : memref<!tpu.dma_semaphore, #tpu.memory_space<semaphore_mem>>)
      %dma_wait3A_73 = arith.constant 0 : i32
      %dma_wait3A_74 = arith.constant 0 : i32
      %dma_wait3A_75 = tpu.memref_slice %arg3[%dma_wait3A_73, %dma_wait3A_74] : memref<20000x128xf32, #tpu.memory_space<hbm>> -> memref<20000x128xf32, #tpu.memory_space<hbm>>
      tpu.wait_indirect_dma semaphore(%arg14 : memref<!tpu.dma_semaphore, #tpu.memory_space<semaphore_mem>>) src(%dma_wait3A_75 : memref<20000x128xf32, #tpu.memory_space<hbm>>) dst(%arg11 : memref<128x128xf32, #tpu.memory_space<vmem>>)
      "tpu.region"() ({
        %run_scoped3A = tpu.sem_alloc : memref<!tpu.dma_semaphore, #tpu.memory_space<semaphore_mem>>
        %dma_start3A_182 = arith.constant 0 : i32
        %dma_start3A_183 = arith.constant 0 : i32
        %dma_start3A_184 = tpu.memref_slice %arg13[%dma_start3A_182, %dma_start3A_183] : memref<10240x128xf32, #tpu.memory_space<vmem_shared>> -> memref<10240x128xf32, #tpu.memory_space<vmem_shared>>
        tpu.enqueue_indirect_dma source(%arg11 : memref<128x128xf32, #tpu.memory_space<vmem>>) target(%dma_start3A_184 : memref<10240x128xf32, #tpu.memory_space<vmem_shared>>) offsets(%arg9 : memref<128xi32, #tpu.memory_space<vmem>>) semaphore(%run_scoped3A : memref<!tpu.dma_semaphore, #tpu.memory_space<semaphore_mem>>) {add = true}
        %dma_wait3A_185 = arith.constant 0 : i32
        %dma_wait3A_186 = arith.constant 0 : i32
        %dma_wait3A_187 = tpu.memref_slice %arg13[%dma_wait3A_185, %dma_wait3A_186] : memref<10240x128xf32, #tpu.memory_space<vmem_shared>> -> memref<10240x128xf32, #tpu.memory_space<vmem_shared>>
        tpu.wait_indirect_dma semaphore(%run_scoped3A : memref<!tpu.dma_semaphore, #tpu.memory_space<semaphore_mem>>) src(%arg11 : memref<128x128xf32, #tpu.memory_space<vmem>>) dst(%dma_wait3A_187 : memref<10240x128xf32, #tpu.memory_space<vmem_shared>>)
        tpu.yield
      }) : () -> ()
      %add3A_76 = arith.constant 2 : i32
      %add3A_77 = arith.addi %mul3A_17, %add3A_76 : i32
      %add3A_78 = arith.constant 2 : i32
      %add3A_79 = arith.addi %add3A_77, %add3A_78 : i32
      %scan3A_80 = arith.constant 0 : i32
      %scan3A_81 = arith.constant 0 : i32
      %scan3A_82 = arith.constant 8 : i32
      %scan3A_83 = arith.addi %scan3A_81, %scan3A_82 : i32
      %scan3A_84 = arith.constant 1 : i32
      %scan3A_85 = scf.for %scan3A_182 = %scan3A_81 to %scan3A_83 step %scan3A_84 iter_args(%scan3A_183 = %scan3A_80) -> (i32)  : i32 {
        %mul3A_184 = arith.constant 16 : i32
        %mul3A_185 = arith.muli %scan3A_182, %mul3A_184 : i32
        %get3A = arith.index_cast %add3A_79 : i32 to index
        %get3A_186 = arith.index_cast %mul3A_185 : i32 to index
        %get3A_187 = tpu.vector_load %arg6[%get3A, %get3A_186] {strides = array<i32>} : memref<80x128xi32, #tpu.memory_space<vmem>>, vector<1x16xi32>,
        %get3A_188 = vector.shape_cast %get3A_187 : vector<1x16xi32> to vector<16xi32>
        %and3A = arith.constant 16383 : i32
        %and3A_189 = vector.broadcast %and3A : i32 to vector<16xi32>
        %and3A_190 = arith.andi %get3A_188, %and3A_189 : vector<16xi32>
        %add3A_191 = vector.broadcast %mul3A_0 : i32 to vector<16xi32>
        %add3A_192 = arith.addi %and3A_190, %add3A_191 : vector<16xi32>
        %mul3A_193 = arith.constant 16 : i32
        %mul3A_194 = arith.muli %scan3A_182, %mul3A_193 : i32
        %swap3A = arith.index_cast %mul3A_194 : i32 to index
        %swap3A_195 = tpu.vector_load %arg7[%swap3A] {strides = array<i32>} : memref<128xi32, #tpu.memory_space<vmem>>, vector<16xi32>,
        %swap3A_196 = vector.shape_cast %swap3A_195 : vector<16xi32> to vector<16xi32>
        %swap3A_197 = vector.shape_cast %add3A_192 : vector<16xi32> to vector<16xi32>
        tpu.vector_store %arg7[%swap3A], %swap3A_197 {strides = array<i32>} : memref<128xi32, #tpu.memory_space<vmem>>, vector<16xi32>,
        %shift_right_arithmetic3A = arith.constant 14 : i32
        %shift_right_arithmetic3A_198 = vector.broadcast %shift_right_arithmetic3A : i32 to vector<16xi32>
        %shift_right_arithmetic3A_199 = arith.shrsi %get3A_188, %shift_right_arithmetic3A_198 : vector<16xi32>
        %mul3A_200 = arith.constant 16 : i32
        %mul3A_201 = arith.muli %scan3A_182, %mul3A_200 : i32
        %swap3A_202 = arith.index_cast %mul3A_201 : i32 to index
        %swap3A_203 = tpu.vector_load %arg9[%swap3A_202] {strides = array<i32>} : memref<128xi32, #tpu.memory_space<vmem>>, vector<16xi32>,
        %swap3A_204 = vector.shape_cast %swap3A_203 : vector<16xi32> to vector<16xi32>
        %swap3A_205 = vector.shape_cast %shift_right_arithmetic3A_199 : vector<16xi32> to vector<16xi32>
        tpu.vector_store %arg9[%swap3A_202], %swap3A_205 {strides = array<i32>} : memref<128xi32, #tpu.memory_space<vmem>>, vector<16xi32>,
        %scan3A_206 = arith.constant 0 : i32
        scf.yield %scan3A_206 : i32
      }
      %scan3A_86 = arith.constant 8 : i32
      %dma_start3A_87 = arith.constant 0 : i32
      %dma_start3A_88 = arith.constant 0 : i32
      %dma_start3A_89 = tpu.memref_slice %arg3[%dma_start3A_87, %dma_start3A_88] : memref<20000x128xf32, #tpu.memory_space<hbm>> -> memref<20000x128xf32, #tpu.memory_space<hbm>>
      tpu.enqueue_indirect_dma source(%dma_start3A_89 : memref<20000x128xf32, #tpu.memory_space<hbm>>) target(%arg11 : memref<128x128xf32, #tpu.memory_space<vmem>>) offsets(%arg7 : memref<128xi32, #tpu.memory_space<vmem>>) semaphore(%arg14 : memref<!tpu.dma_semaphore, #tpu.memory_space<semaphore_mem>>)
      %dma_wait3A_90 = arith.constant 0 : i32
      %dma_wait3A_91 = arith.constant 0 : i32
      %dma_wait3A_92 = tpu.memref_slice %arg3[%dma_wait3A_90, %dma_wait3A_91] : memref<20000x128xf32, #tpu.memory_space<hbm>> -> memref<20000x128xf32, #tpu.memory_space<hbm>>
      tpu.wait_indirect_dma semaphore(%arg15 : memref<!tpu.dma_semaphore, #tpu.memory_space<semaphore_mem>>) src(%dma_wait3A_92 : memref<20000x128xf32, #tpu.memory_space<hbm>>) dst(%arg12 : memref<128x128xf32, #tpu.memory_space<vmem>>)
      "tpu.region"() ({
        %run_scoped3A = tpu.sem_alloc : memref<!tpu.dma_semaphore, #tpu.memory_space<semaphore_mem>>
        %dma_start3A_182 = arith.constant 0 : i32
        %dma_start3A_183 = arith.constant 0 : i32
        %dma_start3A_184 = tpu.memref_slice %arg13[%dma_start3A_182, %dma_start3A_183] : memref<10240x128xf32, #tpu.memory_space<vmem_shared>> -> memref<10240x128xf32, #tpu.memory_space<vmem_shared>>
        tpu.enqueue_indirect_dma source(%arg12 : memref<128x128xf32, #tpu.memory_space<vmem>>) target(%dma_start3A_184 : memref<10240x128xf32, #tpu.memory_space<vmem_shared>>) offsets(%arg10 : memref<128xi32, #tpu.memory_space<vmem>>) semaphore(%run_scoped3A : memref<!tpu.dma_semaphore, #tpu.memory_space<semaphore_mem>>) {add = true}
        %dma_wait3A_185 = arith.constant 0 : i32
        %dma_wait3A_186 = arith.constant 0 : i32
        %dma_wait3A_187 = tpu.memref_slice %arg13[%dma_wait3A_185, %dma_wait3A_186] : memref<10240x128xf32, #tpu.memory_space<vmem_shared>> -> memref<10240x128xf32, #tpu.memory_space<vmem_shared>>
        tpu.wait_indirect_dma semaphore(%run_scoped3A : memref<!tpu.dma_semaphore, #tpu.memory_space<semaphore_mem>>) src(%arg12 : memref<128x128xf32, #tpu.memory_space<vmem>>) dst(%dma_wait3A_187 : memref<10240x128xf32, #tpu.memory_space<vmem_shared>>)
        tpu.yield
      }) : () -> ()
      %add3A_93 = arith.constant 3 : i32
      %add3A_94 = arith.addi %mul3A_17, %add3A_93 : i32
      %add3A_95 = arith.constant 2 : i32
      %add3A_96 = arith.addi %add3A_94, %add3A_95 : i32
      %scan3A_97 = arith.constant 0 : i32
      %scan3A_98 = arith.constant 0 : i32
      %scan3A_99 = arith.constant 8 : i32
      %scan3A_100 = arith.addi %scan3A_98, %scan3A_99 : i32
      %scan3A_101 = arith.constant 1 : i32
      %scan3A_102 = scf.for %scan3A_182 = %scan3A_98 to %scan3A_100 step %scan3A_101 iter_args(%scan3A_183 = %scan3A_97) -> (i32)  : i32 {
        %mul3A_184 = arith.constant 16 : i32
        %mul3A_185 = arith.muli %scan3A_182, %mul3A_184 : i32
        %get3A = arith.index_cast %add3A_96 : i32 to index
        %get3A_186 = arith.index_cast %mul3A_185 : i32 to index
        %get3A_187 = tpu.vector_load %arg6[%get3A, %get3A_186] {strides = array<i32>} : memref<80x128xi32, #tpu.memory_space<vmem>>, vector<1x16xi32>,
        %get3A_188 = vector.shape_cast %get3A_187 : vector<1x16xi32> to vector<16xi32>
        %and3A = arith.constant 16383 : i32
        %and3A_189 = vector.broadcast %and3A : i32 to vector<16xi32>
        %and3A_190 = arith.andi %get3A_188, %and3A_189 : vector<16xi32>
        %add3A_191 = vector.broadcast %mul3A_0 : i32 to vector<16xi32>
        %add3A_192 = arith.addi %and3A_190, %add3A_191 : vector<16xi32>
        %mul3A_193 = arith.constant 16 : i32
        %mul3A_194 = arith.muli %scan3A_182, %mul3A_193 : i32
        %swap3A = arith.index_cast %mul3A_194 : i32 to index
        %swap3A_195 = tpu.vector_load %arg8[%swap3A] {strides = array<i32>} : memref<128xi32, #tpu.memory_space<vmem>>, vector<16xi32>,
        %swap3A_196 = vector.shape_cast %swap3A_195 : vector<16xi32> to vector<16xi32>
        %swap3A_197 = vector.shape_cast %add3A_192 : vector<16xi32> to vector<16xi32>
        tpu.vector_store %arg8[%swap3A], %swap3A_197 {strides = array<i32>} : memref<128xi32, #tpu.memory_space<vmem>>, vector<16xi32>,
        %shift_right_arithmetic3A = arith.constant 14 : i32
        %shift_right_arithmetic3A_198 = vector.broadcast %shift_right_arithmetic3A : i32 to vector<16xi32>
        %shift_right_arithmetic3A_199 = arith.shrsi %get3A_188, %shift_right_arithmetic3A_198 : vector<16xi32>
        %mul3A_200 = arith.constant 16 : i32
        %mul3A_201 = arith.muli %scan3A_182, %mul3A_200 : i32
        %swap3A_202 = arith.index_cast %mul3A_201 : i32 to index
        %swap3A_203 = tpu.vector_load %arg10[%swap3A_202] {strides = array<i32>} : memref<128xi32, #tpu.memory_space<vmem>>, vector<16xi32>,
        %swap3A_204 = vector.shape_cast %swap3A_203 : vector<16xi32> to vector<16xi32>
        %swap3A_205 = vector.shape_cast %shift_right_arithmetic3A_199 : vector<16xi32> to vector<16xi32>
        tpu.vector_store %arg10[%swap3A_202], %swap3A_205 {strides = array<i32>} : memref<128xi32, #tpu.memory_space<vmem>>, vector<16xi32>,
        %scan3A_206 = arith.constant 0 : i32
        scf.yield %scan3A_206 : i32
      }
      %scan3A_103 = arith.constant 8 : i32
      %dma_start3A_104 = arith.constant 0 : i32
      %dma_start3A_105 = arith.constant 0 : i32
      %dma_start3A_106 = tpu.memref_slice %arg3[%dma_start3A_104, %dma_start3A_105] : memref<20000x128xf32, #tpu.memory_space<hbm>> -> memref<20000x128xf32, #tpu.memory_space<hbm>>
      tpu.enqueue_indirect_dma source(%dma_start3A_106 : memref<20000x128xf32, #tpu.memory_space<hbm>>) target(%arg12 : memref<128x128xf32, #tpu.memory_space<vmem>>) offsets(%arg8 : memref<128xi32, #tpu.memory_space<vmem>>) semaphore(%arg15 : memref<!tpu.dma_semaphore, #tpu.memory_space<semaphore_mem>>)
      %dma_wait3A_107 = arith.constant 0 : i32
      %dma_wait3A_108 = arith.constant 0 : i32
      %dma_wait3A_109 = tpu.memref_slice %arg3[%dma_wait3A_107, %dma_wait3A_108] : memref<20000x128xf32, #tpu.memory_space<hbm>> -> memref<20000x128xf32, #tpu.memory_space<hbm>>
      tpu.wait_indirect_dma semaphore(%arg14 : memref<!tpu.dma_semaphore, #tpu.memory_space<semaphore_mem>>) src(%dma_wait3A_109 : memref<20000x128xf32, #tpu.memory_space<hbm>>) dst(%arg11 : memref<128x128xf32, #tpu.memory_space<vmem>>)
      "tpu.region"() ({
        %run_scoped3A = tpu.sem_alloc : memref<!tpu.dma_semaphore, #tpu.memory_space<semaphore_mem>>
        %dma_start3A_182 = arith.constant 0 : i32
        %dma_start3A_183 = arith.constant 0 : i32
        %dma_start3A_184 = tpu.memref_slice %arg13[%dma_start3A_182, %dma_start3A_183] : memref<10240x128xf32, #tpu.memory_space<vmem_shared>> -> memref<10240x128xf32, #tpu.memory_space<vmem_shared>>
        tpu.enqueue_indirect_dma source(%arg11 : memref<128x128xf32, #tpu.memory_space<vmem>>) target(%dma_start3A_184 : memref<10240x128xf32, #tpu.memory_space<vmem_shared>>) offsets(%arg9 : memref<128xi32, #tpu.memory_space<vmem>>) semaphore(%run_scoped3A : memref<!tpu.dma_semaphore, #tpu.memory_space<semaphore_mem>>) {add = true}
        %dma_wait3A_185 = arith.constant 0 : i32
        %dma_wait3A_186 = arith.constant 0 : i32
        %dma_wait3A_187 = tpu.memref_slice %arg13[%dma_wait3A_185, %dma_wait3A_186] : memref<10240x128xf32, #tpu.memory_space<vmem_shared>> -> memref<10240x128xf32, #tpu.memory_space<vmem_shared>>
        tpu.wait_indirect_dma semaphore(%run_scoped3A : memref<!tpu.dma_semaphore, #tpu.memory_space<semaphore_mem>>) src(%arg11 : memref<128x128xf32, #tpu.memory_space<vmem>>) dst(%dma_wait3A_187 : memref<10240x128xf32, #tpu.memory_space<vmem_shared>>)
        tpu.yield
      }) : () -> ()
      %add3A_110 = arith.constant 4 : i32
      %add3A_111 = arith.addi %mul3A_17, %add3A_110 : i32
      %add3A_112 = arith.constant 2 : i32
      %add3A_113 = arith.addi %add3A_111, %add3A_112 : i32
      %scan3A_114 = arith.constant 0 : i32
      %scan3A_115 = arith.constant 0 : i32
      %scan3A_116 = arith.constant 8 : i32
      %scan3A_117 = arith.addi %scan3A_115, %scan3A_116 : i32
      %scan3A_118 = arith.constant 1 : i32
      %scan3A_119 = scf.for %scan3A_182 = %scan3A_115 to %scan3A_117 step %scan3A_118 iter_args(%scan3A_183 = %scan3A_114) -> (i32)  : i32 {
        %mul3A_184 = arith.constant 16 : i32
        %mul3A_185 = arith.muli %scan3A_182, %mul3A_184 : i32
        %get3A = arith.index_cast %add3A_113 : i32 to index
        %get3A_186 = arith.index_cast %mul3A_185 : i32 to index
        %get3A_187 = tpu.vector_load %arg6[%get3A, %get3A_186] {strides = array<i32>} : memref<80x128xi32, #tpu.memory_space<vmem>>, vector<1x16xi32>,
        %get3A_188 = vector.shape_cast %get3A_187 : vector<1x16xi32> to vector<16xi32>
        %and3A = arith.constant 16383 : i32
        %and3A_189 = vector.broadcast %and3A : i32 to vector<16xi32>
        %and3A_190 = arith.andi %get3A_188, %and3A_189 : vector<16xi32>
        %add3A_191 = vector.broadcast %mul3A_0 : i32 to vector<16xi32>
        %add3A_192 = arith.addi %and3A_190, %add3A_191 : vector<16xi32>
        %mul3A_193 = arith.constant 16 : i32
        %mul3A_194 = arith.muli %scan3A_182, %mul3A_193 : i32
        %swap3A = arith.index_cast %mul3A_194 : i32 to index
        %swap3A_195 = tpu.vector_load %arg7[%swap3A] {strides = array<i32>} : memref<128xi32, #tpu.memory_space<vmem>>, vector<16xi32>,
        %swap3A_196 = vector.shape_cast %swap3A_195 : vector<16xi32> to vector<16xi32>
        %swap3A_197 = vector.shape_cast %add3A_192 : vector<16xi32> to vector<16xi32>
        tpu.vector_store %arg7[%swap3A], %swap3A_197 {strides = array<i32>} : memref<128xi32, #tpu.memory_space<vmem>>, vector<16xi32>,
        %shift_right_arithmetic3A = arith.constant 14 : i32
        %shift_right_arithmetic3A_198 = vector.broadcast %shift_right_arithmetic3A : i32 to vector<16xi32>
        %shift_right_arithmetic3A_199 = arith.shrsi %get3A_188, %shift_right_arithmetic3A_198 : vector<16xi32>
        %mul3A_200 = arith.constant 16 : i32
        %mul3A_201 = arith.muli %scan3A_182, %mul3A_200 : i32
        %swap3A_202 = arith.index_cast %mul3A_201 : i32 to index
        %swap3A_203 = tpu.vector_load %arg9[%swap3A_202] {strides = array<i32>} : memref<128xi32, #tpu.memory_space<vmem>>, vector<16xi32>,
        %swap3A_204 = vector.shape_cast %swap3A_203 : vector<16xi32> to vector<16xi32>
        %swap3A_205 = vector.shape_cast %shift_right_arithmetic3A_199 : vector<16xi32> to vector<16xi32>
        tpu.vector_store %arg9[%swap3A_202], %swap3A_205 {strides = array<i32>} : memref<128xi32, #tpu.memory_space<vmem>>, vector<16xi32>,
        %scan3A_206 = arith.constant 0 : i32
        scf.yield %scan3A_206 : i32
      }
      %scan3A_120 = arith.constant 8 : i32
      %dma_start3A_121 = arith.constant 0 : i32
      %dma_start3A_122 = arith.constant 0 : i32
      %dma_start3A_123 = tpu.memref_slice %arg3[%dma_start3A_121, %dma_start3A_122] : memref<20000x128xf32, #tpu.memory_space<hbm>> -> memref<20000x128xf32, #tpu.memory_space<hbm>>
      tpu.enqueue_indirect_dma source(%dma_start3A_123 : memref<20000x128xf32, #tpu.memory_space<hbm>>) target(%arg11 : memref<128x128xf32, #tpu.memory_space<vmem>>) offsets(%arg7 : memref<128xi32, #tpu.memory_space<vmem>>) semaphore(%arg14 : memref<!tpu.dma_semaphore, #tpu.memory_space<semaphore_mem>>)
      %dma_wait3A_124 = arith.constant 0 : i32
      %dma_wait3A_125 = arith.constant 0 : i32
      %dma_wait3A_126 = tpu.memref_slice %arg3[%dma_wait3A_124, %dma_wait3A_125] : memref<20000x128xf32, #tpu.memory_space<hbm>> -> memref<20000x128xf32, #tpu.memory_space<hbm>>
      tpu.wait_indirect_dma semaphore(%arg15 : memref<!tpu.dma_semaphore, #tpu.memory_space<semaphore_mem>>) src(%dma_wait3A_126 : memref<20000x128xf32, #tpu.memory_space<hbm>>) dst(%arg12 : memref<128x128xf32, #tpu.memory_space<vmem>>)
      "tpu.region"() ({
        %run_scoped3A = tpu.sem_alloc : memref<!tpu.dma_semaphore, #tpu.memory_space<semaphore_mem>>
        %dma_start3A_182 = arith.constant 0 : i32
        %dma_start3A_183 = arith.constant 0 : i32
        %dma_start3A_184 = tpu.memref_slice %arg13[%dma_start3A_182, %dma_start3A_183] : memref<10240x128xf32, #tpu.memory_space<vmem_shared>> -> memref<10240x128xf32, #tpu.memory_space<vmem_shared>>
        tpu.enqueue_indirect_dma source(%arg12 : memref<128x128xf32, #tpu.memory_space<vmem>>) target(%dma_start3A_184 : memref<10240x128xf32, #tpu.memory_space<vmem_shared>>) offsets(%arg10 : memref<128xi32, #tpu.memory_space<vmem>>) semaphore(%run_scoped3A : memref<!tpu.dma_semaphore, #tpu.memory_space<semaphore_mem>>) {add = true}
        %dma_wait3A_185 = arith.constant 0 : i32
        %dma_wait3A_186 = arith.constant 0 : i32
        %dma_wait3A_187 = tpu.memref_slice %arg13[%dma_wait3A_185, %dma_wait3A_186] : memref<10240x128xf32, #tpu.memory_space<vmem_shared>> -> memref<10240x128xf32, #tpu.memory_space<vmem_shared>>
        tpu.wait_indirect_dma semaphore(%run_scoped3A : memref<!tpu.dma_semaphore, #tpu.memory_space<semaphore_mem>>) src(%arg12 : memref<128x128xf32, #tpu.memory_space<vmem>>) dst(%dma_wait3A_187 : memref<10240x128xf32, #tpu.memory_space<vmem_shared>>)
        tpu.yield
      }) : () -> ()
      %add3A_127 = arith.constant 5 : i32
      %add3A_128 = arith.addi %mul3A_17, %add3A_127 : i32
      %add3A_129 = arith.constant 2 : i32
      %add3A_130 = arith.addi %add3A_128, %add3A_129 : i32
      %scan3A_131 = arith.constant 0 : i32
      %scan3A_132 = arith.constant 0 : i32
      %scan3A_133 = arith.constant 8 : i32
      %scan3A_134 = arith.addi %scan3A_132, %scan3A_133 : i32
      %scan3A_135 = arith.constant 1 : i32
      %scan3A_136 = scf.for %scan3A_182 = %scan3A_132 to %scan3A_134 step %scan3A_135 iter_args(%scan3A_183 = %scan3A_131) -> (i32)  : i32 {
        %mul3A_184 = arith.constant 16 : i32
        %mul3A_185 = arith.muli %scan3A_182, %mul3A_184 : i32
        %get3A = arith.index_cast %add3A_130 : i32 to index
        %get3A_186 = arith.index_cast %mul3A_185 : i32 to index
        %get3A_187 = tpu.vector_load %arg6[%get3A, %get3A_186] {strides = array<i32>} : memref<80x128xi32, #tpu.memory_space<vmem>>, vector<1x16xi32>,
        %get3A_188 = vector.shape_cast %get3A_187 : vector<1x16xi32> to vector<16xi32>
        %and3A = arith.constant 16383 : i32
        %and3A_189 = vector.broadcast %and3A : i32 to vector<16xi32>
        %and3A_190 = arith.andi %get3A_188, %and3A_189 : vector<16xi32>
        %add3A_191 = vector.broadcast %mul3A_0 : i32 to vector<16xi32>
        %add3A_192 = arith.addi %and3A_190, %add3A_191 : vector<16xi32>
        %mul3A_193 = arith.constant 16 : i32
        %mul3A_194 = arith.muli %scan3A_182, %mul3A_193 : i32
        %swap3A = arith.index_cast %mul3A_194 : i32 to index
        %swap3A_195 = tpu.vector_load %arg8[%swap3A] {strides = array<i32>} : memref<128xi32, #tpu.memory_space<vmem>>, vector<16xi32>,
        %swap3A_196 = vector.shape_cast %swap3A_195 : vector<16xi32> to vector<16xi32>
        %swap3A_197 = vector.shape_cast %add3A_192 : vector<16xi32> to vector<16xi32>
        tpu.vector_store %arg8[%swap3A], %swap3A_197 {strides = array<i32>} : memref<128xi32, #tpu.memory_space<vmem>>, vector<16xi32>,
        %shift_right_arithmetic3A = arith.constant 14 : i32
        %shift_right_arithmetic3A_198 = vector.broadcast %shift_right_arithmetic3A : i32 to vector<16xi32>
        %shift_right_arithmetic3A_199 = arith.shrsi %get3A_188, %shift_right_arithmetic3A_198 : vector<16xi32>
        %mul3A_200 = arith.constant 16 : i32
        %mul3A_201 = arith.muli %scan3A_182, %mul3A_200 : i32
        %swap3A_202 = arith.index_cast %mul3A_201 : i32 to index
        %swap3A_203 = tpu.vector_load %arg10[%swap3A_202] {strides = array<i32>} : memref<128xi32, #tpu.memory_space<vmem>>, vector<16xi32>,
        %swap3A_204 = vector.shape_cast %swap3A_203 : vector<16xi32> to vector<16xi32>
        %swap3A_205 = vector.shape_cast %shift_right_arithmetic3A_199 : vector<16xi32> to vector<16xi32>
        tpu.vector_store %arg10[%swap3A_202], %swap3A_205 {strides = array<i32>} : memref<128xi32, #tpu.memory_space<vmem>>, vector<16xi32>,
        %scan3A_206 = arith.constant 0 : i32
        scf.yield %scan3A_206 : i32
      }
      %scan3A_137 = arith.constant 8 : i32
      %dma_start3A_138 = arith.constant 0 : i32
      %dma_start3A_139 = arith.constant 0 : i32
      %dma_start3A_140 = tpu.memref_slice %arg3[%dma_start3A_138, %dma_start3A_139] : memref<20000x128xf32, #tpu.memory_space<hbm>> -> memref<20000x128xf32, #tpu.memory_space<hbm>>
      tpu.enqueue_indirect_dma source(%dma_start3A_140 : memref<20000x128xf32, #tpu.memory_space<hbm>>) target(%arg12 : memref<128x128xf32, #tpu.memory_space<vmem>>) offsets(%arg8 : memref<128xi32, #tpu.memory_space<vmem>>) semaphore(%arg15 : memref<!tpu.dma_semaphore, #tpu.memory_space<semaphore_mem>>)
      %dma_wait3A_141 = arith.constant 0 : i32
      %dma_wait3A_142 = arith.constant 0 : i32
      %dma_wait3A_143 = tpu.memref_slice %arg3[%dma_wait3A_141, %dma_wait3A_142] : memref<20000x128xf32, #tpu.memory_space<hbm>> -> memref<20000x128xf32, #tpu.memory_space<hbm>>
      tpu.wait_indirect_dma semaphore(%arg14 : memref<!tpu.dma_semaphore, #tpu.memory_space<semaphore_mem>>) src(%dma_wait3A_143 : memref<20000x128xf32, #tpu.memory_space<hbm>>) dst(%arg11 : memref<128x128xf32, #tpu.memory_space<vmem>>)
      "tpu.region"() ({
        %run_scoped3A = tpu.sem_alloc : memref<!tpu.dma_semaphore, #tpu.memory_space<semaphore_mem>>
        %dma_start3A_182 = arith.constant 0 : i32
        %dma_start3A_183 = arith.constant 0 : i32
        %dma_start3A_184 = tpu.memref_slice %arg13[%dma_start3A_182, %dma_start3A_183] : memref<10240x128xf32, #tpu.memory_space<vmem_shared>> -> memref<10240x128xf32, #tpu.memory_space<vmem_shared>>
        tpu.enqueue_indirect_dma source(%arg11 : memref<128x128xf32, #tpu.memory_space<vmem>>) target(%dma_start3A_184 : memref<10240x128xf32, #tpu.memory_space<vmem_shared>>) offsets(%arg9 : memref<128xi32, #tpu.memory_space<vmem>>) semaphore(%run_scoped3A : memref<!tpu.dma_semaphore, #tpu.memory_space<semaphore_mem>>) {add = true}
        %dma_wait3A_185 = arith.constant 0 : i32
        %dma_wait3A_186 = arith.constant 0 : i32
        %dma_wait3A_187 = tpu.memref_slice %arg13[%dma_wait3A_185, %dma_wait3A_186] : memref<10240x128xf32, #tpu.memory_space<vmem_shared>> -> memref<10240x128xf32, #tpu.memory_space<vmem_shared>>
        tpu.wait_indirect_dma semaphore(%run_scoped3A : memref<!tpu.dma_semaphore, #tpu.memory_space<semaphore_mem>>) src(%arg11 : memref<128x128xf32, #tpu.memory_space<vmem>>) dst(%dma_wait3A_187 : memref<10240x128xf32, #tpu.memory_space<vmem_shared>>)
        tpu.yield
      }) : () -> ()
      %add3A_144 = arith.constant 6 : i32
      %add3A_145 = arith.addi %mul3A_17, %add3A_144 : i32
      %add3A_146 = arith.constant 2 : i32
      %add3A_147 = arith.addi %add3A_145, %add3A_146 : i32
      %scan3A_148 = arith.constant 0 : i32
      %scan3A_149 = arith.constant 0 : i32
      %scan3A_150 = arith.constant 8 : i32
      %scan3A_151 = arith.addi %scan3A_149, %scan3A_150 : i32
      %scan3A_152 = arith.constant 1 : i32
      %scan3A_153 = scf.for %scan3A_182 = %scan3A_149 to %scan3A_151 step %scan3A_152 iter_args(%scan3A_183 = %scan3A_148) -> (i32)  : i32 {
        %mul3A_184 = arith.constant 16 : i32
        %mul3A_185 = arith.muli %scan3A_182, %mul3A_184 : i32
        %get3A = arith.index_cast %add3A_147 : i32 to index
        %get3A_186 = arith.index_cast %mul3A_185 : i32 to index
        %get3A_187 = tpu.vector_load %arg6[%get3A, %get3A_186] {strides = array<i32>} : memref<80x128xi32, #tpu.memory_space<vmem>>, vector<1x16xi32>,
        %get3A_188 = vector.shape_cast %get3A_187 : vector<1x16xi32> to vector<16xi32>
        %and3A = arith.constant 16383 : i32
        %and3A_189 = vector.broadcast %and3A : i32 to vector<16xi32>
        %and3A_190 = arith.andi %get3A_188, %and3A_189 : vector<16xi32>
        %add3A_191 = vector.broadcast %mul3A_0 : i32 to vector<16xi32>
        %add3A_192 = arith.addi %and3A_190, %add3A_191 : vector<16xi32>
        %mul3A_193 = arith.constant 16 : i32
        %mul3A_194 = arith.muli %scan3A_182, %mul3A_193 : i32
        %swap3A = arith.index_cast %mul3A_194 : i32 to index
        %swap3A_195 = tpu.vector_load %arg7[%swap3A] {strides = array<i32>} : memref<128xi32, #tpu.memory_space<vmem>>, vector<16xi32>,
        %swap3A_196 = vector.shape_cast %swap3A_195 : vector<16xi32> to vector<16xi32>
        %swap3A_197 = vector.shape_cast %add3A_192 : vector<16xi32> to vector<16xi32>
        tpu.vector_store %arg7[%swap3A], %swap3A_197 {strides = array<i32>} : memref<128xi32, #tpu.memory_space<vmem>>, vector<16xi32>,
        %shift_right_arithmetic3A = arith.constant 14 : i32
        %shift_right_arithmetic3A_198 = vector.broadcast %shift_right_arithmetic3A : i32 to vector<16xi32>
        %shift_right_arithmetic3A_199 = arith.shrsi %get3A_188, %shift_right_arithmetic3A_198 : vector<16xi32>
        %mul3A_200 = arith.constant 16 : i32
        %mul3A_201 = arith.muli %scan3A_182, %mul3A_200 : i32
        %swap3A_202 = arith.index_cast %mul3A_201 : i32 to index
        %swap3A_203 = tpu.vector_load %arg9[%swap3A_202] {strides = array<i32>} : memref<128xi32, #tpu.memory_space<vmem>>, vector<16xi32>,
        %swap3A_204 = vector.shape_cast %swap3A_203 : vector<16xi32> to vector<16xi32>
        %swap3A_205 = vector.shape_cast %shift_right_arithmetic3A_199 : vector<16xi32> to vector<16xi32>
        tpu.vector_store %arg9[%swap3A_202], %swap3A_205 {strides = array<i32>} : memref<128xi32, #tpu.memory_space<vmem>>, vector<16xi32>,
        %scan3A_206 = arith.constant 0 : i32
        scf.yield %scan3A_206 : i32
      }
      %scan3A_154 = arith.constant 8 : i32
      %dma_start3A_155 = arith.constant 0 : i32
      %dma_start3A_156 = arith.constant 0 : i32
      %dma_start3A_157 = tpu.memref_slice %arg3[%dma_start3A_155, %dma_start3A_156] : memref<20000x128xf32, #tpu.memory_space<hbm>> -> memref<20000x128xf32, #tpu.memory_space<hbm>>
      tpu.enqueue_indirect_dma source(%dma_start3A_157 : memref<20000x128xf32, #tpu.memory_space<hbm>>) target(%arg11 : memref<128x128xf32, #tpu.memory_space<vmem>>) offsets(%arg7 : memref<128xi32, #tpu.memory_space<vmem>>) semaphore(%arg14 : memref<!tpu.dma_semaphore, #tpu.memory_space<semaphore_mem>>)
      %dma_wait3A_158 = arith.constant 0 : i32
      %dma_wait3A_159 = arith.constant 0 : i32
      %dma_wait3A_160 = tpu.memref_slice %arg3[%dma_wait3A_158, %dma_wait3A_159] : memref<20000x128xf32, #tpu.memory_space<hbm>> -> memref<20000x128xf32, #tpu.memory_space<hbm>>
      tpu.wait_indirect_dma semaphore(%arg15 : memref<!tpu.dma_semaphore, #tpu.memory_space<semaphore_mem>>) src(%dma_wait3A_160 : memref<20000x128xf32, #tpu.memory_space<hbm>>) dst(%arg12 : memref<128x128xf32, #tpu.memory_space<vmem>>)
      "tpu.region"() ({
        %run_scoped3A = tpu.sem_alloc : memref<!tpu.dma_semaphore, #tpu.memory_space<semaphore_mem>>
        %dma_start3A_182 = arith.constant 0 : i32
        %dma_start3A_183 = arith.constant 0 : i32
        %dma_start3A_184 = tpu.memref_slice %arg13[%dma_start3A_182, %dma_start3A_183] : memref<10240x128xf32, #tpu.memory_space<vmem_shared>> -> memref<10240x128xf32, #tpu.memory_space<vmem_shared>>
        tpu.enqueue_indirect_dma source(%arg12 : memref<128x128xf32, #tpu.memory_space<vmem>>) target(%dma_start3A_184 : memref<10240x128xf32, #tpu.memory_space<vmem_shared>>) offsets(%arg10 : memref<128xi32, #tpu.memory_space<vmem>>) semaphore(%run_scoped3A : memref<!tpu.dma_semaphore, #tpu.memory_space<semaphore_mem>>) {add = true}
        %dma_wait3A_185 = arith.constant 0 : i32
        %dma_wait3A_186 = arith.constant 0 : i32
        %dma_wait3A_187 = tpu.memref_slice %arg13[%dma_wait3A_185, %dma_wait3A_186] : memref<10240x128xf32, #tpu.memory_space<vmem_shared>> -> memref<10240x128xf32, #tpu.memory_space<vmem_shared>>
        tpu.wait_indirect_dma semaphore(%run_scoped3A : memref<!tpu.dma_semaphore, #tpu.memory_space<semaphore_mem>>) src(%arg12 : memref<128x128xf32, #tpu.memory_space<vmem>>) dst(%dma_wait3A_187 : memref<10240x128xf32, #tpu.memory_space<vmem_shared>>)
        tpu.yield
      }) : () -> ()
      %add3A_161 = arith.constant 7 : i32
      %add3A_162 = arith.addi %mul3A_17, %add3A_161 : i32
      %add3A_163 = arith.constant 2 : i32
      %add3A_164 = arith.addi %add3A_162, %add3A_163 : i32
      %scan3A_165 = arith.constant 0 : i32
      %scan3A_166 = arith.constant 0 : i32
      %scan3A_167 = arith.constant 8 : i32
      %scan3A_168 = arith.addi %scan3A_166, %scan3A_167 : i32
      %scan3A_169 = arith.constant 1 : i32
      %scan3A_170 = scf.for %scan3A_182 = %scan3A_166 to %scan3A_168 step %scan3A_169 iter_args(%scan3A_183 = %scan3A_165) -> (i32)  : i32 {
        %mul3A_184 = arith.constant 16 : i32
        %mul3A_185 = arith.muli %scan3A_182, %mul3A_184 : i32
        %get3A = arith.index_cast %add3A_164 : i32 to index
        %get3A_186 = arith.index_cast %mul3A_185 : i32 to index
        %get3A_187 = tpu.vector_load %arg6[%get3A, %get3A_186] {strides = array<i32>} : memref<80x128xi32, #tpu.memory_space<vmem>>, vector<1x16xi32>,
        %get3A_188 = vector.shape_cast %get3A_187 : vector<1x16xi32> to vector<16xi32>
        %and3A = arith.constant 16383 : i32
        %and3A_189 = vector.broadcast %and3A : i32 to vector<16xi32>
        %and3A_190 = arith.andi %get3A_188, %and3A_189 : vector<16xi32>
        %add3A_191 = vector.broadcast %mul3A_0 : i32 to vector<16xi32>
        %add3A_192 = arith.addi %and3A_190, %add3A_191 : vector<16xi32>
        %mul3A_193 = arith.constant 16 : i32
        %mul3A_194 = arith.muli %scan3A_182, %mul3A_193 : i32
        %swap3A = arith.index_cast %mul3A_194 : i32 to index
        %swap3A_195 = tpu.vector_load %arg8[%swap3A] {strides = array<i32>} : memref<128xi32, #tpu.memory_space<vmem>>, vector<16xi32>,
        %swap3A_196 = vector.shape_cast %swap3A_195 : vector<16xi32> to vector<16xi32>
        %swap3A_197 = vector.shape_cast %add3A_192 : vector<16xi32> to vector<16xi32>
        tpu.vector_store %arg8[%swap3A], %swap3A_197 {strides = array<i32>} : memref<128xi32, #tpu.memory_space<vmem>>, vector<16xi32>,
        %shift_right_arithmetic3A = arith.constant 14 : i32
        %shift_right_arithmetic3A_198 = vector.broadcast %shift_right_arithmetic3A : i32 to vector<16xi32>
        %shift_right_arithmetic3A_199 = arith.shrsi %get3A_188, %shift_right_arithmetic3A_198 : vector<16xi32>
        %mul3A_200 = arith.constant 16 : i32
        %mul3A_201 = arith.muli %scan3A_182, %mul3A_200 : i32
        %swap3A_202 = arith.index_cast %mul3A_201 : i32 to index
        %swap3A_203 = tpu.vector_load %arg10[%swap3A_202] {strides = array<i32>} : memref<128xi32, #tpu.memory_space<vmem>>, vector<16xi32>,
        %swap3A_204 = vector.shape_cast %swap3A_203 : vector<16xi32> to vector<16xi32>
        %swap3A_205 = vector.shape_cast %shift_right_arithmetic3A_199 : vector<16xi32> to vector<16xi32>
        tpu.vector_store %arg10[%swap3A_202], %swap3A_205 {strides = array<i32>} : memref<128xi32, #tpu.memory_space<vmem>>, vector<16xi32>,
        %scan3A_206 = arith.constant 0 : i32
        scf.yield %scan3A_206 : i32
      }
      %scan3A_171 = arith.constant 8 : i32
      %dma_start3A_172 = arith.constant 0 : i32
      %dma_start3A_173 = arith.constant 0 : i32
      %dma_start3A_174 = tpu.memref_slice %arg3[%dma_start3A_172, %dma_start3A_173] : memref<20000x128xf32, #tpu.memory_space<hbm>> -> memref<20000x128xf32, #tpu.memory_space<hbm>>
      tpu.enqueue_indirect_dma source(%dma_start3A_174 : memref<20000x128xf32, #tpu.memory_space<hbm>>) target(%arg12 : memref<128x128xf32, #tpu.memory_space<vmem>>) offsets(%arg8 : memref<128xi32, #tpu.memory_space<vmem>>) semaphore(%arg15 : memref<!tpu.dma_semaphore, #tpu.memory_space<semaphore_mem>>)
      %dma_wait3A_175 = arith.constant 0 : i32
      %dma_wait3A_176 = arith.constant 0 : i32
      %dma_wait3A_177 = tpu.memref_slice %arg3[%dma_wait3A_175, %dma_wait3A_176] : memref<20000x128xf32, #tpu.memory_space<hbm>> -> memref<20000x128xf32, #tpu.memory_space<hbm>>
      tpu.wait_indirect_dma semaphore(%arg14 : memref<!tpu.dma_semaphore, #tpu.memory_space<semaphore_mem>>) src(%dma_wait3A_177 : memref<20000x128xf32, #tpu.memory_space<hbm>>) dst(%arg11 : memref<128x128xf32, #tpu.memory_space<vmem>>)
      "tpu.region"() ({
        %run_scoped3A = tpu.sem_alloc : memref<!tpu.dma_semaphore, #tpu.memory_space<semaphore_mem>>
        %dma_start3A_182 = arith.constant 0 : i32
        %dma_start3A_183 = arith.constant 0 : i32
        %dma_start3A_184 = tpu.memref_slice %arg13[%dma_start3A_182, %dma_start3A_183] : memref<10240x128xf32, #tpu.memory_space<vmem_shared>> -> memref<10240x128xf32, #tpu.memory_space<vmem_shared>>
        tpu.enqueue_indirect_dma source(%arg11 : memref<128x128xf32, #tpu.memory_space<vmem>>) target(%dma_start3A_184 : memref<10240x128xf32, #tpu.memory_space<vmem_shared>>) offsets(%arg9 : memref<128xi32, #tpu.memory_space<vmem>>) semaphore(%run_scoped3A : memref<!tpu.dma_semaphore, #tpu.memory_space<semaphore_mem>>) {add = true}
        %dma_wait3A_185 = arith.constant 0 : i32
        %dma_wait3A_186 = arith.constant 0 : i32
        %dma_wait3A_187 = tpu.memref_slice %arg13[%dma_wait3A_185, %dma_wait3A_186] : memref<10240x128xf32, #tpu.memory_space<vmem_shared>> -> memref<10240x128xf32, #tpu.memory_space<vmem_shared>>
        tpu.wait_indirect_dma semaphore(%run_scoped3A : memref<!tpu.dma_semaphore, #tpu.memory_space<semaphore_mem>>) src(%arg11 : memref<128x128xf32, #tpu.memory_space<vmem>>) dst(%dma_wait3A_187 : memref<10240x128xf32, #tpu.memory_space<vmem_shared>>)
        tpu.yield
      }) : () -> ()
      %dma_wait3A_178 = arith.constant 0 : i32
      %dma_wait3A_179 = arith.constant 0 : i32
      %dma_wait3A_180 = tpu.memref_slice %arg3[%dma_wait3A_178, %dma_wait3A_179] : memref<20000x128xf32, #tpu.memory_space<hbm>> -> memref<20000x128xf32, #tpu.memory_space<hbm>>
      tpu.wait_indirect_dma semaphore(%arg15 : memref<!tpu.dma_semaphore, #tpu.memory_space<semaphore_mem>>) src(%dma_wait3A_180 : memref<20000x128xf32, #tpu.memory_space<hbm>>) dst(%arg12 : memref<128x128xf32, #tpu.memory_space<vmem>>)
      "tpu.region"() ({
        %run_scoped3A = tpu.sem_alloc : memref<!tpu.dma_semaphore, #tpu.memory_space<semaphore_mem>>
        %dma_start3A_182 = arith.constant 0 : i32
        %dma_start3A_183 = arith.constant 0 : i32
        %dma_start3A_184 = tpu.memref_slice %arg13[%dma_start3A_182, %dma_start3A_183] : memref<10240x128xf32, #tpu.memory_space<vmem_shared>> -> memref<10240x128xf32, #tpu.memory_space<vmem_shared>>
        tpu.enqueue_indirect_dma source(%arg12 : memref<128x128xf32, #tpu.memory_space<vmem>>) target(%dma_start3A_184 : memref<10240x128xf32, #tpu.memory_space<vmem_shared>>) offsets(%arg10 : memref<128xi32, #tpu.memory_space<vmem>>) semaphore(%run_scoped3A : memref<!tpu.dma_semaphore, #tpu.memory_space<semaphore_mem>>) {add = true}
        %dma_wait3A_185 = arith.constant 0 : i32
        %dma_wait3A_186 = arith.constant 0 : i32
        %dma_wait3A_187 = tpu.memref_slice %arg13[%dma_wait3A_185, %dma_wait3A_186] : memref<10240x128xf32, #tpu.memory_space<vmem_shared>> -> memref<10240x128xf32, #tpu.memory_space<vmem_shared>>
        tpu.wait_indirect_dma semaphore(%run_scoped3A : memref<!tpu.dma_semaphore, #tpu.memory_space<semaphore_mem>>) src(%arg12 : memref<128x128xf32, #tpu.memory_space<vmem>>) dst(%dma_wait3A_187 : memref<10240x128xf32, #tpu.memory_space<vmem_shared>>)
        tpu.yield
      }) : () -> ()
      %scan3A_181 = arith.constant 0 : i32
      scf.yield %scan3A_181 : i32
    }
    %scan3A_8 = arith.constant 8 : i32
    %barrier3A_9 = arith.constant 0 : index
    tpu.barrier barrier_id(%barrier3A_9)
    %mul3A_10 = arith.constant 640 : i32
    %mul3A_11 = arith.muli %arg1, %mul3A_10 : i32
    %mul3A_12 = arith.constant 640 : i32
    %mul3A_13 = arith.muli %arg1, %mul3A_12 : i32
    "tpu.region"() ({
      %run_scoped3A = tpu.sem_alloc : memref<!tpu.dma_semaphore, #tpu.memory_space<semaphore_mem>>
      %dma_start3A = arith.constant 0 : i32
      %dma_start3A_14 = tpu.memref_slice %arg5[%arg0, %mul3A_13, %dma_start3A] : memref<2x10240x128xf32, #tpu.memory_space<hbm>> -> memref<1x640x128xf32, #tpu.memory_space<hbm>>
      %dma_start3A_15 = tpu.memref_squeeze %dma_start3A_14 : memref<1x640x128xf32, #tpu.memory_space<hbm>> -> memref<640x128xf32, #tpu.memory_space<hbm>>
      %dma_start3A_16 = arith.constant 0 : i32
      %dma_start3A_17 = tpu.memref_slice %arg13[%mul3A_11, %dma_start3A_16] : memref<10240x128xf32, #tpu.memory_space<vmem_shared>> -> memref<640x128xf32, #tpu.memory_space<vmem_shared>>
      tpu.enqueue_dma source(%dma_start3A_17 : memref<640x128xf32, #tpu.memory_space<vmem_shared>>) target(%dma_start3A_15 : memref<640x128xf32, #tpu.memory_space<hbm>>) target_semaphore(%run_scoped3A : memref<!tpu.dma_semaphore, #tpu.memory_space<semaphore_mem>>)
      %dma_wait3A = arith.constant 0 : i32
      %dma_wait3A_18 = tpu.memref_slice %arg5[%arg0, %mul3A_13, %dma_wait3A] : memref<2x10240x128xf32, #tpu.memory_space<hbm>> -> memref<1x640x128xf32, #tpu.memory_space<hbm>>
      %dma_wait3A_19 = tpu.memref_squeeze %dma_wait3A_18 : memref<1x640x128xf32, #tpu.memory_space<hbm>> -> memref<640x128xf32, #tpu.memory_space<hbm>>
      %dma_wait3A_20 = arith.constant 0 : i32
      %dma_wait3A_21 = tpu.memref_slice %arg13[%mul3A_11, %dma_wait3A_20] : memref<10240x128xf32, #tpu.memory_space<vmem_shared>> -> memref<640x128xf32, #tpu.memory_space<vmem_shared>>
      tpu.wait_dma2 semaphore(%run_scoped3A : memref<!tpu.dma_semaphore, #tpu.memory_space<semaphore_mem>>) src(%dma_wait3A_21 : memref<640x128xf32, #tpu.memory_space<vmem_shared>>) dst(%dma_wait3A_19 : memref<640x128xf32, #tpu.memory_space<hbm>>)
      tpu.yield
    }) : () -> ()
    return
  }
}

module attributes {stable_mosaic.version = 14 : i64} {
  func.func @body(%arg0: memref<2x1250x128xi32, #tpu.memory_space<vmem>>, %arg1: memref<1250x128xi32, #tpu.memory_space<vmem>>) attributes {dimension_semantics = [], scalar_prefetch = 0 : i64, scratch_operands = 0 : i64, tpu.core_type = #tpu.core_type<tc>} {
    %get3A = arith.constant 0 : index
    %get3A_0 = arith.constant 0 : index
    %get3A_1 = arith.constant 0 : index
    %get3A_2 = vector.load %arg0[%get3A, %get3A_0, %get3A_1] : memref<2x1250x128xi32, #tpu.memory_space<vmem>>, vector<2x1250x128xi32>
    %slice3A = vector.extract_strided_slice %get3A_2 {offsets = [0, 0, 0], sizes = [1, 1250, 128], strides = [1, 1, 1]} : vector<2x1250x128xi32> to vector<1x1250x128xi32>
    %squeeze3A = vector.shape_cast %slice3A : vector<1x1250x128xi32> to vector<1250x128xi32>
    %slice3A_3 = vector.extract_strided_slice %get3A_2 {offsets = [1, 0, 0], sizes = [1, 1250, 128], strides = [1, 1, 1]} : vector<2x1250x128xi32> to vector<1x1250x128xi32>
    %squeeze3A_4 = vector.shape_cast %slice3A_3 : vector<1x1250x128xi32> to vector<1250x128xi32>
    %shift_left3A = arith.constant 14 : i32
    %shift_left3A_5 = vector.broadcast %shift_left3A : i32 to vector<1250x128xi32>
    %shift_left3A_6 = arith.shli %squeeze3A_4, %shift_left3A_5 : vector<1250x128xi32>
    %or3A = arith.ori %squeeze3A, %shift_left3A_6 : vector<1250x128xi32>
    %swap3A = arith.constant 0 : index
    %swap3A_7 = arith.constant 0 : index
    %swap3A_8 = vector.load %arg1[%swap3A, %swap3A_7] : memref<1250x128xi32, #tpu.memory_space<vmem>>, vector<1250x128xi32>
    tpu.vector_store %arg1[%swap3A, %swap3A_7], %or3A {strides = array<i32>} : memref<1250x128xi32, #tpu.memory_space<vmem>>, vector<1250x128xi32>,
    return
  }
}

module attributes {stable_mosaic.version = 14 : i64} {
  func.func @body(%arg0: i32, %arg1: i32, %arg2: memref<1000x256xf32, #tpu.memory_space<vmem>>, %arg3: memref<256x128xf32, #tpu.memory_space<vmem>>, %arg4: memref<1000x128xf32, #tpu.memory_space<vmem>>) attributes {dimension_semantics = [#tpu.dimension_semantics<arbitrary>, #tpu.dimension_semantics<arbitrary>], iteration_bounds = array<i64: 10, 2>, scalar_prefetch = 0 : i64, scratch_operands = 0 : i64, tpu.core_type = #tpu.core_type<tc>, window_params = [{transform_indices = @transform_0, window_bounds = array<i64: 1000, 256>}, {transform_indices = @transform_1, window_bounds = array<i64: 256, 128>}, {transform_indices = @transform_2, window_bounds = array<i64: 1000, 128>}]} {
    %get3A = arith.constant 0 : index
    %get3A_0 = arith.constant 0 : index
    %get3A_1 = vector.load %arg2[%get3A, %get3A_0] : memref<1000x256xf32, #tpu.memory_space<vmem>>, vector<1000x256xf32>
    %get3A_2 = arith.constant 0 : index
    %get3A_3 = arith.constant 0 : index
    %get3A_4 = vector.load %arg3[%get3A_2, %get3A_3] : memref<256x128xf32, #tpu.memory_space<vmem>>, vector<256x128xf32>
    %dot_general3A = arith.constant dense<0.000000e+00> : vector<1000x128xf32>
    %dot_general3A_5 = tpu.matmul %get3A_1, %get3A_4, %dot_general3A {dimension_numbers = #tpu.dot_dimension_numbers<[1], [0], [0], [1], [0, 0, 1, 1], [], []>, precision = #tpu.contract_precision<fp32>, transpose_lhs_hint = false} : vector<1000x256xf32>, vector<256x128xf32>, vector<1000x128xf32> -> vector<1000x128xf32>
    %swap3A = arith.constant 0 : index
    %swap3A_6 = arith.constant 0 : index
    %swap3A_7 = vector.load %arg4[%swap3A, %swap3A_6] : memref<1000x128xf32, #tpu.memory_space<vmem>>, vector<1000x128xf32>
    tpu.vector_store %arg4[%swap3A, %swap3A_6], %dot_general3A_5 {strides = array<i32>} : memref<1000x128xf32, #tpu.memory_space<vmem>>, vector<1000x128xf32>,
    return
  }
  func.func @transform_0(%arg0: i32, %arg1: i32) -> (i32, i32) {
    %c0_i32 = arith.constant 0 : i32
    %c0_i32_0 = arith.constant 0 : i32
    return %arg0, %c0_i32 : i32, i32
  }
  func.func @transform_1(%arg0: i32, %arg1: i32) -> (i32, i32) {
    %c0_i32 = arith.constant 0 : i32
    %c0_i32_0 = arith.constant 0 : i32
    return %c0_i32, %arg1 : i32, i32
  }
  func.func @transform_2(%arg0: i32, %arg1: i32) -> (i32, i32) {
    %mul3A = arith.constant 10 : i32
    %mul3A_0 = arith.muli %arg1, %mul3A : i32
    %add3A = arith.addi %mul3A_0, %arg0 : i32
    %c0_i32 = arith.constant 0 : i32
    %c0_i32_1 = arith.constant 0 : i32
    return %add3A, %c0_i32 : i32, i32
  }
}

module attributes {stable_mosaic.version = 14 : i64} {
  func.func @body(%arg0: i32, %arg1: memref<2x1000x128xf32, #tpu.memory_space<vmem>>, %arg2: memref<2x1000x16xf32, #tpu.memory_space<vmem>>, %arg3: memref<2x1000x128xf32, #tpu.memory_space<vmem>>) attributes {dimension_semantics = [#tpu.dimension_semantics<arbitrary>], iteration_bounds = array<i64: 10>, scalar_prefetch = 0 : i64, scratch_operands = 0 : i64, tpu.core_type = #tpu.core_type<tc>, window_params = [{transform_indices = @transform_0, window_bounds = array<i64: 2, 1000, 128>}, {transform_indices = @transform_1, window_bounds = array<i64: 2, 1000, 16>}, {transform_indices = @transform_2, window_bounds = array<i64: 2, 1000, 128>}]} {
    %get3A = arith.constant 0 : index
    %get3A_0 = arith.constant 0 : index
    %get3A_1 = arith.constant 0 : index
    %get3A_2 = vector.load %arg2[%get3A, %get3A_0, %get3A_1] : memref<2x1000x16xf32, #tpu.memory_space<vmem>>, vector<2x1000x16xf32>
    %slice3A = vector.extract_strided_slice %get3A_2 {offsets = [0, 0, 0], sizes = [1, 1000, 16], strides = [1, 1, 1]} : vector<2x1000x16xf32> to vector<1x1000x16xf32>
    %squeeze3A = vector.shape_cast %slice3A : vector<1x1000x16xf32> to vector<1000x16xf32>
    %slice3A_3 = vector.extract_strided_slice %squeeze3A {offsets = [0, 0], sizes = [1000, 1], strides = [1, 1]} : vector<1000x16xf32> to vector<1000x1xf32>
    %slice3A_4 = vector.extract_strided_slice %get3A_2 {offsets = [1, 0, 0], sizes = [1, 1000, 16], strides = [1, 1, 1]} : vector<2x1000x16xf32> to vector<1x1000x16xf32>
    %squeeze3A_5 = vector.shape_cast %slice3A_4 : vector<1x1000x16xf32> to vector<1000x16xf32>
    %slice3A_6 = vector.extract_strided_slice %squeeze3A_5 {offsets = [0, 0], sizes = [1000, 1], strides = [1, 1]} : vector<1000x16xf32> to vector<1000x1xf32>
    %add3A = arith.addf %slice3A_3, %slice3A_6 : vector<1000x1xf32>
    %add3A_7 = arith.constant 1.000000e+00 : f32
    %add3A_8 = vector.broadcast %add3A_7 : f32 to vector<1000x1xf32>
    %add3A_9 = arith.addf %add3A, %add3A_8 : vector<1000x1xf32>
    %rsqrt3A = math.rsqrt %add3A_9 : vector<1000x1xf32>
    %get3A_10 = arith.constant 0 : index
    %get3A_11 = arith.constant 0 : index
    %get3A_12 = arith.constant 0 : index
    %get3A_13 = vector.load %arg1[%get3A_10, %get3A_11, %get3A_12] : memref<2x1000x128xf32, #tpu.memory_space<vmem>>, vector<2x1000x128xf32>
    %broadcast_in_dim3A = vector.shape_cast %rsqrt3A : vector<1000x1xf32> to vector<1x1000x1xf32>
    %mul3A = vector.broadcast %broadcast_in_dim3A : vector<1x1000x1xf32> to vector<2x1000x128xf32>
    %mul3A_14 = arith.mulf %get3A_13, %mul3A : vector<2x1000x128xf32>
    %swap3A = arith.constant 0 : index
    %swap3A_15 = arith.constant 0 : index
    %swap3A_16 = arith.constant 0 : index
    %swap3A_17 = vector.load %arg3[%swap3A, %swap3A_15, %swap3A_16] : memref<2x1000x128xf32, #tpu.memory_space<vmem>>, vector<2x1000x128xf32>
    tpu.vector_store %arg3[%swap3A, %swap3A_15, %swap3A_16], %mul3A_14 {strides = array<i32>} : memref<2x1000x128xf32, #tpu.memory_space<vmem>>, vector<2x1000x128xf32>,
    return
  }
  func.func @transform_0(%arg0: i32) -> (i32, i32, i32) {
    %c0_i32 = arith.constant 0 : i32
    %c0_i32_0 = arith.constant 0 : i32
    %c0_i32_1 = arith.constant 0 : i32
    return %c0_i32, %arg0, %c0_i32_0 : i32, i32, i32
  }
  func.func @transform_1(%arg0: i32) -> (i32, i32, i32) {
    %c0_i32 = arith.constant 0 : i32
    %c0_i32_0 = arith.constant 0 : i32
    %c0_i32_1 = arith.constant 0 : i32
    return %c0_i32, %arg0, %c0_i32_0 : i32, i32, i32
  }
  func.func @transform_2(%arg0: i32) -> (i32, i32, i32) {
    %c0_i32 = arith.constant 0 : i32
    %c0_i32_0 = arith.constant 0 : i32
    %c0_i32_1 = arith.constant 0 : i32
    return %c0_i32, %arg0, %c0_i32_0 : i32, i32, i32
  }
}

module attributes {stable_mosaic.version = 14 : i64} {
  func.func @body(%arg0: i32, %arg1: memref<2x1000x128xf32, #tpu.memory_space<vmem>>, %arg2: memref<2x1000x128xf32, #tpu.memory_space<vmem>>, %arg3: memref<2x1000x16xf32, #tpu.memory_space<vmem>>, %arg4: memref<1x256xf32, #tpu.memory_space<vmem>>, %arg5: memref<256x16xf32, #tpu.memory_space<vmem>>, %arg6: memref<1000x16xf32, #tpu.memory_space<vmem>>) attributes {dimension_semantics = [#tpu.dimension_semantics<arbitrary>], iteration_bounds = array<i64: 10>, scalar_prefetch = 0 : i64, scratch_operands = 0 : i64, tpu.core_type = #tpu.core_type<tc>, window_params = [{transform_indices = @transform_0, window_bounds = array<i64: 2, 1000, 128>}, {transform_indices = @transform_1, window_bounds = array<i64: 2, 1000, 128>}, {transform_indices = @transform_2, window_bounds = array<i64: 2, 1000, 16>}, {pipeline_mode = #tpu.pipeline_mode<synchronous>, transform_indices = @transform_3, window_bounds = array<i64: 1, 256>}, {pipeline_mode = #tpu.pipeline_mode<synchronous>, transform_indices = @transform_4, window_bounds = array<i64: 256, 16>}, {transform_indices = @transform_5, window_bounds = array<i64: 1000, 16>}]} {
    %get3A = arith.constant 0 : index
    %get3A_0 = arith.constant 0 : index
    %get3A_1 = arith.constant 0 : index
    %get3A_2 = vector.load %arg3[%get3A, %get3A_0, %get3A_1] : memref<2x1000x16xf32, #tpu.memory_space<vmem>>, vector<2x1000x16xf32>
    %slice3A = vector.extract_strided_slice %get3A_2 {offsets = [0, 0, 0], sizes = [1, 1000, 16], strides = [1, 1, 1]} : vector<2x1000x16xf32> to vector<1x1000x16xf32>
    %squeeze3A = vector.shape_cast %slice3A : vector<1x1000x16xf32> to vector<1000x16xf32>
    %slice3A_3 = vector.extract_strided_slice %squeeze3A {offsets = [0, 0], sizes = [1000, 1], strides = [1, 1]} : vector<1000x16xf32> to vector<1000x1xf32>
    %slice3A_4 = vector.extract_strided_slice %get3A_2 {offsets = [1, 0, 0], sizes = [1, 1000, 16], strides = [1, 1, 1]} : vector<2x1000x16xf32> to vector<1x1000x16xf32>
    %squeeze3A_5 = vector.shape_cast %slice3A_4 : vector<1x1000x16xf32> to vector<1000x16xf32>
    %slice3A_6 = vector.extract_strided_slice %squeeze3A_5 {offsets = [0, 0], sizes = [1000, 1], strides = [1, 1]} : vector<1000x16xf32> to vector<1000x1xf32>
    %add3A = arith.addf %slice3A_3, %slice3A_6 : vector<1000x1xf32>
    %add3A_7 = arith.constant 1.000000e+00 : f32
    %add3A_8 = vector.broadcast %add3A_7 : f32 to vector<1000x1xf32>
    %add3A_9 = arith.addf %add3A, %add3A_8 : vector<1000x1xf32>
    %rsqrt3A = math.rsqrt %add3A_9 : vector<1000x1xf32>
    %get3A_10 = arith.constant 0 : index
    %get3A_11 = arith.constant 0 : index
    %get3A_12 = arith.constant 0 : index
    %get3A_13 = vector.load %arg1[%get3A_10, %get3A_11, %get3A_12] : memref<2x1000x128xf32, #tpu.memory_space<vmem>>, vector<2x1000x128xf32>
    %get3A_14 = arith.constant 0 : index
    %get3A_15 = arith.constant 0 : index
    %get3A_16 = arith.constant 0 : index
    %get3A_17 = vector.load %arg2[%get3A_14, %get3A_15, %get3A_16] : memref<2x1000x128xf32, #tpu.memory_space<vmem>>, vector<2x1000x128xf32>
    %slice3A_18 = vector.extract_strided_slice %get3A_13 {offsets = [0, 0, 0], sizes = [1, 1000, 128], strides = [1, 1, 1]} : vector<2x1000x128xf32> to vector<1x1000x128xf32>
    %squeeze3A_19 = vector.shape_cast %slice3A_18 : vector<1x1000x128xf32> to vector<1000x128xf32>
    %slice3A_20 = vector.extract_strided_slice %get3A_13 {offsets = [1, 0, 0], sizes = [1, 1000, 128], strides = [1, 1, 1]} : vector<2x1000x128xf32> to vector<1x1000x128xf32>
    %squeeze3A_21 = vector.shape_cast %slice3A_20 : vector<1x1000x128xf32> to vector<1000x128xf32>
    %concatenate3A = tpu.concatenate %squeeze3A_19, %squeeze3A_21 in 1 : vector<1000x128xf32>, vector<1000x128xf32> -> vector<1000x256xf32>
    %slice3A_22 = vector.extract_strided_slice %get3A_17 {offsets = [0, 0, 0], sizes = [1, 1000, 128], strides = [1, 1, 1]} : vector<2x1000x128xf32> to vector<1x1000x128xf32>
    %squeeze3A_23 = vector.shape_cast %slice3A_22 : vector<1x1000x128xf32> to vector<1000x128xf32>
    %slice3A_24 = vector.extract_strided_slice %get3A_17 {offsets = [1, 0, 0], sizes = [1, 1000, 128], strides = [1, 1, 1]} : vector<2x1000x128xf32> to vector<1x1000x128xf32>
    %squeeze3A_25 = vector.shape_cast %slice3A_24 : vector<1x1000x128xf32> to vector<1000x128xf32>
    %concatenate3A_26 = tpu.concatenate %squeeze3A_23, %squeeze3A_25 in 1 : vector<1000x128xf32>, vector<1000x128xf32> -> vector<1000x256xf32>
    %add3A_27 = arith.addf %concatenate3A, %concatenate3A_26 : vector<1000x256xf32>
    %mul3A = vector.broadcast %rsqrt3A : vector<1000x1xf32> to vector<1000x256xf32>
    %mul3A_28 = arith.mulf %mul3A, %add3A_27 : vector<1000x256xf32>
    %get3A_29 = arith.constant 0 : index
    %get3A_30 = arith.constant 0 : index
    %get3A_31 = vector.load %arg4[%get3A_29, %get3A_30] : memref<1x256xf32, #tpu.memory_space<vmem>>, vector<1x256xf32>
    %add3A_32 = vector.broadcast %get3A_31 : vector<1x256xf32> to vector<1000x256xf32>
    %add3A_33 = arith.addf %mul3A_28, %add3A_32 : vector<1000x256xf32>
    %max3A = arith.constant 0.000000e+00 : f32
    %max3A_34 = vector.broadcast %max3A : f32 to vector<1000x256xf32>
    %max3A_35 = arith.maximumf %add3A_33, %max3A_34 : vector<1000x256xf32>
    %get3A_36 = arith.constant 0 : index
    %get3A_37 = arith.constant 0 : index
    %get3A_38 = vector.load %arg5[%get3A_36, %get3A_37] : memref<256x16xf32, #tpu.memory_space<vmem>>, vector<256x16xf32>
    %dot_general3A = arith.constant dense<0.000000e+00> : vector<1000x16xf32>
    %dot_general3A_39 = tpu.matmul %max3A_35, %get3A_38, %dot_general3A {dimension_numbers = #tpu.dot_dimension_numbers<[1], [0], [0], [1], [0, 0, 1, 1], [], []>, precision = #tpu.contract_precision<fp32>, transpose_lhs_hint = false} : vector<1000x256xf32>, vector<256x16xf32>, vector<1000x16xf32> -> vector<1000x16xf32>
    %mul3A_40 = vector.broadcast %rsqrt3A : vector<1000x1xf32> to vector<1000x16xf32>
    %mul3A_41 = arith.mulf %mul3A_40, %dot_general3A_39 : vector<1000x16xf32>
    %swap3A = arith.constant 0 : index
    %swap3A_42 = arith.constant 0 : index
    %swap3A_43 = vector.load %arg6[%swap3A, %swap3A_42] : memref<1000x16xf32, #tpu.memory_space<vmem>>, vector<1000x16xf32>
    tpu.vector_store %arg6[%swap3A, %swap3A_42], %mul3A_41 {strides = array<i32>} : memref<1000x16xf32, #tpu.memory_space<vmem>>, vector<1000x16xf32>,
    return
  }
  func.func @transform_0(%arg0: i32) -> (i32, i32, i32) {
    %c0_i32 = arith.constant 0 : i32
    %c0_i32_0 = arith.constant 0 : i32
    %c0_i32_1 = arith.constant 0 : i32
    return %c0_i32, %arg0, %c0_i32_0 : i32, i32, i32
  }
  func.func @transform_1(%arg0: i32) -> (i32, i32, i32) {
    %c0_i32 = arith.constant 0 : i32
    %c0_i32_0 = arith.constant 0 : i32
    %c0_i32_1 = arith.constant 0 : i32
    return %c0_i32, %arg0, %c0_i32_0 : i32, i32, i32
  }
  func.func @transform_2(%arg0: i32) -> (i32, i32, i32) {
    %c0_i32 = arith.constant 0 : i32
    %c0_i32_0 = arith.constant 0 : i32
    %c0_i32_1 = arith.constant 0 : i32
    return %c0_i32, %arg0, %c0_i32_0 : i32, i32, i32
  }
  func.func @transform_3(%arg0: i32) -> (i32, i32) {
    %c0_i32 = arith.constant 0 : i32
    %c0_i32_0 = arith.constant 0 : i32
    %c0_i32_1 = arith.constant 0 : i32
    return %c0_i32, %c0_i32_0 : i32, i32
  }
  func.func @transform_4(%arg0: i32) -> (i32, i32) {
    %c0_i32 = arith.constant 0 : i32
    %c0_i32_0 = arith.constant 0 : i32
    %c0_i32_1 = arith.constant 0 : i32
    return %c0_i32, %c0_i32_0 : i32, i32
  }
  func.func @transform_5(%arg0: i32) -> (i32, i32) {
    %c0_i32 = arith.constant 0 : i32
    %c0_i32_0 = arith.constant 0 : i32
    return %arg0, %c0_i32 : i32, i32
  }
}

module attributes {stable_mosaic.version = 14 : i64} {
  func.func @body(%arg0: i32, %arg1: memref<2x1000x16xf32, #tpu.memory_space<vmem>>, %arg2: memref<1000x16xf32, #tpu.memory_space<vmem>>, %arg3: memref<2x1000x16xf32, #tpu.memory_space<vmem>>, %arg4: memref<1x16xf32, #tpu.memory_space<vmem>>, %arg5: memref<1000x16xf32, #tpu.memory_space<vmem>>) attributes {dimension_semantics = [#tpu.dimension_semantics<arbitrary>], iteration_bounds = array<i64: 10>, scalar_prefetch = 0 : i64, scratch_operands = 0 : i64, tpu.core_type = #tpu.core_type<tc>, window_params = [{transform_indices = @transform_0, window_bounds = array<i64: 2, 1000, 16>}, {transform_indices = @transform_1, window_bounds = array<i64: 1000, 16>}, {transform_indices = @transform_2, window_bounds = array<i64: 2, 1000, 16>}, {pipeline_mode = #tpu.pipeline_mode<synchronous>, transform_indices = @transform_3, window_bounds = array<i64: 1, 16>}, {transform_indices = @transform_4, window_bounds = array<i64: 1000, 16>}]} {
    %get3A = arith.constant 0 : index
    %get3A_0 = arith.constant 0 : index
    %get3A_1 = arith.constant 0 : index
    %get3A_2 = vector.load %arg3[%get3A, %get3A_0, %get3A_1] : memref<2x1000x16xf32, #tpu.memory_space<vmem>>, vector<2x1000x16xf32>
    %slice3A = vector.extract_strided_slice %get3A_2 {offsets = [0, 0, 0], sizes = [1, 1000, 16], strides = [1, 1, 1]} : vector<2x1000x16xf32> to vector<1x1000x16xf32>
    %squeeze3A = vector.shape_cast %slice3A : vector<1x1000x16xf32> to vector<1000x16xf32>
    %slice3A_3 = vector.extract_strided_slice %squeeze3A {offsets = [0, 0], sizes = [1000, 1], strides = [1, 1]} : vector<1000x16xf32> to vector<1000x1xf32>
    %slice3A_4 = vector.extract_strided_slice %get3A_2 {offsets = [1, 0, 0], sizes = [1, 1000, 16], strides = [1, 1, 1]} : vector<2x1000x16xf32> to vector<1x1000x16xf32>
    %squeeze3A_5 = vector.shape_cast %slice3A_4 : vector<1x1000x16xf32> to vector<1000x16xf32>
    %slice3A_6 = vector.extract_strided_slice %squeeze3A_5 {offsets = [0, 0], sizes = [1000, 1], strides = [1, 1]} : vector<1000x16xf32> to vector<1000x1xf32>
    %add3A = arith.addf %slice3A_3, %slice3A_6 : vector<1000x1xf32>
    %add3A_7 = arith.constant 1.000000e+00 : f32
    %add3A_8 = vector.broadcast %add3A_7 : f32 to vector<1000x1xf32>
    %add3A_9 = arith.addf %add3A, %add3A_8 : vector<1000x1xf32>
    %rsqrt3A = math.rsqrt %add3A_9 : vector<1000x1xf32>
    %get3A_10 = arith.constant 0 : index
    %get3A_11 = arith.constant 0 : index
    %get3A_12 = arith.constant 0 : index
    %get3A_13 = vector.load %arg1[%get3A_10, %get3A_11, %get3A_12] : memref<2x1000x16xf32, #tpu.memory_space<vmem>>, vector<2x1000x16xf32>
    %slice3A_14 = vector.extract_strided_slice %get3A_13 {offsets = [0, 0, 0], sizes = [1, 1000, 16], strides = [1, 1, 1]} : vector<2x1000x16xf32> to vector<1x1000x16xf32>
    %squeeze3A_15 = vector.shape_cast %slice3A_14 : vector<1x1000x16xf32> to vector<1000x16xf32>
    %slice3A_16 = vector.extract_strided_slice %get3A_13 {offsets = [1, 0, 0], sizes = [1, 1000, 16], strides = [1, 1, 1]} : vector<2x1000x16xf32> to vector<1x1000x16xf32>
    %squeeze3A_17 = vector.shape_cast %slice3A_16 : vector<1x1000x16xf32> to vector<1000x16xf32>
    %add3A_18 = arith.addf %squeeze3A_15, %squeeze3A_17 : vector<1000x16xf32>
    %get3A_19 = arith.constant 0 : index
    %get3A_20 = arith.constant 0 : index
    %get3A_21 = vector.load %arg2[%get3A_19, %get3A_20] : memref<1000x16xf32, #tpu.memory_space<vmem>>, vector<1000x16xf32>
    %add3A_22 = arith.addf %add3A_18, %get3A_21 : vector<1000x16xf32>
    %mul3A = vector.broadcast %rsqrt3A : vector<1000x1xf32> to vector<1000x16xf32>
    %mul3A_23 = arith.mulf %mul3A, %add3A_22 : vector<1000x16xf32>
    %get3A_24 = arith.constant 0 : index
    %get3A_25 = arith.constant 0 : index
    %get3A_26 = vector.load %arg4[%get3A_24, %get3A_25] : memref<1x16xf32, #tpu.memory_space<vmem>>, vector<1x16xf32>
    %add3A_27 = vector.broadcast %get3A_26 : vector<1x16xf32> to vector<1000x16xf32>
    %add3A_28 = arith.addf %mul3A_23, %add3A_27 : vector<1000x16xf32>
    %reduce_max3A = arith.constant dense<0xFF800000> : vector<1000xf32>
    %reduce_max3A_29 = vector.multi_reduction <maximumf>, %add3A_28, %reduce_max3A [1] : vector<1000x16xf32> to vector<1000xf32>
    %broadcast_in_dim3A = vector.shape_cast %reduce_max3A_29 : vector<1000xf32> to vector<1000x1xf32>
    %sub3A = vector.broadcast %broadcast_in_dim3A : vector<1000x1xf32> to vector<1000x16xf32>
    %sub3A_30 = arith.subf %add3A_28, %sub3A : vector<1000x16xf32>
    %exp3A = math.exp %sub3A_30 : vector<1000x16xf32>
    %reduce_sum3A = arith.constant dense<0.000000e+00> : vector<1000xf32>
    %reduce_sum3A_31 = vector.multi_reduction <add>, %exp3A, %reduce_sum3A [1] : vector<1000x16xf32> to vector<1000xf32>
    %broadcast_in_dim3A_32 = vector.shape_cast %reduce_sum3A_31 : vector<1000xf32> to vector<1000x1xf32>
    %sub3A_33 = vector.broadcast %broadcast_in_dim3A : vector<1000x1xf32> to vector<1000x16xf32>
    %sub3A_34 = arith.subf %add3A_28, %sub3A_33 : vector<1000x16xf32>
    %log3A = math.log %broadcast_in_dim3A_32 : vector<1000x1xf32>
    %sub3A_35 = vector.broadcast %log3A : vector<1000x1xf32> to vector<1000x16xf32>
    %sub3A_36 = arith.subf %sub3A_34, %sub3A_35 : vector<1000x16xf32>
    %swap3A = arith.constant 0 : index
    %swap3A_37 = arith.constant 0 : index
    %swap3A_38 = vector.load %arg5[%swap3A, %swap3A_37] : memref<1000x16xf32, #tpu.memory_space<vmem>>, vector<1000x16xf32>
    tpu.vector_store %arg5[%swap3A, %swap3A_37], %sub3A_36 {strides = array<i32>} : memref<1000x16xf32, #tpu.memory_space<vmem>>, vector<1000x16xf32>,
    return
  }
  func.func @transform_0(%arg0: i32) -> (i32, i32, i32) {
    %c0_i32 = arith.constant 0 : i32
    %c0_i32_0 = arith.constant 0 : i32
    %c0_i32_1 = arith.constant 0 : i32
    return %c0_i32, %arg0, %c0_i32_0 : i32, i32, i32
  }
  func.func @transform_1(%arg0: i32) -> (i32, i32) {
    %c0_i32 = arith.constant 0 : i32
    %c0_i32_0 = arith.constant 0 : i32
    return %arg0, %c0_i32 : i32, i32
  }
  func.func @transform_2(%arg0: i32) -> (i32, i32, i32) {
    %c0_i32 = arith.constant 0 : i32
    %c0_i32_0 = arith.constant 0 : i32
    %c0_i32_1 = arith.constant 0 : i32
    return %c0_i32, %arg0, %c0_i32_0 : i32, i32, i32
  }
  func.func @transform_3(%arg0: i32) -> (i32, i32) {
    %c0_i32 = arith.constant 0 : i32
    %c0_i32_0 = arith.constant 0 : i32
    %c0_i32_1 = arith.constant 0 : i32
    return %c0_i32, %c0_i32_0 : i32, i32
  }
  func.func @transform_4(%arg0: i32) -> (i32, i32) {
    %c0_i32 = arith.constant 0 : i32
    %c0_i32_0 = arith.constant 0 : i32
    return %arg0, %c0_i32 : i32, i32
  }
}

</mosaic_0001>

<sc_bundles>
// kernel: kernel.10.cloned.1.call-start
scs
__scs_entry_jumppad:
0x0: {  	(pc) =	sbr.rel $0x88, $3  }
0x1: {  	(tag) =	ssettag $0x0;
	lr =	simm.s32 $0x1  }
0x2: {  	[smem:$0x3F9B] =	sst lr;
	_ =	strace $0xD0000000  }
0x3: {  	_ = 	snop  }
0x4: {  	_ = 	snop  }
0x5: {  	_ = 	snop  }
0x6: {  	_ = 	snop  }
0x7: {  	_ = 	snop  }
__scs_overlays_trampoline_lowered:
0x8: {  	[smem:$0x3FAA] =	sst s0  }
0x9: {  	[smem:$0x3FAB] =	sst s1  }
0xa: {  	[smem:$0x3FAC] =	sst s2  }
0xb: {  	[smem:$0x3FAD] =	sst s3  }
0xc: {  	[smem:$0x3FAE] =	sst s4  }
0xd: {  	[smem:$0x3FAF] =	sst s5  }
0xe: {  	[smem:$0x3FB0] =	sst s6  }
0xf: {  	[smem:$0x3FB1] =	sst s7  }
0x10: {  	[smem:$0x3FB2] =	sst s8  }
0x11: {  	[smem:$0x3FB3] =	sst s9;
	s0 =	simm.s32 @!p0 $0x0  }
0x12: {  	s1 =	sld [smem:$0x3F99];
	s0 =	simm.s32 @p0 $0x1  }
0x13: {  	[smem:$0x3FB4] =	sst s0;
	s0 =	simm.s32 @!p1 $0x0  }
0x14: {  	s2 =	sld [smem:$0x3F98];
	s0 =	simm.s32 @p1 $0x1  }
0x15: {  	[smem:$0x3FB5] =	sst s0;
	s0 =	simm.s32 @!p2 $0x0  }
0x16: {  	s3 =	sld [smem:$0x3FDB];
	s0 =	simm.s32 @p2 $0x1  }
0x17: {  	s4 =	simm.s32 $0x1BF5;
	[smem:$0x3FB7] =	sst s0  }
0x18: {  	s0 =	sld [smem:$0x3F9A];
	_ =	swait.ge [sflag:s4], $0x0  }
0x19: {  	s7 =	sld [smem:$0x3F9B]  }
0x1a: {  	s8 =	sadd.s32 $0xFFFFE003, lr  }
0x1b: {  	s9 =	sadd.s32 $0xFFFFFEF7, lr;
	s5 =	simm.s32 $0xFFFFFFFF;
	p2 =	slt.u32 s8, $0xFFFFF086  }
0x1c: {  	p1 =	slt.u32 s9, $0xF7A;
	s5 =	simm.s32 @!p2 $0x0  }
0x1d: {  	s5 =	simm.s32 @p1 $0x1;
	p0 =	seq.s32 s7, s2  }
0x1e: {  	s7 =	smul.u32 @!p0 $0xF7A, s2;
	p2 =	seq.s32 @!p0 s5, $0x0  }
0x1f: {  	s9 =	smul.u32 $0xF7A, s1;
	s8 =	simm.s32 @!p0 $0x1BF5;
	p2 =	por !p2, p0  }
0x20: {  	[sflag:s8] =	ssyncset.s32 @!p0 $0xFFFFF086;
	s6 =	sadd.s32 @!p0 s3, s7;
	s7 =	simm.s32 @!p0 $0x108  }
0x21: {  	s3 =	sadd.s32 s3, s9;
	s6 =	sadd.s32 @!p0 $0x88, s6;
	s7 =	simm.s32 @p2 $0x1082  }
0x22: {  	[simem:s7], [sflag:s8] =	dma.local @!p0 [hbm:s6], $0xF7A  }
0x23: {  	s9 =	sor.u32 $0xD0000000, s2;
	s6 =	simm.s32 $0x108;
	_ =	swait.ge @!p0 [sflag:s8], $0x0  }
0x24: {  	s3 =	sadd.s32 $0x88, s3;
	s6 =	simm.s32 @!p1 $0x1082;
	[sflag:s4] =	ssyncset.s32 $0xFFFFF086  }
0x25: {  	[simem:s6], [sflag:s4] =	dma.local [hbm:s3], $0xF7A  }
0x26: {  	[smem:$0x3F9B] =	sst s1;
	(tag) =	ssettag s2;
	_ =	strace s9  }
0x27: {  	s1 =	sld [smem:$0x3FAB]  }
0x28: {  	s2 =	sld [smem:$0x3FAC]  }
0x29: {  	s4 =	sld [smem:$0x3FAE]  }
0x2a: {  	p0 =	seq.s32 s5, $0x0;
	s5 =	sld [smem:$0x3FAF]  }
0x2b: {  	s6 =	sld [smem:$0x3FB0]  }
0x2c: {  	s7 =	sld [smem:$0x3FB1]  }
0x2d: {  	s3 =	simm.s32 $0x108;
	s8 =	sld [smem:$0x3FB2]  }
0x2e: {  	s3 =	simm.s32 @!p0 $0x1082;
	s9 =	sld [smem:$0x3FB3]  }
0x2f: {  	lr =	sadd.s32 s0, s3;
	s0 =	sld [smem:$0x3FAA]  }
0x30: {  	s3 =	sld [smem:$0x3FAD]  }
0x31: {  	[smem:$0x3FB6] =	sst s10  }
0x32: {  	s10 =	sld [smem:$0x3FB4];
	_ =	sdelay $0x3  }
0x33: {  	p0 =	seq.s32 s10, $0x1;
	s10 =	sld [smem:$0x3FB6];
	_ =	sdelay $0x3  }
0x34: {  	[smem:$0x3FB6] =	sst s10  }
0x35: {  	s10 =	sld [smem:$0x3FB5];
	_ =	sdelay $0x3  }
0x36: {  	p1 =	seq.s32 s10, $0x1;
	s10 =	sld [smem:$0x3FB6];
	_ =	sdelay $0x3  }
0x37: {  	[smem:$0x3FB6] =	sst s10  }
0x38: {  	s10 =	sld [smem:$0x3FB7]  }
0x39: {  	_ = 	snop;
	(pc) =	sbr.ind lr, $3  }
0x3a: {  	_ = 	snop  }
0x3b: {  	_ = 	snop  }
0x3c: {  	p2 =	seq.s32 s10, $0x1;
	s10 =	sld [smem:$0x3FB6]  }
0x3d: {  	_ =	shalt  }
0x3e: {  	_ =	shalt  }
0x3f: {  	_ =	shalt  }
0x40: {  	_ =	shalt  }
0x41: {  	_ =	shalt  }
0x42: {  	_ =	shalt  }
0x43: {  	_ =	shalt  }
0x44: {  	_ =	shalt  }
0x45: {  	_ =	shalt  }
0x46: {  	_ =	shalt  }
0x47: {  	_ =	shalt  }
0x48: {  	_ =	shalt  }
0x49: {  	_ =	shalt  }
0x4a: {  	_ =	shalt  }
0x4b: {  	_ =	shalt  }
0x4c: {  	_ =	shalt  }
0x4d: {  	_ =	shalt  }
0x4e: {  	_ =	shalt  }
0x4f: {  	_ =	shalt  }
0x50: {  	_ =	shalt  }
0x51: {  	_ =	shalt  }
0x52: {  	_ =	shalt  }
0x53: {  	_ =	shalt  }
0x54: {  	_ =	shalt  }
0x55: {  	_ =	shalt  }
0x56: {  	_ =	shalt  }
0x57: {  	_ =	shalt  }
0x58: {  	_ =	shalt  }
0x59: {  	_ =	shalt  }
0x5a: {  	_ =	shalt  }
0x5b: {  	_ =	shalt  }
0x5c: {  	_ =	shalt  }
0x5d: {  	_ =	shalt  }
0x5e: {  	_ =	shalt  }
0x5f: {  	_ =	shalt  }
0x60: {  	_ =	shalt  }
0x61: {  	_ =	shalt  }
0x62: {  	_ =	shalt  }
0x63: {  	_ =	shalt  }
0x64: {  	_ =	shalt  }
0x65: {  	_ =	shalt  }
0x66: {  	_ =	shalt  }
0x67: {  	_ =	shalt  }
0x68: {  	_ =	shalt  }
0x69: {  	_ =	shalt  }
0x6a: {  	_ =	shalt  }
0x6b: {  	_ =	shalt  }
0x6c: {  	_ =	shalt  }
0x6d: {  	_ =	shalt  }
0x6e: {  	_ =	shalt  }
0x6f: {  	_ =	shalt  }
0x70: {  	_ =	shalt  }
0x71: {  	_ =	shalt  }
0x72: {  	_ =	shalt  }
0x73: {  	_ =	shalt  }
0x74: {  	_ =	shalt  }
0x75: {  	_ =	shalt  }
0x76: {  	_ =	shalt  }
0x77: {  	_ =	shalt  }
0x78: {  	_ =	shalt  }
0x79: {  	_ =	shalt  }
0x7a: {  	_ =	shalt  }
0x7b: {  	_ =	shalt  }
0x7c: {  	_ =	shalt  }
0x7d: {  	_ =	shalt  }
0x7e: {  	_ =	shalt  }
0x7f: {  	_ =	shalt  }
0x80: {  	_ =	shalt  }
0x81: {  	_ =	shalt  }
0x82: {  	_ =	shalt  }
0x83: {  	_ =	shalt  }
0x84: {  	_ =	shalt  }
0x85: {  	_ =	shalt  }
0x86: {  	_ =	shalt  }
0x87: {  	_ =	shalt  }
.Lfunc_end0:
.L_simem_size_0:
called_computation_lowered:
.L_overlay_start_0:
0x88: {  	s2 =	sld [smem:$0x3FD9]  }
0x89: {  	s3 =	sld [smem:$0x3FFE];
	_ =	sdelay $0x1  }
0x8a: {  	s1 =	srdreg.scid  }
0x8b: {  	s0 =	sand.u32 $0x1, s1  }
0x8c: {  	s17 =	sshll.u32 s0, $0xA;
	s2 =	sadd.s32 s3, s2  }
0x8d: {  	s2 =	sadd.s32 s2, s17  }
0x8e: {  	[smem:$0x3FC2] =	sst s2  }
0x8f: {  	_ = 	snop  }
0x90: {  	s2 =	sld [smem:$0x3FD0];
	(tm) =	ssettm $0x1  }
0x91: {  	s18 =	sld [smem:$0x3FFB];
	_ =	sdelay $0x3  }
0x92: {  	_ =	strace s18  }
0x93: {  	s3 =	sld [smem:$0x3FFC];
	_ =	sdelay $0x3  }
0x94: {  	_ =	strace s3  }
0x95: {  	s3 =	sld [smem:$0x3FFD];
	_ =	sdelay $0x3  }
0x96: {  	_ =	strace s3  }
0x97: {  	_ =	strace $0x8FFFFFFF  }
0x98: {  	s19 =	sld [smem:$0x3FDB];
	_ =	sdelay $0x1  }
0x99: {  	s4 =	simm.s32 $_scs_section_size  }
0x9a: {  	s5 =	simm.s32 $_size__tile_overlayer_lowered;
	s6 =	simm.s32 $_tile_overlayer_lowered  }
0x9b: {  	s22 =	simm.s32 $0x1BFF;
	s21 =	sshll.u32 s6, $0x1;
	s3 =	sadd.s32 s4, s19  }
0x9c: {  	s7 =	simm.s32 $0x0;
	s20 =	sshll.u32 s5, $0x1;
	s5 =	sadd.s32 s21, s3  }
0x9d: {  	[timem:s7], [sflag:s22] =	dma.local [hbm:s5], s20  }
0x9e: {  	_ =	swait.ge [sflag:s22], s20  }
0x9f: {  	s4 =	ssub.s32 $0x0, s20;
	[sflag:s22] =	ssyncset.done $0x0  }
0xa0: {  	[sflag:s22] =	ssyncadd.s32 s4;
	_ =	sdelay $0x1  }
0xa1: {  	s23 =	simm.s32 $0x1B8B  }
0xa2: {  	_ =	swait.ge [sflag:s23], $0x1  }
0xa3: {  	[sflag:s23] =	ssyncset.done $0x0  }
0xa4: {  	s25 =	simm.s32 $0x1B8E;
	s24 =	sld [smem:$0x3FFE];
	[sflag:s23] =	ssyncadd.s32 $0xFFFFFFFF  }
0xa5: {  	s26 =	simm.s32 $execute0_lowered;
	[smem:$0x3FD2] =	sst s25  }
0xa6: {  	s5 =	sshll.u32 s26, $0x1;
	_ =	strace $0x80000046;
	[dreg:$0x1] =	wrdreg $0xFFFFFFFF  }
0xa7: {  	s28 =	simm.s32 $_size_execute0_lowered;
	s3 =	sadd.s32 s3, s5;
	[dreg:$0x0] =	wrdreg $0x0  }
0xa8: {  	s5 =	sshll.u32 s28, $0x1;
	[dreg:$0x2] =	wrdreg s3  }
0xa9: {  	[dreg:$0x3] =	wrdreg s5  }
0xaa: {  	[dreg:$0x4] =	wrdreg $0xC0  }
0xab: {  	_ =	task [dreg:s7], $0x5FFFF  }
0xac: {  	[dreg:$0x1] =	wrdreg $0xFFFFFFFF  }
0xad: {  	[dreg:$0x0] =	wrdreg $0x60  }
0xae: {  	[dreg:$0x2] =	wrdreg s24  }
0xaf: {  	[dreg:$0x3] =	wrdreg s2  }
0xb0: {  	[dreg:$0x4] =	wrdreg $0x54000  }
0xb1: {  	[dreg:$0x5] =	wrdreg $0x9  }
0xb2: {  	_ =	task.clear_ibuf [dreg:s7], $0x6FFFF;
	_ =	strace $0x90000046  }
0xb3: {  	s29 =	simm.s32 $0x9;
	_ =	strace $0x80000048  }
0xb4: {  	_ =	swait.ge [sflag:s29], $0x1  }
0xb5: {  	[sflag:s29] =	ssyncadd.s32 $0xFFFFFFFF  }
0xb6: {  	_ =	strace $0x90000048  }
0xb7: {  	_ =	sfence  }
0xb8: {  	s30 =	sld [smem:$0x0];
	_ =	sdelay $0x2  }
0xb9: {  	s31 =	sshll.u32 s1, $0xD;
	s1 =	sshrl.u32 s1, $0x2  }
0xba: {  	s3 =	sand.u32 $0x4000, s31;
	s1 =	sadd.s32 s1, s30  }
0xbb: {  	s0 =	sor.u32 s3, s0;
	s1 =	sshll.u32 s1, $0x11  }
0xbc: {  	s0 =	sor.u32 s1, s0  }
0xbd: {  	s0 =	sadd.s32 $0x8F2B, s0  }
0xbe: {  	[sflag:s0] =	ssyncadd.remote.s32 $0x1  }
0xbf: {  	_ =	sfence.sel $0xFFFF  }
0xc0: {  	[dreg:$0x0] =	wrdreg $0xFFFFFFFF;
	(pc) =	sbr.abs _section_cstart, $3  }
0xc1: {  	[dreg:$0x1] =	wrdreg $0xFFFFFFFF  }
0xc2: {  	_ =	task.clear_ibuf [dreg:s7], $0x2FFFF;
	_ =	strace $0x9FFFFFFF  }
0xc3: {  	(tm) =	ssettm $0x7FFFFFFF  }
tec
execute0_lowered:
.L_overlay_start_1:
0x0: {  	(tag) =	ssettag $0x1  }
0x1: {  	s0 =	rddreg [dreg:$0x0]  }
0x2: {  	s3 =	rddreg [dreg:$0x2];
	s1 =	srdreg.scid  }
0x3: {  	s7 =	stileid.u32;
	s4 =	simm.s32 $0x0;
	s10 =	simm.s32 $0x5  }
0x4: {  	s11 =	simm.s32 $0x80;
	s12 =	simm.s32 $0x1400;
	s15 =	simm.s32 $0x1  }
0x5: {  	s16 =	simm.s32 $0x2;
	s17 =	simm.s32 $0x3;
	s18 =	simm.s32 $0x4  }
0x6: {  	s28 =	simm.s32 $0xE80;
	s29 =	simm.s32 $0xF00;
	s30 =	simm.s32 $0xF80  }
0x7: {  	s31 =	simm.s32 $0x1000;
	s13 =	simm.s32 $0x1200;
	s14 =	simm.s32 $0x1280  }
0x8: {  	s19 =	simm.s32 $0x1300;
	s20 =	simm.s32 $0x1380;
	s21 =	simm.s32 $0x0  }
0x9: {  	s1 =	sand.u32 $0x1, s1;
	s6 =	smul.u32 $0x14000, s7;
	[smem:$0x7FF] =	sst s4  }
0xa: {  	s24 =	smul.u32 $0x50000, s7;
	s26 =	sshll.u32 s7, $0x6;
	s2 =	sshll.u32 s1, $0x4  }
0xb: {  	s5 =	smul.u32 $0x140000, s1;
	s1 =	ssub.s32 $0x2, s1;
	s2 =	sor.u32 s7, s2  }
0xc: {  	_ =	strace $0x80000047;
	s25 =	sshrl.u32 s1, $0x1;
	s2 =	smul.u32 $0x280, s2  }
0xd: {  	s5 =	sadd.s32 s6, s5;
	s6 =	sshrl.u32 s24, $0x2;
	s1 =	ssub.s32 s1, s25  }
0xe: {  	s24 =	simm.s32 $0xD00;
	s25 =	simm.s32 $0xD80;
	s5 =	sshrl.u32 s5, $0x3  }
0xf: {  	s9 =	sadd.s32 s6, s3;
	s8 =	smax.u32 s1, $0x1;
	s1 =	simm.s32 $0x1180  }
0x10: {  	s2 =	sadd.s32 s2, s0;
	s0 =	sadd.s32 s5, s0;
	s5 =	sor.u32 $0x1C05, s26  }
0x11: {  	s9 =	sshrl.u32 s9, $0x3;
	s26 =	simm.s32 $0xE00;
	s6 =	sadd.s32 $0x2800, s2  }
0x12: {  	v0 =	vimm.f32 $1.000000000e+00;
	s7 =	sadd.s32 $0x7800, s0;
	s0 =	simm.s32 $0x1080;
	s2 =	simm.s32 $0x1100  }
.LBB2_1:
0x13: {  	s22 =	simm.s32 $0x200;
	s23 =	simm.s32 $0x0  }
.LBB2_2:
0x14: {  	p0 =	sne.s32 s22, $0xFE00;
	[tilespmem:s23+$0x1400] =	vst v0;
	s23 =	smov.u32 s22;
	s22 =	sadd.s32 $0x200, s22  }
.Ltmp0:
0x15: {  	(pc) =	sbr.rel @p0 .LBB2_2-.Ltmp0, $2  }
0x16: {  	_ =	sdelay $0x2  }
0x17: {  	s23 =	sshra.s32 s23, $0x2  }
0x18: {  	[tilespmem:s23+$0x1400] =	vst v0;
	s22 =	rddreg [dreg:$0x1]  }
0x19: {  	[spmem:s9], [sflag:s5] =	dma.local [hbm:s22], $0x2800  }
0x1a: {  	_ =	swait.ge [sflag:s10], $0x2800  }
0x1b: {  	[sflag:s10] =	ssyncset.done $0x0  }
0x1c: {  	[sflag:s10] =	ssyncadd.s32 $0xFFFFD800  }
0x1d: {  	[tilespmem:s4], [sflag:$0x5] =	stream.linear.gather [hbm4b:s6+s4], $0x1400, $0x38;
	[tilespmem:$0x7C00] =	vst v63  }
0x1e: {  	_ =	swait.ge [sflag:s10], $0x1400  }
0x1f: {  	[sflag:s10] =	ssyncset.done $0x0  }
0x20: {  	[sflag:s10] =	ssyncadd.s32 $0xFFFFEC00  }
0x21: {  	[bflag:$0x0] =	sbarrier.arrive $0xFFFF  }
0x22: {  	[spmem:s3] =	stream.indirect.scatter.add.f32 [tilespmem:s12], [sflag:$0x1], $0x10, s4, s11, $0xb8;
	[tilespmem:$0x7C00] =	vst v63  }
0x23: {  	_ = 	snop  }
0x24: {  	[spmem:s3] =	stream.indirect.scatter.add.f32 [tilespmem:s12], [sflag:$0x2], $0x10, s11, s11, $0xb8;
	[tilespmem:$0x7C00] =	vst v63  }
0x25: {  	s23 =	simm.s32 $0x100  }
0x26: {  	[spmem:s3] =	stream.indirect.scatter.add.f32 [tilespmem:s12], [sflag:$0x3], $0x10, s23, s11, $0xb8;
	[tilespmem:$0x7C00] =	vst v63  }
0x27: {  	s23 =	simm.s32 $0x180  }
0x28: {  	[spmem:s3] =	stream.indirect.scatter.add.f32 [tilespmem:s12], [sflag:$0x4], $0x10, s23, s11, $0xb8;
	[tilespmem:$0x7C00] =	vst v63  }
0x29: {  	_ =	swait.ge [sflag:s15], $0x800  }
0x2a: {  	[sflag:s15] =	ssyncset.done $0x0  }
0x2b: {  	[sflag:s15] =	ssyncadd.s32 $0xFFFFF800  }
0x2c: {  	_ =	swait.ge [sflag:s16], $0x800  }
0x2d: {  	[sflag:s16] =	ssyncset.done $0x0  }
0x2e: {  	[sflag:s16] =	ssyncadd.s32 $0xFFFFF800  }
0x2f: {  	_ =	swait.ge [sflag:s17], $0x800  }
0x30: {  	[sflag:s17] =	ssyncset.done $0x0  }
0x31: {  	[sflag:s17] =	ssyncadd.s32 $0xFFFFF800  }
0x32: {  	_ =	swait.ge [sflag:s18], $0x800  }
0x33: {  	[sflag:s18] =	ssyncset.done $0x0  }
0x34: {  	s23 =	simm.s32 $0x200;
	[sflag:s18] =	ssyncadd.s32 $0xFFFFF800  }
0x35: {  	[spmem:s3] =	stream.indirect.scatter.add.f32 [tilespmem:s12], [sflag:$0x1], $0x10, s23, s11, $0xb8;
	[tilespmem:$0x7C00] =	vst v63  }
0x36: {  	s23 =	simm.s32 $0x280  }
0x37: {  	[spmem:s3] =	stream.indirect.scatter.add.f32 [tilespmem:s12], [sflag:$0x2], $0x10, s23, s11, $0xb8;
	[tilespmem:$0x7C00] =	vst v63  }
0x38: {  	s23 =	simm.s32 $0x300  }
0x39: {  	[spmem:s3] =	stream.indirect.scatter.add.f32 [tilespmem:s12], [sflag:$0x3], $0x10, s23, s11, $0xb8;
	[tilespmem:$0x7C00] =	vst v63  }
0x3a: {  	s23 =	simm.s32 $0x380  }
0x3b: {  	[spmem:s3] =	stream.indirect.scatter.add.f32 [tilespmem:s12], [sflag:$0x4], $0x10, s23, s11, $0xb8;
	[tilespmem:$0x7C00] =	vst v63  }
0x3c: {  	_ =	swait.ge [sflag:s15], $0x800  }
0x3d: {  	[sflag:s15] =	ssyncset.done $0x0  }
0x3e: {  	[sflag:s15] =	ssyncadd.s32 $0xFFFFF800  }
0x3f: {  	_ =	swait.ge [sflag:s16], $0x800  }
0x40: {  	[sflag:s16] =	ssyncset.done $0x0  }
0x41: {  	[sflag:s16] =	ssyncadd.s32 $0xFFFFF800  }
0x42: {  	_ =	swait.ge [sflag:s17], $0x800  }
0x43: {  	[sflag:s17] =	ssyncset.done $0x0  }
0x44: {  	[sflag:s17] =	ssyncadd.s32 $0xFFFFF800  }
0x45: {  	_ =	swait.ge [sflag:s18], $0x800  }
0x46: {  	[sflag:s18] =	ssyncset.done $0x0  }
0x47: {  	s23 =	simm.s32 $0x400;
	[sflag:s18] =	ssyncadd.s32 $0xFFFFF800  }
0x48: {  	[spmem:s3] =	stream.indirect.scatter.add.f32 [tilespmem:s12], [sflag:$0x1], $0x10, s23, s11, $0xb8;
	[tilespmem:$0x7C00] =	vst v63  }
0x49: {  	s23 =	simm.s32 $0x480  }
0x4a: {  	[spmem:s3] =	stream.indirect.scatter.add.f32 [tilespmem:s12], [sflag:$0x2], $0x10, s23, s11, $0xb8;
	[tilespmem:$0x7C00] =	vst v63  }
0x4b: {  	s23 =	simm.s32 $0x500  }
0x4c: {  	[spmem:s3] =	stream.indirect.scatter.add.f32 [tilespmem:s12], [sflag:$0x3], $0x10, s23, s11, $0xb8;
	[tilespmem:$0x7C00] =	vst v63  }
0x4d: {  	s23 =	simm.s32 $0x580  }
0x4e: {  	[spmem:s3] =	stream.indirect.scatter.add.f32 [tilespmem:s12], [sflag:$0x4], $0x10, s23, s11, $0xb8;
	[tilespmem:$0x7C00] =	vst v63  }
0x4f: {  	_ =	swait.ge [sflag:s15], $0x800  }
0x50: {  	[sflag:s15] =	ssyncset.done $0x0  }
0x51: {  	[sflag:s15] =	ssyncadd.s32 $0xFFFFF800  }
0x52: {  	_ =	swait.ge [sflag:s16], $0x800  }
0x53: {  	[sflag:s16] =	ssyncset.done $0x0  }
0x54: {  	[sflag:s16] =	ssyncadd.s32 $0xFFFFF800  }
0x55: {  	_ =	swait.ge [sflag:s17], $0x800  }
0x56: {  	[sflag:s17] =	ssyncset.done $0x0  }
0x57: {  	[sflag:s17] =	ssyncadd.s32 $0xFFFFF800  }
0x58: {  	_ =	swait.ge [sflag:s18], $0x800  }
0x59: {  	[sflag:s18] =	ssyncset.done $0x0  }
0x5a: {  	s23 =	simm.s32 $0x600;
	[sflag:s18] =	ssyncadd.s32 $0xFFFFF800  }
0x5b: {  	[spmem:s3] =	stream.indirect.scatter.add.f32 [tilespmem:s12], [sflag:$0x1], $0x10, s23, s11, $0xb8;
	[tilespmem:$0x7C00] =	vst v63  }
0x5c: {  	s23 =	simm.s32 $0x680  }
0x5d: {  	[spmem:s3] =	stream.indirect.scatter.add.f32 [tilespmem:s12], [sflag:$0x2], $0x10, s23, s11, $0xb8;
	[tilespmem:$0x7C00] =	vst v63  }
0x5e: {  	s23 =	simm.s32 $0x700  }
0x5f: {  	[spmem:s3] =	stream.indirect.scatter.add.f32 [tilespmem:s12], [sflag:$0x3], $0x10, s23, s11, $0xb8;
	[tilespmem:$0x7C00] =	vst v63  }
0x60: {  	s23 =	simm.s32 $0x780  }
0x61: {  	[spmem:s3] =	stream.indirect.scatter.add.f32 [tilespmem:s12], [sflag:$0x4], $0x10, s23, s11, $0xb8;
	[tilespmem:$0x7C00] =	vst v63  }
0x62: {  	_ =	swait.ge [sflag:s15], $0x800  }
0x63: {  	[sflag:s15] =	ssyncset.done $0x0  }
0x64: {  	[sflag:s15] =	ssyncadd.s32 $0xFFFFF800  }
0x65: {  	_ =	swait.ge [sflag:s16], $0x800  }
0x66: {  	[sflag:s16] =	ssyncset.done $0x0  }
0x67: {  	[sflag:s16] =	ssyncadd.s32 $0xFFFFF800  }
0x68: {  	_ =	swait.ge [sflag:s17], $0x800  }
0x69: {  	[sflag:s17] =	ssyncset.done $0x0  }
0x6a: {  	[sflag:s17] =	ssyncadd.s32 $0xFFFFF800  }
0x6b: {  	_ =	swait.ge [sflag:s18], $0x800  }
0x6c: {  	[sflag:s18] =	ssyncset.done $0x0  }
0x6d: {  	s23 =	simm.s32 $0x800;
	[sflag:s18] =	ssyncadd.s32 $0xFFFFF800  }
0x6e: {  	[spmem:s3] =	stream.indirect.scatter.add.f32 [tilespmem:s12], [sflag:$0x1], $0x10, s23, s11, $0xb8;
	[tilespmem:$0x7C00] =	vst v63  }
0x6f: {  	s23 =	simm.s32 $0x880  }
0x70: {  	[spmem:s3] =	stream.indirect.scatter.add.f32 [tilespmem:s12], [sflag:$0x2], $0x10, s23, s11, $0xb8;
	[tilespmem:$0x7C00] =	vst v63  }
0x71: {  	s23 =	simm.s32 $0x900  }
0x72: {  	[spmem:s3] =	stream.indirect.scatter.add.f32 [tilespmem:s12], [sflag:$0x3], $0x10, s23, s11, $0xb8;
	[tilespmem:$0x7C00] =	vst v63  }
0x73: {  	s23 =	simm.s32 $0x980  }
0x74: {  	[spmem:s3] =	stream.indirect.scatter.add.f32 [tilespmem:s12], [sflag:$0x4], $0x10, s23, s11, $0xb8;
	[tilespmem:$0x7C00] =	vst v63  }
0x75: {  	_ =	swait.ge [sflag:s15], $0x800  }
0x76: {  	[sflag:s15] =	ssyncset.done $0x0  }
0x77: {  	[sflag:s15] =	ssyncadd.s32 $0xFFFFF800  }
0x78: {  	_ =	swait.ge [sflag:s16], $0x800  }
0x79: {  	[sflag:s16] =	ssyncset.done $0x0  }
0x7a: {  	[sflag:s16] =	ssyncadd.s32 $0xFFFFF800  }
0x7b: {  	_ =	swait.ge [sflag:s17], $0x800  }
0x7c: {  	[sflag:s17] =	ssyncset.done $0x0  }
0x7d: {  	[sflag:s17] =	ssyncadd.s32 $0xFFFFF800  }
0x7e: {  	_ =	swait.ge [sflag:s18], $0x800  }
0x7f: {  	[sflag:s18] =	ssyncset.done $0x0  }
0x80: {  	s23 =	simm.s32 $0xA00;
	[sflag:s18] =	ssyncadd.s32 $0xFFFFF800  }
0x81: {  	[spmem:s3] =	stream.indirect.scatter.add.f32 [tilespmem:s12], [sflag:$0x1], $0x10, s23, s11, $0xb8;
	[tilespmem:$0x7C00] =	vst v63  }
0x82: {  	s23 =	simm.s32 $0xA80  }
0x83: {  	[spmem:s3] =	stream.indirect.scatter.add.f32 [tilespmem:s12], [sflag:$0x2], $0x10, s23, s11, $0xb8;
	[tilespmem:$0x7C00] =	vst v63  }
0x84: {  	s23 =	simm.s32 $0xB00  }
0x85: {  	[spmem:s3] =	stream.indirect.scatter.add.f32 [tilespmem:s12], [sflag:$0x3], $0x10, s23, s11, $0xb8;
	[tilespmem:$0x7C00] =	vst v63  }
0x86: {  	s23 =	simm.s32 $0xB80  }
0x87: {  	[spmem:s3] =	stream.indirect.scatter.add.f32 [tilespmem:s12], [sflag:$0x4], $0x10, s23, s11, $0xb8;
	[tilespmem:$0x7C00] =	vst v63  }
0x88: {  	_ =	swait.ge [sflag:s15], $0x800  }
0x89: {  	[sflag:s15] =	ssyncset.done $0x0  }
0x8a: {  	[sflag:s15] =	ssyncadd.s32 $0xFFFFF800  }
0x8b: {  	_ =	swait.ge [sflag:s16], $0x800  }
0x8c: {  	[sflag:s16] =	ssyncset.done $0x0  }
0x8d: {  	[sflag:s16] =	ssyncadd.s32 $0xFFFFF800  }
0x8e: {  	_ =	swait.ge [sflag:s17], $0x800  }
0x8f: {  	[sflag:s17] =	ssyncset.done $0x0  }
0x90: {  	[sflag:s17] =	ssyncadd.s32 $0xFFFFF800  }
0x91: {  	_ =	swait.ge [sflag:s18], $0x800  }
0x92: {  	[sflag:s18] =	ssyncset.done $0x0  }
0x93: {  	s23 =	simm.s32 $0xC00;
	[sflag:s18] =	ssyncadd.s32 $0xFFFFF800  }
0x94: {  	[spmem:s3] =	stream.indirect.scatter.add.f32 [tilespmem:s12], [sflag:$0x1], $0x10, s23, s11, $0xb8;
	[tilespmem:$0x7C00] =	vst v63  }
0x95: {  	s23 =	simm.s32 $0xC80  }
0x96: {  	[spmem:s3] =	stream.indirect.scatter.add.f32 [tilespmem:s12], [sflag:$0x2], $0x10, s23, s11, $0xb8;
	[tilespmem:$0x7C00] =	vst v63  }
0x97: {  	_ = 	snop  }
0x98: {  	[spmem:s3] =	stream.indirect.scatter.add.f32 [tilespmem:s12], [sflag:$0x3], $0x10, s24, s11, $0xb8;
	[tilespmem:$0x7C00] =	vst v63  }
0x99: {  	_ = 	snop  }
0x9a: {  	[spmem:s3] =	stream.indirect.scatter.add.f32 [tilespmem:s12], [sflag:$0x4], $0x10, s25, s11, $0xb8;
	[tilespmem:$0x7C00] =	vst v63  }
0x9b: {  	_ =	swait.ge [sflag:s15], $0x800  }
0x9c: {  	[sflag:s15] =	ssyncset.done $0x0  }
0x9d: {  	[sflag:s15] =	ssyncadd.s32 $0xFFFFF800  }
0x9e: {  	_ =	swait.ge [sflag:s16], $0x800  }
0x9f: {  	[sflag:s16] =	ssyncset.done $0x0  }
0xa0: {  	[sflag:s16] =	ssyncadd.s32 $0xFFFFF800  }
0xa1: {  	_ =	swait.ge [sflag:s17], $0x800  }
0xa2: {  	[sflag:s17] =	ssyncset.done $0x0  }
0xa3: {  	[sflag:s17] =	ssyncadd.s32 $0xFFFFF800  }
0xa4: {  	_ =	swait.ge [sflag:s18], $0x800  }
0xa5: {  	[sflag:s18] =	ssyncset.done $0x0  }
0xa6: {  	[sflag:s18] =	ssyncadd.s32 $0xFFFFF800  }
0xa7: {  	[spmem:s3] =	stream.indirect.scatter.add.f32 [tilespmem:s12], [sflag:$0x1], $0x10, s26, s11, $0xb8;
	[tilespmem:$0x7C00] =	vst v63  }
0xa8: {  	_ = 	snop  }
0xa9: {  	[spmem:s3] =	stream.indirect.scatter.add.f32 [tilespmem:s12], [sflag:$0x2], $0x10, s28, s11, $0xb8;
	[tilespmem:$0x7C00] =	vst v63  }
0xaa: {  	_ = 	snop  }
0xab: {  	[spmem:s3] =	stream.indirect.scatter.add.f32 [tilespmem:s12], [sflag:$0x3], $0x10, s29, s11, $0xb8;
	[tilespmem:$0x7C00] =	vst v63  }
0xac: {  	_ = 	snop  }
0xad: {  	[spmem:s3] =	stream.indirect.scatter.add.f32 [tilespmem:s12], [sflag:$0x4], $0x10, s30, s11, $0xb8;
	[tilespmem:$0x7C00] =	vst v63  }
0xae: {  	_ =	swait.ge [sflag:s15], $0x800  }
0xaf: {  	[sflag:s15] =	ssyncset.done $0x0  }
0xb0: {  	[sflag:s15] =	ssyncadd.s32 $0xFFFFF800  }
0xb1: {  	_ =	swait.ge [sflag:s16], $0x800  }
0xb2: {  	[sflag:s16] =	ssyncset.done $0x0  }
0xb3: {  	[sflag:s16] =	ssyncadd.s32 $0xFFFFF800  }
0xb4: {  	_ =	swait.ge [sflag:s17], $0x800  }
0xb5: {  	[sflag:s17] =	ssyncset.done $0x0  }
0xb6: {  	[sflag:s17] =	ssyncadd.s32 $0xFFFFF800  }
0xb7: {  	_ =	swait.ge [sflag:s18], $0x800  }
0xb8: {  	[sflag:s18] =	ssyncset.done $0x0  }
0xb9: {  	[sflag:s18] =	ssyncadd.s32 $0xFFFFF800  }
0xba: {  	[spmem:s3] =	stream.indirect.scatter.add.f32 [tilespmem:s12], [sflag:$0x1], $0x10, s31, s11, $0xb8;
	[tilespmem:$0x7C00] =	vst v63  }
0xbb: {  	_ = 	snop  }
0xbc: {  	[spmem:s3] =	stream.indirect.scatter.add.f32 [tilespmem:s12], [sflag:$0x2], $0x10, s0, s11, $0xb8;
	[tilespmem:$0x7C00] =	vst v63  }
0xbd: {  	_ = 	snop  }
0xbe: {  	[spmem:s3] =	stream.indirect.scatter.add.f32 [tilespmem:s12], [sflag:$0x3], $0x10, s2, s11, $0xb8;
	[tilespmem:$0x7C00] =	vst v63  }
0xbf: {  	_ = 	snop  }
0xc0: {  	[spmem:s3] =	stream.indirect.scatter.add.f32 [tilespmem:s12], [sflag:$0x4], $0x10, s1, s11, $0xb8;
	[tilespmem:$0x7C00] =	vst v63  }
0xc1: {  	_ =	swait.ge [sflag:s15], $0x800  }
0xc2: {  	[sflag:s15] =	ssyncset.done $0x0  }
0xc3: {  	[sflag:s15] =	ssyncadd.s32 $0xFFFFF800  }
0xc4: {  	_ =	swait.ge [sflag:s16], $0x800  }
0xc5: {  	[sflag:s16] =	ssyncset.done $0x0  }
0xc6: {  	[sflag:s16] =	ssyncadd.s32 $0xFFFFF800  }
0xc7: {  	_ =	swait.ge [sflag:s17], $0x800  }
0xc8: {  	[sflag:s17] =	ssyncset.done $0x0  }
0xc9: {  	[sflag:s17] =	ssyncadd.s32 $0xFFFFF800  }
0xca: {  	_ =	swait.ge [sflag:s18], $0x800  }
0xcb: {  	[sflag:s18] =	ssyncset.done $0x0  }
0xcc: {  	[sflag:s18] =	ssyncadd.s32 $0xFFFFF800  }
0xcd: {  	[spmem:s3] =	stream.indirect.scatter.add.f32 [tilespmem:s12], [sflag:$0x1], $0x10, s13, s11, $0xb8;
	[tilespmem:$0x7C00] =	vst v63  }
0xce: {  	_ = 	snop  }
0xcf: {  	[spmem:s3] =	stream.indirect.scatter.add.f32 [tilespmem:s12], [sflag:$0x2], $0x10, s14, s11, $0xb8;
	[tilespmem:$0x7C00] =	vst v63  }
0xd0: {  	_ = 	snop  }
0xd1: {  	[spmem:s3] =	stream.indirect.scatter.add.f32 [tilespmem:s12], [sflag:$0x3], $0x10, s19, s11, $0xb8;
	[tilespmem:$0x7C00] =	vst v63  }
0xd2: {  	_ = 	snop  }
0xd3: {  	[spmem:s3] =	stream.indirect.scatter.add.f32 [tilespmem:s12], [sflag:$0x4], $0x10, s20, s11, $0xb8;
	[tilespmem:$0x7C00] =	vst v63  }
0xd4: {  	_ =	swait.ge [sflag:s15], $0x800  }
0xd5: {  	[sflag:s15] =	ssyncset.done $0x0  }
0xd6: {  	[sflag:s15] =	ssyncadd.s32 $0xFFFFF800  }
0xd7: {  	_ =	swait.ge [sflag:s16], $0x800  }
0xd8: {  	[sflag:s16] =	ssyncset.done $0x0  }
0xd9: {  	[sflag:s16] =	ssyncadd.s32 $0xFFFFF800  }
0xda: {  	_ =	swait.ge [sflag:s17], $0x800  }
0xdb: {  	[sflag:s17] =	ssyncset.done $0x0  }
0xdc: {  	[sflag:s17] =	ssyncadd.s32 $0xFFFFF800  }
0xdd: {  	_ =	swait.ge [sflag:s18], $0x800  }
0xde: {  	s21 =	sadd.s32 $0x1, s21;
	[sflag:s18] =	ssyncset.done $0x0  }
0xdf: {  	p0 =	sne.s32 s21, s8;
	[sflag:s18] =	ssyncadd.s32 $0xFFFFF800  }
.Ltmp1:
0xe0: {  	[bflag:$0x0] =	sbarrier.arrive $0xFFFF;
	(pc) =	sbr.rel @p0 .LBB2_1-.Ltmp1, $4  }
0xe1: {  	[hbm:s7], [sflag:s5] =	dma.local [spmem:s9], $0x2800  }
0xe2: {  	_ =	swait.ge [sflag:s10], $0x2800  }
0xe3: {  	[sflag:s10] =	ssyncset.done $0x0  }
0xe4: {  	[sflag:s10] =	ssyncadd.s32 $0xFFFFD800  }
0xe5: {  	_ =	sfence.sel $0x180000  }
0xe6: {  	[bflag:$0x0] =	sbarrier.arrive $0xFFFF  }
0xe7: {  	_ =	strace $0x90000047  }
0xe8: {  	s0 =	stileid.u32;
	[bflag:$0x2] =	sbarrier.arrive $0xFFFF  }
0xe9: {  	p0 =	sne.s32 s0, $0x0;
	s0 =	rddreg [dreg:$0x3]  }
0xea: {  	s0 =	sadd.s32 @!p0 $0x100000, s0  }
0xeb: {  	[sflag:s0] =	ssyncadd.tile.s32 @!p0 $0x1;
	_ =	shalt  }
.Lfunc_end2:
_tile_overlayer_lowered:
.L_overlay_start_2:
0xec: {  	(tag) =	ssettag $0x2  }
0xed: {  	s0 =	rddreg [dreg:$0x0];
	s2 =	stileid.u32  }
0xee: {  	s1 =	rddreg [dreg:$0x1];
	p0 =	sne.s32 s2, $0x0  }
0xef: {  	s3 =	rddreg [dreg:$0x2];
	[bflag:$0x3] =	sbarrier.arrive $0xFFFF;
	s2 =	simm.s32 @!p0 $0x1C05  }
0xf0: {  	[timem:s3], [sflag:s2] =	dma.local @!p0 [hbm:s0], s1  }
0xf1: {  	s0 =	simm.s32 @!p0 $0x5  }
0xf2: {  	_ =	swait.ge @!p0 [sflag:s0], s1  }
0xf3: {  	s1 =	ssub.s32 @!p0 $0x0, s1;
	[sflag:s0] =	ssyncset.done @!p0 $0x0  }
0xf4: {  	[sflag:s0] =	ssyncadd.s32 @!p0 s1  }
0xf5: {  	[bflag:$0x3] =	sbarrier.arrive $0xFFFF  }
0xf6: {  	_ =	shalt  }

// kernel: kernel.13.cloned.1.call-start
scs
__scs_entry_jumppad:
0x0: {  	(pc) =	sbr.rel $0x88, $3  }
0x1: {  	(tag) =	ssettag $0x0;
	lr =	simm.s32 $0x1  }
0x2: {  	[smem:$0x3F9B] =	sst lr;
	_ =	strace $0xD0000000  }
0x3: {  	_ = 	snop  }
0x4: {  	_ = 	snop  }
0x5: {  	_ = 	snop  }
0x6: {  	_ = 	snop  }
0x7: {  	_ = 	snop  }
__scs_overlays_trampoline_lowered:
0x8: {  	[smem:$0x3FAA] =	sst s0  }
0x9: {  	[smem:$0x3FAB] =	sst s1  }
0xa: {  	[smem:$0x3FAC] =	sst s2  }
0xb: {  	[smem:$0x3FAD] =	sst s3  }
0xc: {  	[smem:$0x3FAE] =	sst s4  }
0xd: {  	[smem:$0x3FAF] =	sst s5  }
0xe: {  	[smem:$0x3FB0] =	sst s6  }
0xf: {  	[smem:$0x3FB1] =	sst s7  }
0x10: {  	[smem:$0x3FB2] =	sst s8  }
0x11: {  	[smem:$0x3FB3] =	sst s9;
	s0 =	simm.s32 @!p0 $0x0  }
0x12: {  	s1 =	sld [smem:$0x3F99];
	s0 =	simm.s32 @p0 $0x1  }
0x13: {  	[smem:$0x3FB4] =	sst s0;
	s0 =	simm.s32 @!p1 $0x0  }
0x14: {  	s2 =	sld [smem:$0x3F98];
	s0 =	simm.s32 @p1 $0x1  }
0x15: {  	[smem:$0x3FB5] =	sst s0;
	s0 =	simm.s32 @!p2 $0x0  }
0x16: {  	s3 =	sld [smem:$0x3FDB];
	s0 =	simm.s32 @p2 $0x1  }
0x17: {  	s4 =	simm.s32 $0x1BF5;
	[smem:$0x3FB7] =	sst s0  }
0x18: {  	s0 =	sld [smem:$0x3F9A];
	_ =	swait.ge [sflag:s4], $0x0  }
0x19: {  	s7 =	sld [smem:$0x3F9B]  }
0x1a: {  	s8 =	sadd.s32 $0xFFFFE003, lr  }
0x1b: {  	s9 =	sadd.s32 $0xFFFFFEF7, lr;
	s5 =	simm.s32 $0xFFFFFFFF;
	p2 =	slt.u32 s8, $0xFFFFF086  }
0x1c: {  	p1 =	slt.u32 s9, $0xF7A;
	s5 =	simm.s32 @!p2 $0x0  }
0x1d: {  	s5 =	simm.s32 @p1 $0x1;
	p0 =	seq.s32 s7, s2  }
0x1e: {  	s7 =	smul.u32 @!p0 $0xF7A, s2;
	p2 =	seq.s32 @!p0 s5, $0x0  }
0x1f: {  	s9 =	smul.u32 $0xF7A, s1;
	s8 =	simm.s32 @!p0 $0x1BF5;
	p2 =	por !p2, p0  }
0x20: {  	[sflag:s8] =	ssyncset.s32 @!p0 $0xFFFFF086;
	s6 =	sadd.s32 @!p0 s3, s7;
	s7 =	simm.s32 @!p0 $0x108  }
0x21: {  	s3 =	sadd.s32 s3, s9;
	s6 =	sadd.s32 @!p0 $0x88, s6;
	s7 =	simm.s32 @p2 $0x1082  }
0x22: {  	[simem:s7], [sflag:s8] =	dma.local @!p0 [hbm:s6], $0xF7A  }
0x23: {  	s9 =	sor.u32 $0xD0000000, s2;
	s6 =	simm.s32 $0x108;
	_ =	swait.ge @!p0 [sflag:s8], $0x0  }
0x24: {  	s3 =	sadd.s32 $0x88, s3;
	s6 =	simm.s32 @!p1 $0x1082;
	[sflag:s4] =	ssyncset.s32 $0xFFFFF086  }
0x25: {  	[simem:s6], [sflag:s4] =	dma.local [hbm:s3], $0xF7A  }
0x26: {  	[smem:$0x3F9B] =	sst s1;
	(tag) =	ssettag s2;
	_ =	strace s9  }
0x27: {  	s1 =	sld [smem:$0x3FAB]  }
0x28: {  	s2 =	sld [smem:$0x3FAC]  }
0x29: {  	s4 =	sld [smem:$0x3FAE]  }
0x2a: {  	p0 =	seq.s32 s5, $0x0;
	s5 =	sld [smem:$0x3FAF]  }
0x2b: {  	s6 =	sld [smem:$0x3FB0]  }
0x2c: {  	s7 =	sld [smem:$0x3FB1]  }
0x2d: {  	s3 =	simm.s32 $0x108;
	s8 =	sld [smem:$0x3FB2]  }
0x2e: {  	s3 =	simm.s32 @!p0 $0x1082;
	s9 =	sld [smem:$0x3FB3]  }
0x2f: {  	lr =	sadd.s32 s0, s3;
	s0 =	sld [smem:$0x3FAA]  }
0x30: {  	s3 =	sld [smem:$0x3FAD]  }
0x31: {  	[smem:$0x3FB6] =	sst s10  }
0x32: {  	s10 =	sld [smem:$0x3FB4];
	_ =	sdelay $0x3  }
0x33: {  	p0 =	seq.s32 s10, $0x1;
	s10 =	sld [smem:$0x3FB6];
	_ =	sdelay $0x3  }
0x34: {  	[smem:$0x3FB6] =	sst s10  }
0x35: {  	s10 =	sld [smem:$0x3FB5];
	_ =	sdelay $0x3  }
0x36: {  	p1 =	seq.s32 s10, $0x1;
	s10 =	sld [smem:$0x3FB6];
	_ =	sdelay $0x3  }
0x37: {  	[smem:$0x3FB6] =	sst s10  }
0x38: {  	s10 =	sld [smem:$0x3FB7]  }
0x39: {  	_ = 	snop;
	(pc) =	sbr.ind lr, $3  }
0x3a: {  	_ = 	snop  }
0x3b: {  	_ = 	snop  }
0x3c: {  	p2 =	seq.s32 s10, $0x1;
	s10 =	sld [smem:$0x3FB6]  }
0x3d: {  	_ =	shalt  }
0x3e: {  	_ =	shalt  }
0x3f: {  	_ =	shalt  }
0x40: {  	_ =	shalt  }
0x41: {  	_ =	shalt  }
0x42: {  	_ =	shalt  }
0x43: {  	_ =	shalt  }
0x44: {  	_ =	shalt  }
0x45: {  	_ =	shalt  }
0x46: {  	_ =	shalt  }
0x47: {  	_ =	shalt  }
0x48: {  	_ =	shalt  }
0x49: {  	_ =	shalt  }
0x4a: {  	_ =	shalt  }
0x4b: {  	_ =	shalt  }
0x4c: {  	_ =	shalt  }
0x4d: {  	_ =	shalt  }
0x4e: {  	_ =	shalt  }
0x4f: {  	_ =	shalt  }
0x50: {  	_ =	shalt  }
0x51: {  	_ =	shalt  }
0x52: {  	_ =	shalt  }
0x53: {  	_ =	shalt  }
0x54: {  	_ =	shalt  }
0x55: {  	_ =	shalt  }
0x56: {  	_ =	shalt  }
0x57: {  	_ =	shalt  }
0x58: {  	_ =	shalt  }
0x59: {  	_ =	shalt  }
0x5a: {  	_ =	shalt  }
0x5b: {  	_ =	shalt  }
0x5c: {  	_ =	shalt  }
0x5d: {  	_ =	shalt  }
0x5e: {  	_ =	shalt  }
0x5f: {  	_ =	shalt  }
0x60: {  	_ =	shalt  }
0x61: {  	_ =	shalt  }
0x62: {  	_ =	shalt  }
0x63: {  	_ =	shalt  }
0x64: {  	_ =	shalt  }
0x65: {  	_ =	shalt  }
0x66: {  	_ =	shalt  }
0x67: {  	_ =	shalt  }
0x68: {  	_ =	shalt  }
0x69: {  	_ =	shalt  }
0x6a: {  	_ =	shalt  }
0x6b: {  	_ =	shalt  }
0x6c: {  	_ =	shalt  }
0x6d: {  	_ =	shalt  }
0x6e: {  	_ =	shalt  }
0x6f: {  	_ =	shalt  }
0x70: {  	_ =	shalt  }
0x71: {  	_ =	shalt  }
0x72: {  	_ =	shalt  }
0x73: {  	_ =	shalt  }
0x74: {  	_ =	shalt  }
0x75: {  	_ =	shalt  }
0x76: {  	_ =	shalt  }
0x77: {  	_ =	shalt  }
0x78: {  	_ =	shalt  }
0x79: {  	_ =	shalt  }
0x7a: {  	_ =	shalt  }
0x7b: {  	_ =	shalt  }
0x7c: {  	_ =	shalt  }
0x7d: {  	_ =	shalt  }
0x7e: {  	_ =	shalt  }
0x7f: {  	_ =	shalt  }
0x80: {  	_ =	shalt  }
0x81: {  	_ =	shalt  }
0x82: {  	_ =	shalt  }
0x83: {  	_ =	shalt  }
0x84: {  	_ =	shalt  }
0x85: {  	_ =	shalt  }
0x86: {  	_ =	shalt  }
0x87: {  	_ =	shalt  }
.Lfunc_end0:
.L_simem_size_0:
called_computation.1_lowered:
.L_overlay_start_0:
0x88: {  	s2 =	sld [smem:$0x3FD9]  }
0x89: {  	s3 =	sld [smem:$0x3FFE];
	_ =	sdelay $0x1  }
0x8a: {  	s1 =	srdreg.scid  }
0x8b: {  	s0 =	sand.u32 $0x1, s1  }
0x8c: {  	s16 =	sshll.u32 s0, $0xA;
	s2 =	sadd.s32 s3, s2  }
0x8d: {  	s2 =	sadd.s32 s2, s16  }
0x8e: {  	[smem:$0x3FC2] =	sst s2  }
0x8f: {  	_ = 	snop  }
0x90: {  	(tm) =	ssettm $0x1  }
0x91: {  	s17 =	sld [smem:$0x3FFB];
	_ =	sdelay $0x3  }
0x92: {  	_ =	strace s17  }
0x93: {  	s2 =	sld [smem:$0x3FFC];
	_ =	sdelay $0x3  }
0x94: {  	_ =	strace s2  }
0x95: {  	s2 =	sld [smem:$0x3FFD];
	_ =	sdelay $0x3  }
0x96: {  	_ =	strace s2  }
0x97: {  	_ =	strace $0x8FFFFFFF  }
0x98: {  	s18 =	sld [smem:$0x3FDB];
	_ =	sdelay $0x1  }
0x99: {  	s19 =	simm.s32 $_scs_section_size  }
0x9a: {  	s4 =	simm.s32 $_size__tile_overlayer_lowered;
	s5 =	simm.s32 $_tile_overlayer_lowered  }
0x9b: {  	s22 =	simm.s32 $0x1BFF;
	s21 =	sshll.u32 s5, $0x1;
	s2 =	sadd.s32 s19, s18  }
0x9c: {  	s6 =	simm.s32 $0x0;
	s20 =	sshll.u32 s4, $0x1;
	s4 =	sadd.s32 s21, s2  }
0x9d: {  	[timem:s6], [sflag:s22] =	dma.local [hbm:s4], s20  }
0x9e: {  	_ =	swait.ge [sflag:s22], s20  }
0x9f: {  	s3 =	ssub.s32 $0x0, s20;
	[sflag:s22] =	ssyncset.done $0x0  }
0xa0: {  	[sflag:s22] =	ssyncadd.s32 s3;
	_ =	sdelay $0x1  }
0xa1: {  	s23 =	simm.s32 $0x1B8B  }
0xa2: {  	_ =	swait.ge [sflag:s23], $0x1  }
0xa3: {  	[sflag:s23] =	ssyncset.done $0x0  }
0xa4: {  	s25 =	simm.s32 $0x1B8E;
	s24 =	sld [smem:$0x3FFE];
	[sflag:s23] =	ssyncadd.s32 $0xFFFFFFFF  }
0xa5: {  	s26 =	simm.s32 $execute0_lowered;
	[smem:$0x3FD2] =	sst s25  }
0xa6: {  	s4 =	sshll.u32 s26, $0x1;
	_ =	strace $0x80000049;
	[dreg:$0x1] =	wrdreg $0xFFFFFFFF  }
0xa7: {  	s28 =	simm.s32 $_size_execute0_lowered;
	s2 =	sadd.s32 s2, s4;
	[dreg:$0x0] =	wrdreg $0x0  }
0xa8: {  	s4 =	sshll.u32 s28, $0x1;
	[dreg:$0x2] =	wrdreg s2  }
0xa9: {  	[dreg:$0x3] =	wrdreg s4  }
0xaa: {  	[dreg:$0x4] =	wrdreg $0xC0  }
0xab: {  	_ =	task [dreg:s6], $0x5FFFF  }
0xac: {  	[dreg:$0x1] =	wrdreg $0xFFFFFFFF  }
0xad: {  	[dreg:$0x0] =	wrdreg $0x60  }
0xae: {  	[dreg:$0x2] =	wrdreg s24  }
0xaf: {  	[dreg:$0x3] =	wrdreg $0xAA000  }
0xb0: {  	[dreg:$0x4] =	wrdreg $0x9  }
0xb1: {  	_ =	task.clear_ibuf [dreg:s6], $0x5FFFF;
	_ =	strace $0x90000049  }
0xb2: {  	s29 =	simm.s32 $0x9;
	_ =	strace $0x8000004B  }
0xb3: {  	_ =	swait.ge [sflag:s29], $0x1  }
0xb4: {  	[sflag:s29] =	ssyncadd.s32 $0xFFFFFFFF  }
0xb5: {  	_ =	strace $0x9000004B  }
0xb6: {  	_ =	sfence  }
0xb7: {  	s30 =	sld [smem:$0x0];
	_ =	sdelay $0x2  }
0xb8: {  	s31 =	sshll.u32 s1, $0xD;
	s1 =	sshrl.u32 s1, $0x2  }
0xb9: {  	s3 =	sand.u32 $0x4000, s31;
	s1 =	sadd.s32 s1, s30  }
0xba: {  	s0 =	sor.u32 s3, s0;
	s1 =	sshll.u32 s1, $0x11  }
0xbb: {  	s0 =	sor.u32 s1, s0  }
0xbc: {  	s0 =	sadd.s32 $0x8F2B, s0  }
0xbd: {  	[sflag:s0] =	ssyncadd.remote.s32 $0x1  }
0xbe: {  	_ =	sfence.sel $0xFFFF  }
0xbf: {  	[dreg:$0x0] =	wrdreg $0xFFFFFFFF;
	(pc) =	sbr.abs _section_cstart, $3  }
0xc0: {  	[dreg:$0x1] =	wrdreg $0xFFFFFFFF  }
0xc1: {  	_ =	task.clear_ibuf [dreg:s6], $0x2FFFF;
	_ =	strace $0x9FFFFFFF  }
0xc2: {  	(tm) =	ssettm $0x7FFFFFFF  }
0xc3: {  	_ =	shalt  }
tec
execute0_lowered:
.L_overlay_start_1:
0x0: {  	(tag) =	ssettag $0x1  }
0x1: {  	s6 =	rddreg [dreg:$0x0]  }
0x2: {  	s0 =	stileid.u32;
	s1 =	srdreg.scid  }
0x3: {  	s2 =	rddreg [dreg:$0x1];
	s3 =	simm.s32 $0x0;
	s13 =	simm.s32 $0x2800  }
0x4: {  	s14 =	simm.s32 $0x2A00;
	s15 =	simm.s32 $0x2880;
	s16 =	simm.s32 $0x6A00  }
0x5: {  	s17 =	simm.s32 $0x1;
	s18 =	simm.s32 $0x2900;
	s4 =	smul.u32 $0x500, s0  }
0x6: {  	s20 =	simm.s32 $0x2980;
	s21 =	simm.s32 $0x0;
	s8 =	smul.u32 $0x14000, s0  }
0x7: {  	s7 =	sand.u32 $0x1, s1;
	s1 =	rddreg [dreg:$0x2];
	s11 =	smul.u32 $0x50000, s0  }
0x8: {  	[smem:$0x7FF] =	sst s3;
	s31 =	sshll.u32 s0, $0x6;
	s5 =	smul.u32 $0x140000, s7  }
0x9: {  	_ =	strace $0x8000004A;
	s10 =	ssub.s32 $0x2, s7;
	s19 =	smul.u32 $0x2710, s7  }
0xa: {  	s9 =	sadd.s32 s4, s6;
	s4 =	sadd.s32 $0x5C800, s6;
	s29 =	sshrl.u32 s10, $0x1  }
0xb: {  	s30 =	sshrl.u32 s11, $0x2;
	s11 =	simm.s32 $0x3;
	s5 =	sadd.s32 s8, s5  }
0xc: {  	s10 =	ssub.s32 s10, s29;
	s12 =	sadd.s32 s30, s2;
	s7 =	sadd.s32 $0x57800, s9  }
0xd: {  	v0 =	vmov s19;
	s19 =	simm.s32 $0x2;
	s8 =	sshrl.u32 s5, $0x3;
	s5 =	sadd.s32 $0x2800, s6  }
0xe: {  	s9 =	smax.u32 s10, $0x1;
	s10 =	sshrl.u32 s12, $0x3;
	s8 =	sadd.s32 s8, s6  }
0xf: {  	s12 =	simm.s32 $0x80;
	s6 =	sor.u32 $0x1C03, s31;
	s8 =	sadd.s32 $0xAAA00, s8  }
.LBB2_1:
0x10: {  	[spmem:s10], [sflag:s6] =	dma.local [hbm:s5], $0x2800  }
0x11: {  	_ =	swait.ge [sflag:s11], $0x2800  }
0x12: {  	[sflag:s11] =	ssyncset.done $0x0  }
0x13: {  	[sflag:s11] =	ssyncadd.s32 $0xFFFFD800  }
0x14: {  	[tilespmem:s3], [sflag:$0x3] =	stream.linear.gather [hbm4b:s7+s3], $0x2800, $0x38;
	[tilespmem:$0x1EA00] =	vst v63  }
0x15: {  	_ =	swait.ge [sflag:s11], $0x2800  }
0x16: {  	[sflag:s11] =	ssyncset.done $0x0  }
0x17: {  	[sflag:s11] =	ssyncadd.s32 $0xFFFFD800  }
0x18: {  	s22 =	simm.s32 $0x0;
	[bflag:$0x0] =	sbarrier.arrive $0xFFFF  }
.LBB2_2:
0x19: {  	s23 =	sshra.s32 s22, $0x2  }
0x1a: {  	v1 =	vld [tilespmem:s23+$0x0];
	_ =	sdelay $0x4  }
0x1b: {  	v2 =	vand.u32 $0x3FFF, v1;
	v1 =	vshra.s32 v1, $0xE  }
0x1c: {  	v2 =	vadd.s32 v0, v2;
	[tilespmem:$0x2900] =	vst v1  }
0x1d: {  	[tilespmem:$0x2800] =	vst v2  }
0x1e: {  	v1 =	vld [tilespmem:s23+$0x10];
	_ =	sdelay $0x4  }
0x1f: {  	v2 =	vand.u32 $0x3FFF, v1;
	v1 =	vshra.s32 v1, $0xE  }
0x20: {  	v2 =	vadd.s32 v0, v2;
	[tilespmem:$0x2910] =	vst v1  }
0x21: {  	[tilespmem:$0x2810] =	vst v2  }
0x22: {  	v1 =	vld [tilespmem:s23+$0x20];
	_ =	sdelay $0x4  }
0x23: {  	v2 =	vand.u32 $0x3FFF, v1;
	v1 =	vshra.s32 v1, $0xE  }
0x24: {  	v2 =	vadd.s32 v0, v2;
	[tilespmem:$0x2920] =	vst v1  }
0x25: {  	[tilespmem:$0x2820] =	vst v2  }
0x26: {  	v1 =	vld [tilespmem:s23+$0x30];
	_ =	sdelay $0x4  }
0x27: {  	v2 =	vand.u32 $0x3FFF, v1;
	v1 =	vshra.s32 v1, $0xE  }
0x28: {  	v2 =	vadd.s32 v0, v2;
	[tilespmem:$0x2930] =	vst v1  }
0x29: {  	[tilespmem:$0x2830] =	vst v2  }
0x2a: {  	v1 =	vld [tilespmem:s23+$0x40];
	_ =	sdelay $0x4  }
0x2b: {  	v2 =	vand.u32 $0x3FFF, v1;
	v1 =	vshra.s32 v1, $0xE  }
0x2c: {  	v2 =	vadd.s32 v0, v2;
	[tilespmem:$0x2940] =	vst v1  }
0x2d: {  	[tilespmem:$0x2840] =	vst v2  }
0x2e: {  	v1 =	vld [tilespmem:s23+$0x50];
	_ =	sdelay $0x4  }
0x2f: {  	v2 =	vand.u32 $0x3FFF, v1;
	v1 =	vshra.s32 v1, $0xE  }
0x30: {  	v2 =	vadd.s32 v0, v2;
	[tilespmem:$0x2950] =	vst v1  }
0x31: {  	[tilespmem:$0x2850] =	vst v2  }
0x32: {  	v1 =	vld [tilespmem:s23+$0x60];
	_ =	sdelay $0x4  }
0x33: {  	v2 =	vand.u32 $0x3FFF, v1;
	v1 =	vshra.s32 v1, $0xE  }
0x34: {  	v2 =	vadd.s32 v0, v2;
	[tilespmem:$0x2960] =	vst v1  }
0x35: {  	[tilespmem:$0x2860] =	vst v2  }
0x36: {  	v1 =	vld [tilespmem:s23+$0x70];
	_ =	sdelay $0x4  }
0x37: {  	v2 =	vand.u32 $0x3FFF, v1;
	v1 =	vshra.s32 v1, $0xE  }
0x38: {  	v2 =	vadd.s32 v0, v2;
	[tilespmem:$0x2970] =	vst v1  }
0x39: {  	[tilespmem:$0x2870] =	vst v2  }
0x3a: {  	[tilespmem:s14], [sflag:$0x1] =	stream.indirect.gather [hbm4b:s4+s12], $0x80, s13, s12, $0xb8;
	[tilespmem:$0x1EA00] =	vst v63  }
0x3b: {  	v1 =	vld [tilespmem:s23+$0x80];
	_ =	sdelay $0x4  }
0x3c: {  	v2 =	vand.u32 $0x3FFF, v1;
	v1 =	vshra.s32 v1, $0xE  }
0x3d: {  	v2 =	vadd.s32 v0, v2;
	[tilespmem:$0x2980] =	vst v1  }
0x3e: {  	[tilespmem:$0x2880] =	vst v2  }
0x3f: {  	v1 =	vld [tilespmem:s23+$0x90];
	_ =	sdelay $0x4  }
0x40: {  	v2 =	vand.u32 $0x3FFF, v1;
	v1 =	vshra.s32 v1, $0xE  }
0x41: {  	v2 =	vadd.s32 v0, v2;
	[tilespmem:$0x2990] =	vst v1  }
0x42: {  	[tilespmem:$0x2890] =	vst v2  }
0x43: {  	v1 =	vld [tilespmem:s23+$0xA0];
	_ =	sdelay $0x4  }
0x44: {  	v2 =	vand.u32 $0x3FFF, v1;
	v1 =	vshra.s32 v1, $0xE  }
0x45: {  	v2 =	vadd.s32 v0, v2;
	[tilespmem:$0x29A0] =	vst v1  }
0x46: {  	[tilespmem:$0x28A0] =	vst v2  }
0x47: {  	v1 =	vld [tilespmem:s23+$0xB0];
	_ =	sdelay $0x4  }
0x48: {  	v2 =	vand.u32 $0x3FFF, v1;
	v1 =	vshra.s32 v1, $0xE  }
0x49: {  	v2 =	vadd.s32 v0, v2;
	[tilespmem:$0x29B0] =	vst v1  }
0x4a: {  	[tilespmem:$0x28B0] =	vst v2  }
0x4b: {  	v1 =	vld [tilespmem:s23+$0xC0];
	_ =	sdelay $0x4  }
0x4c: {  	v2 =	vand.u32 $0x3FFF, v1;
	v1 =	vshra.s32 v1, $0xE  }
0x4d: {  	v2 =	vadd.s32 v0, v2;
	[tilespmem:$0x29C0] =	vst v1  }
0x4e: {  	[tilespmem:$0x28C0] =	vst v2  }
0x4f: {  	v1 =	vld [tilespmem:s23+$0xD0];
	_ =	sdelay $0x4  }
0x50: {  	v2 =	vand.u32 $0x3FFF, v1;
	v1 =	vshra.s32 v1, $0xE  }
0x51: {  	v2 =	vadd.s32 v0, v2;
	[tilespmem:$0x29D0] =	vst v1  }
0x52: {  	[tilespmem:$0x28D0] =	vst v2  }
0x53: {  	v1 =	vld [tilespmem:s23+$0xE0];
	_ =	sdelay $0x4  }
0x54: {  	v2 =	vand.u32 $0x3FFF, v1;
	v1 =	vshra.s32 v1, $0xE  }
0x55: {  	v2 =	vadd.s32 v0, v2;
	[tilespmem:$0x29E0] =	vst v1  }
0x56: {  	[tilespmem:$0x28E0] =	vst v2  }
0x57: {  	v1 =	vld [tilespmem:s23+$0xF0];
	_ =	sdelay $0x4  }
0x58: {  	v2 =	vand.u32 $0x3FFF, v1;
	v1 =	vshra.s32 v1, $0xE  }
0x59: {  	v2 =	vadd.s32 v0, v2;
	[tilespmem:$0x29F0] =	vst v1  }
0x5a: {  	[tilespmem:$0x28F0] =	vst v2  }
0x5b: {  	[tilespmem:s16], [sflag:$0x2] =	stream.indirect.gather [hbm4b:s4+s12], $0x80, s15, s12, $0xb8;
	[tilespmem:$0x1EA00] =	vst v63  }
0x5c: {  	_ =	swait.ge [sflag:s17], $0x4000  }
0x5d: {  	[sflag:s17] =	ssyncset.done $0x0  }
0x5e: {  	[sflag:s17] =	ssyncadd.s32 $0xFFFFC000  }
0x5f: {  	[spmem:s2] =	stream.indirect.scatter.add.f32 [tilespmem:s14], [sflag:$0x3], $0x80, s18, s12, $0xb8;
	[tilespmem:$0x1EA00] =	vst v63  }
0x60: {  	_ =	swait.ge [sflag:s11], $0x4000  }
0x61: {  	[sflag:s11] =	ssyncset.done $0x0  }
0x62: {  	[sflag:s11] =	ssyncadd.s32 $0xFFFFC000  }
0x63: {  	v1 =	vld [tilespmem:s23+$0x100];
	_ =	sdelay $0x4  }
0x64: {  	v2 =	vand.u32 $0x3FFF, v1;
	v1 =	vshra.s32 v1, $0xE  }
0x65: {  	v2 =	vadd.s32 v0, v2;
	[tilespmem:$0x2900] =	vst v1  }
0x66: {  	[tilespmem:$0x2800] =	vst v2  }
0x67: {  	v1 =	vld [tilespmem:s23+$0x110];
	_ =	sdelay $0x4  }
0x68: {  	v2 =	vand.u32 $0x3FFF, v1;
	v1 =	vshra.s32 v1, $0xE  }
0x69: {  	v2 =	vadd.s32 v0, v2;
	[tilespmem:$0x2910] =	vst v1  }
0x6a: {  	[tilespmem:$0x2810] =	vst v2  }
0x6b: {  	v1 =	vld [tilespmem:s23+$0x120];
	_ =	sdelay $0x4  }
0x6c: {  	v2 =	vand.u32 $0x3FFF, v1;
	v1 =	vshra.s32 v1, $0xE  }
0x6d: {  	v2 =	vadd.s32 v0, v2;
	[tilespmem:$0x2920] =	vst v1  }
0x6e: {  	[tilespmem:$0x2820] =	vst v2  }
0x6f: {  	v1 =	vld [tilespmem:s23+$0x130];
	_ =	sdelay $0x4  }
0x70: {  	v2 =	vand.u32 $0x3FFF, v1;
	v1 =	vshra.s32 v1, $0xE  }
0x71: {  	v2 =	vadd.s32 v0, v2;
	[tilespmem:$0x2930] =	vst v1  }
0x72: {  	[tilespmem:$0x2830] =	vst v2  }
0x73: {  	v1 =	vld [tilespmem:s23+$0x140];
	_ =	sdelay $0x4  }
0x74: {  	v2 =	vand.u32 $0x3FFF, v1;
	v1 =	vshra.s32 v1, $0xE  }
0x75: {  	v2 =	vadd.s32 v0, v2;
	[tilespmem:$0x2940] =	vst v1  }
0x76: {  	[tilespmem:$0x2840] =	vst v2  }
0x77: {  	v1 =	vld [tilespmem:s23+$0x150];
	_ =	sdelay $0x4  }
0x78: {  	v2 =	vand.u32 $0x3FFF, v1;
	v1 =	vshra.s32 v1, $0xE  }
0x79: {  	v2 =	vadd.s32 v0, v2;
	[tilespmem:$0x2950] =	vst v1  }
0x7a: {  	[tilespmem:$0x2850] =	vst v2  }
0x7b: {  	v1 =	vld [tilespmem:s23+$0x160];
	_ =	sdelay $0x4  }
0x7c: {  	v2 =	vand.u32 $0x3FFF, v1;
	v1 =	vshra.s32 v1, $0xE  }
0x7d: {  	v2 =	vadd.s32 v0, v2;
	[tilespmem:$0x2960] =	vst v1  }
0x7e: {  	[tilespmem:$0x2860] =	vst v2  }
0x7f: {  	v1 =	vld [tilespmem:s23+$0x170];
	_ =	sdelay $0x4  }
0x80: {  	v2 =	vand.u32 $0x3FFF, v1;
	v1 =	vshra.s32 v1, $0xE  }
0x81: {  	v2 =	vadd.s32 v0, v2;
	[tilespmem:$0x2970] =	vst v1  }
0x82: {  	[tilespmem:$0x2870] =	vst v2  }
0x83: {  	[tilespmem:s14], [sflag:$0x1] =	stream.indirect.gather [hbm4b:s4+s12], $0x80, s13, s12, $0xb8;
	[tilespmem:$0x1EA00] =	vst v63  }
0x84: {  	_ =	swait.ge [sflag:s19], $0x4000  }
0x85: {  	[sflag:s19] =	ssyncset.done $0x0  }
0x86: {  	[sflag:s19] =	ssyncadd.s32 $0xFFFFC000  }
0x87: {  	[spmem:s2] =	stream.indirect.scatter.add.f32 [tilespmem:s16], [sflag:$0x3], $0x80, s20, s12, $0xb8;
	[tilespmem:$0x1EA00] =	vst v63  }
0x88: {  	_ =	swait.ge [sflag:s11], $0x4000  }
0x89: {  	[sflag:s11] =	ssyncset.done $0x0  }
0x8a: {  	[sflag:s11] =	ssyncadd.s32 $0xFFFFC000  }
0x8b: {  	v1 =	vld [tilespmem:s23+$0x180];
	_ =	sdelay $0x4  }
0x8c: {  	v2 =	vand.u32 $0x3FFF, v1;
	v1 =	vshra.s32 v1, $0xE  }
0x8d: {  	v2 =	vadd.s32 v0, v2;
	[tilespmem:$0x2980] =	vst v1  }
0x8e: {  	[tilespmem:$0x2880] =	vst v2  }
0x8f: {  	v1 =	vld [tilespmem:s23+$0x190];
	_ =	sdelay $0x4  }
0x90: {  	v2 =	vand.u32 $0x3FFF, v1;
	v1 =	vshra.s32 v1, $0xE  }
0x91: {  	v2 =	vadd.s32 v0, v2;
	[tilespmem:$0x2990] =	vst v1  }
0x92: {  	[tilespmem:$0x2890] =	vst v2  }
0x93: {  	v1 =	vld [tilespmem:s23+$0x1A0];
	_ =	sdelay $0x4  }
0x94: {  	v2 =	vand.u32 $0x3FFF, v1;
	v1 =	vshra.s32 v1, $0xE  }
0x95: {  	v2 =	vadd.s32 v0, v2;
	[tilespmem:$0x29A0] =	vst v1  }
0x96: {  	[tilespmem:$0x28A0] =	vst v2  }
0x97: {  	v1 =	vld [tilespmem:s23+$0x1B0];
	_ =	sdelay $0x4  }
0x98: {  	v2 =	vand.u32 $0x3FFF, v1;
	v1 =	vshra.s32 v1, $0xE  }
0x99: {  	v2 =	vadd.s32 v0, v2;
	[tilespmem:$0x29B0] =	vst v1  }
0x9a: {  	[tilespmem:$0x28B0] =	vst v2  }
0x9b: {  	v1 =	vld [tilespmem:s23+$0x1C0];
	_ =	sdelay $0x4  }
0x9c: {  	v2 =	vand.u32 $0x3FFF, v1;
	v1 =	vshra.s32 v1, $0xE  }
0x9d: {  	v2 =	vadd.s32 v0, v2;
	[tilespmem:$0x29C0] =	vst v1  }
0x9e: {  	[tilespmem:$0x28C0] =	vst v2  }
0x9f: {  	v1 =	vld [tilespmem:s23+$0x1D0];
	_ =	sdelay $0x4  }
0xa0: {  	v2 =	vand.u32 $0x3FFF, v1;
	v1 =	vshra.s32 v1, $0xE  }
0xa1: {  	v2 =	vadd.s32 v0, v2;
	[tilespmem:$0x29D0] =	vst v1  }
0xa2: {  	[tilespmem:$0x28D0] =	vst v2  }
0xa3: {  	v1 =	vld [tilespmem:s23+$0x1E0];
	_ =	sdelay $0x4  }
0xa4: {  	v2 =	vand.u32 $0x3FFF, v1;
	v1 =	vshra.s32 v1, $0xE  }
0xa5: {  	v2 =	vadd.s32 v0, v2;
	[tilespmem:$0x29E0] =	vst v1  }
0xa6: {  	[tilespmem:$0x28E0] =	vst v2  }
0xa7: {  	v1 =	vld [tilespmem:s23+$0x1F0];
	_ =	sdelay $0x4  }
0xa8: {  	v2 =	vand.u32 $0x3FFF, v1;
	v1 =	vshra.s32 v1, $0xE  }
0xa9: {  	v2 =	vadd.s32 v0, v2;
	[tilespmem:$0x29F0] =	vst v1  }
0xaa: {  	[tilespmem:$0x28F0] =	vst v2  }
0xab: {  	[tilespmem:s16], [sflag:$0x2] =	stream.indirect.gather [hbm4b:s4+s12], $0x80, s15, s12, $0xb8;
	[tilespmem:$0x1EA00] =	vst v63  }
0xac: {  	_ =	swait.ge [sflag:s17], $0x4000  }
0xad: {  	[sflag:s17] =	ssyncset.done $0x0  }
0xae: {  	[sflag:s17] =	ssyncadd.s32 $0xFFFFC000  }
0xaf: {  	[spmem:s2] =	stream.indirect.scatter.add.f32 [tilespmem:s14], [sflag:$0x3], $0x80, s18, s12, $0xb8;
	[tilespmem:$0x1EA00] =	vst v63  }
0xb0: {  	_ =	swait.ge [sflag:s11], $0x4000  }
0xb1: {  	[sflag:s11] =	ssyncset.done $0x0  }
0xb2: {  	[sflag:s11] =	ssyncadd.s32 $0xFFFFC000  }
0xb3: {  	v1 =	vld [tilespmem:s23+$0x200];
	_ =	sdelay $0x4  }
0xb4: {  	v2 =	vand.u32 $0x3FFF, v1;
	v1 =	vshra.s32 v1, $0xE  }
0xb5: {  	v2 =	vadd.s32 v0, v2;
	[tilespmem:$0x2900] =	vst v1  }
0xb6: {  	[tilespmem:$0x2800] =	vst v2  }
0xb7: {  	v1 =	vld [tilespmem:s23+$0x210];
	_ =	sdelay $0x4  }
0xb8: {  	v2 =	vand.u32 $0x3FFF, v1;
	v1 =	vshra.s32 v1, $0xE  }
0xb9: {  	v2 =	vadd.s32 v0, v2;
	[tilespmem:$0x2910] =	vst v1  }
0xba: {  	[tilespmem:$0x2810] =	vst v2  }
0xbb: {  	v1 =	vld [tilespmem:s23+$0x220];
	_ =	sdelay $0x4  }
0xbc: {  	v2 =	vand.u32 $0x3FFF, v1;
	v1 =	vshra.s32 v1, $0xE  }
0xbd: {  	v2 =	vadd.s32 v0, v2;
	[tilespmem:$0x2920] =	vst v1  }
0xbe: {  	[tilespmem:$0x2820] =	vst v2  }
0xbf: {  	v1 =	vld [tilespmem:s23+$0x230];
	_ =	sdelay $0x4  }
0xc0: {  	v2 =	vand.u32 $0x3FFF, v1;
	v1 =	vshra.s32 v1, $0xE  }
0xc1: {  	v2 =	vadd.s32 v0, v2;
	[tilespmem:$0x2930] =	vst v1  }
0xc2: {  	[tilespmem:$0x2830] =	vst v2  }
0xc3: {  	v1 =	vld [tilespmem:s23+$0x240];
	_ =	sdelay $0x4  }
0xc4: {  	v2 =	vand.u32 $0x3FFF, v1;
	v1 =	vshra.s32 v1, $0xE  }
0xc5: {  	v2 =	vadd.s32 v0, v2;
	[tilespmem:$0x2940] =	vst v1  }
0xc6: {  	[tilespmem:$0x2840] =	vst v2  }
0xc7: {  	v1 =	vld [tilespmem:s23+$0x250];
	_ =	sdelay $0x4  }
0xc8: {  	v2 =	vand.u32 $0x3FFF, v1;
	v1 =	vshra.s32 v1, $0xE  }
0xc9: {  	v2 =	vadd.s32 v0, v2;
	[tilespmem:$0x2950] =	vst v1  }
0xca: {  	[tilespmem:$0x2850] =	vst v2  }
0xcb: {  	v1 =	vld [tilespmem:s23+$0x260];
	_ =	sdelay $0x4  }
0xcc: {  	v2 =	vand.u32 $0x3FFF, v1;
	v1 =	vshra.s32 v1, $0xE  }
0xcd: {  	v2 =	vadd.s32 v0, v2;
	[tilespmem:$0x2960] =	vst v1  }
0xce: {  	[tilespmem:$0x2860] =	vst v2  }
0xcf: {  	v1 =	vld [tilespmem:s23+$0x270];
	_ =	sdelay $0x4  }
0xd0: {  	v2 =	vand.u32 $0x3FFF, v1;
	v1 =	vshra.s32 v1, $0xE  }
0xd1: {  	v2 =	vadd.s32 v0, v2;
	[tilespmem:$0x2970] =	vst v1  }
0xd2: {  	[tilespmem:$0x2870] =	vst v2  }
0xd3: {  	[tilespmem:s14], [sflag:$0x1] =	stream.indirect.gather [hbm4b:s4+s12], $0x80, s13, s12, $0xb8;
	[tilespmem:$0x1EA00] =	vst v63  }
0xd4: {  	_ =	swait.ge [sflag:s19], $0x4000  }
0xd5: {  	[sflag:s19] =	ssyncset.done $0x0  }
0xd6: {  	[sflag:s19] =	ssyncadd.s32 $0xFFFFC000  }
0xd7: {  	[spmem:s2] =	stream.indirect.scatter.add.f32 [tilespmem:s16], [sflag:$0x3], $0x80, s20, s12, $0xb8;
	[tilespmem:$0x1EA00] =	vst v63  }
0xd8: {  	_ =	swait.ge [sflag:s11], $0x4000  }
0xd9: {  	[sflag:s11] =	ssyncset.done $0x0  }
0xda: {  	[sflag:s11] =	ssyncadd.s32 $0xFFFFC000  }
0xdb: {  	v1 =	vld [tilespmem:s23+$0x280];
	_ =	sdelay $0x4  }
0xdc: {  	v2 =	vand.u32 $0x3FFF, v1;
	v1 =	vshra.s32 v1, $0xE  }
0xdd: {  	v2 =	vadd.s32 v0, v2;
	[tilespmem:$0x2980] =	vst v1  }
0xde: {  	[tilespmem:$0x2880] =	vst v2  }
0xdf: {  	v1 =	vld [tilespmem:s23+$0x290];
	_ =	sdelay $0x4  }
0xe0: {  	v2 =	vand.u32 $0x3FFF, v1;
	v1 =	vshra.s32 v1, $0xE  }
0xe1: {  	v2 =	vadd.s32 v0, v2;
	[tilespmem:$0x2990] =	vst v1  }
0xe2: {  	[tilespmem:$0x2890] =	vst v2  }
0xe3: {  	v1 =	vld [tilespmem:s23+$0x2A0];
	_ =	sdelay $0x4  }
0xe4: {  	v2 =	vand.u32 $0x3FFF, v1;
	v1 =	vshra.s32 v1, $0xE  }
0xe5: {  	v2 =	vadd.s32 v0, v2;
	[tilespmem:$0x29A0] =	vst v1  }
0xe6: {  	[tilespmem:$0x28A0] =	vst v2  }
0xe7: {  	v1 =	vld [tilespmem:s23+$0x2B0];
	_ =	sdelay $0x4  }
0xe8: {  	v2 =	vand.u32 $0x3FFF, v1;
	v1 =	vshra.s32 v1, $0xE  }
0xe9: {  	v2 =	vadd.s32 v0, v2;
	[tilespmem:$0x29B0] =	vst v1  }
0xea: {  	[tilespmem:$0x28B0] =	vst v2  }
0xeb: {  	v1 =	vld [tilespmem:s23+$0x2C0];
	_ =	sdelay $0x4  }
0xec: {  	v2 =	vand.u32 $0x3FFF, v1;
	v1 =	vshra.s32 v1, $0xE  }
0xed: {  	v2 =	vadd.s32 v0, v2;
	[tilespmem:$0x29C0] =	vst v1  }
0xee: {  	[tilespmem:$0x28C0] =	vst v2  }
0xef: {  	v1 =	vld [tilespmem:s23+$0x2D0];
	_ =	sdelay $0x4  }
0xf0: {  	v2 =	vand.u32 $0x3FFF, v1;
	v1 =	vshra.s32 v1, $0xE  }
0xf1: {  	v2 =	vadd.s32 v0, v2;
	[tilespmem:$0x29D0] =	vst v1  }
0xf2: {  	[tilespmem:$0x28D0] =	vst v2  }
0xf3: {  	v1 =	vld [tilespmem:s23+$0x2E0];
	_ =	sdelay $0x4  }
0xf4: {  	v2 =	vand.u32 $0x3FFF, v1;
	v1 =	vshra.s32 v1, $0xE  }
0xf5: {  	v2 =	vadd.s32 v0, v2;
	[tilespmem:$0x29E0] =	vst v1  }
0xf6: {  	[tilespmem:$0x28E0] =	vst v2  }
0xf7: {  	v1 =	vld [tilespmem:s23+$0x2F0];
	_ =	sdelay $0x4  }
0xf8: {  	v2 =	vand.u32 $0x3FFF, v1;
	v1 =	vshra.s32 v1, $0xE  }
0xf9: {  	v2 =	vadd.s32 v0, v2;
	[tilespmem:$0x29F0] =	vst v1  }
0xfa: {  	[tilespmem:$0x28F0] =	vst v2  }
0xfb: {  	[tilespmem:s16], [sflag:$0x2] =	stream.indirect.gather [hbm4b:s4+s12], $0x80, s15, s12, $0xb8;
	[tilespmem:$0x1EA00] =	vst v63  }
0xfc: {  	_ =	swait.ge [sflag:s17], $0x4000  }
0xfd: {  	[sflag:s17] =	ssyncset.done $0x0  }
0xfe: {  	[sflag:s17] =	ssyncadd.s32 $0xFFFFC000  }
0xff: {  	[spmem:s2] =	stream.indirect.scatter.add.f32 [tilespmem:s14], [sflag:$0x3], $0x80, s18, s12, $0xb8;
	[tilespmem:$0x1EA00] =	vst v63  }
0x100: {  	_ =	swait.ge [sflag:s11], $0x4000  }
0x101: {  	[sflag:s11] =	ssyncset.done $0x0  }
0x102: {  	[sflag:s11] =	ssyncadd.s32 $0xFFFFC000  }
0x103: {  	v1 =	vld [tilespmem:s23+$0x300];
	_ =	sdelay $0x4  }
0x104: {  	v2 =	vand.u32 $0x3FFF, v1;
	v1 =	vshra.s32 v1, $0xE  }
0x105: {  	v2 =	vadd.s32 v0, v2;
	[tilespmem:$0x2900] =	vst v1  }
0x106: {  	[tilespmem:$0x2800] =	vst v2  }
0x107: {  	v1 =	vld [tilespmem:s23+$0x310];
	_ =	sdelay $0x4  }
0x108: {  	v2 =	vand.u32 $0x3FFF, v1;
	v1 =	vshra.s32 v1, $0xE  }
0x109: {  	v2 =	vadd.s32 v0, v2;
	[tilespmem:$0x2910] =	vst v1  }
0x10a: {  	[tilespmem:$0x2810] =	vst v2  }
0x10b: {  	v1 =	vld [tilespmem:s23+$0x320];
	_ =	sdelay $0x4  }
0x10c: {  	v2 =	vand.u32 $0x3FFF, v1;
	v1 =	vshra.s32 v1, $0xE  }
0x10d: {  	v2 =	vadd.s32 v0, v2;
	[tilespmem:$0x2920] =	vst v1  }
0x10e: {  	[tilespmem:$0x2820] =	vst v2  }
0x10f: {  	v1 =	vld [tilespmem:s23+$0x330];
	_ =	sdelay $0x4  }
0x110: {  	v2 =	vand.u32 $0x3FFF, v1;
	v1 =	vshra.s32 v1, $0xE  }
0x111: {  	v2 =	vadd.s32 v0, v2;
	[tilespmem:$0x2930] =	vst v1  }
0x112: {  	[tilespmem:$0x2830] =	vst v2  }
0x113: {  	v1 =	vld [tilespmem:s23+$0x340];
	_ =	sdelay $0x4  }
0x114: {  	v2 =	vand.u32 $0x3FFF, v1;
	v1 =	vshra.s32 v1, $0xE  }
0x115: {  	v2 =	vadd.s32 v0, v2;
	[tilespmem:$0x2940] =	vst v1  }
0x116: {  	[tilespmem:$0x2840] =	vst v2  }
0x117: {  	v1 =	vld [tilespmem:s23+$0x350];
	_ =	sdelay $0x4  }
0x118: {  	v2 =	vand.u32 $0x3FFF, v1;
	v1 =	vshra.s32 v1, $0xE  }
0x119: {  	v2 =	vadd.s32 v0, v2;
	[tilespmem:$0x2950] =	vst v1  }
0x11a: {  	[tilespmem:$0x2850] =	vst v2  }
0x11b: {  	v1 =	vld [tilespmem:s23+$0x360];
	_ =	sdelay $0x4  }
0x11c: {  	v2 =	vand.u32 $0x3FFF, v1;
	v1 =	vshra.s32 v1, $0xE  }
0x11d: {  	v2 =	vadd.s32 v0, v2;
	[tilespmem:$0x2960] =	vst v1  }
0x11e: {  	[tilespmem:$0x2860] =	vst v2  }
0x11f: {  	v1 =	vld [tilespmem:s23+$0x370];
	_ =	sdelay $0x4  }
0x120: {  	v2 =	vand.u32 $0x3FFF, v1;
	v1 =	vshra.s32 v1, $0xE  }
0x121: {  	v2 =	vadd.s32 v0, v2;
	[tilespmem:$0x2970] =	vst v1  }
0x122: {  	[tilespmem:$0x2870] =	vst v2  }
0x123: {  	[tilespmem:s14], [sflag:$0x1] =	stream.indirect.gather [hbm4b:s4+s12], $0x80, s13, s12, $0xb8;
	[tilespmem:$0x1EA00] =	vst v63  }
0x124: {  	_ =	swait.ge [sflag:s19], $0x4000  }
0x125: {  	[sflag:s19] =	ssyncset.done $0x0  }
0x126: {  	[sflag:s19] =	ssyncadd.s32 $0xFFFFC000  }
0x127: {  	[spmem:s2] =	stream.indirect.scatter.add.f32 [tilespmem:s16], [sflag:$0x3], $0x80, s20, s12, $0xb8;
	[tilespmem:$0x1EA00] =	vst v63  }
0x128: {  	_ =	swait.ge [sflag:s11], $0x4000  }
0x129: {  	[sflag:s11] =	ssyncset.done $0x0  }
0x12a: {  	[sflag:s11] =	ssyncadd.s32 $0xFFFFC000  }
0x12b: {  	v1 =	vld [tilespmem:s23+$0x380];
	_ =	sdelay $0x4  }
0x12c: {  	v2 =	vand.u32 $0x3FFF, v1;
	v1 =	vshra.s32 v1, $0xE  }
0x12d: {  	v2 =	vadd.s32 v0, v2;
	[tilespmem:$0x2980] =	vst v1  }
0x12e: {  	[tilespmem:$0x2880] =	vst v2  }
0x12f: {  	v1 =	vld [tilespmem:s23+$0x390];
	_ =	sdelay $0x4  }
0x130: {  	v2 =	vand.u32 $0x3FFF, v1;
	v1 =	vshra.s32 v1, $0xE  }
0x131: {  	v2 =	vadd.s32 v0, v2;
	[tilespmem:$0x2990] =	vst v1  }
0x132: {  	[tilespmem:$0x2890] =	vst v2  }
0x133: {  	v1 =	vld [tilespmem:s23+$0x3A0];
	_ =	sdelay $0x4  }
0x134: {  	v2 =	vand.u32 $0x3FFF, v1;
	v1 =	vshra.s32 v1, $0xE  }
0x135: {  	v2 =	vadd.s32 v0, v2;
	[tilespmem:$0x29A0] =	vst v1  }
0x136: {  	[tilespmem:$0x28A0] =	vst v2  }
0x137: {  	v1 =	vld [tilespmem:s23+$0x3B0];
	_ =	sdelay $0x4  }
0x138: {  	v2 =	vand.u32 $0x3FFF, v1;
	v1 =	vshra.s32 v1, $0xE  }
0x139: {  	v2 =	vadd.s32 v0, v2;
	[tilespmem:$0x29B0] =	vst v1  }
0x13a: {  	[tilespmem:$0x28B0] =	vst v2  }
0x13b: {  	v1 =	vld [tilespmem:s23+$0x3C0];
	_ =	sdelay $0x4  }
0x13c: {  	v2 =	vand.u32 $0x3FFF, v1;
	v1 =	vshra.s32 v1, $0xE  }
0x13d: {  	v2 =	vadd.s32 v0, v2;
	[tilespmem:$0x29C0] =	vst v1  }
0x13e: {  	[tilespmem:$0x28C0] =	vst v2  }
0x13f: {  	v1 =	vld [tilespmem:s23+$0x3D0];
	_ =	sdelay $0x4  }
0x140: {  	v2 =	vand.u32 $0x3FFF, v1;
	v1 =	vshra.s32 v1, $0xE  }
0x141: {  	v2 =	vadd.s32 v0, v2;
	[tilespmem:$0x29D0] =	vst v1  }
0x142: {  	[tilespmem:$0x28D0] =	vst v2  }
0x143: {  	v1 =	vld [tilespmem:s23+$0x3E0];
	_ =	sdelay $0x4  }
0x144: {  	v2 =	vand.u32 $0x3FFF, v1;
	v1 =	vshra.s32 v1, $0xE  }
0x145: {  	v2 =	vadd.s32 v0, v2;
	[tilespmem:$0x29E0] =	vst v1  }
0x146: {  	[tilespmem:$0x28E0] =	vst v2  }
0x147: {  	v1 =	vld [tilespmem:s23+$0x3F0];
	_ =	sdelay $0x4  }
0x148: {  	v2 =	vand.u32 $0x3FFF, v1;
	v1 =	vshra.s32 v1, $0xE  }
0x149: {  	v2 =	vadd.s32 v0, v2;
	[tilespmem:$0x29F0] =	vst v1  }
0x14a: {  	[tilespmem:$0x28F0] =	vst v2  }
0x14b: {  	[tilespmem:s16], [sflag:$0x2] =	stream.indirect.gather [hbm4b:s4+s12], $0x80, s15, s12, $0xb8;
	[tilespmem:$0x1EA00] =	vst v63  }
0x14c: {  	_ =	swait.ge [sflag:s17], $0x4000  }
0x14d: {  	[sflag:s17] =	ssyncset.done $0x0  }
0x14e: {  	[sflag:s17] =	ssyncadd.s32 $0xFFFFC000  }
0x14f: {  	[spmem:s2] =	stream.indirect.scatter.add.f32 [tilespmem:s14], [sflag:$0x3], $0x80, s18, s12, $0xb8;
	[tilespmem:$0x1EA00] =	vst v63  }
0x150: {  	_ =	swait.ge [sflag:s11], $0x4000  }
0x151: {  	[sflag:s11] =	ssyncset.done $0x0  }
0x152: {  	[sflag:s11] =	ssyncadd.s32 $0xFFFFC000  }
0x153: {  	v1 =	vld [tilespmem:s23+$0x400];
	_ =	sdelay $0x4  }
0x154: {  	v2 =	vand.u32 $0x3FFF, v1;
	v1 =	vshra.s32 v1, $0xE  }
0x155: {  	v2 =	vadd.s32 v0, v2;
	[tilespmem:$0x2900] =	vst v1  }
0x156: {  	[tilespmem:$0x2800] =	vst v2  }
0x157: {  	v1 =	vld [tilespmem:s23+$0x410];
	_ =	sdelay $0x4  }
0x158: {  	v2 =	vand.u32 $0x3FFF, v1;
	v1 =	vshra.s32 v1, $0xE  }
0x159: {  	v2 =	vadd.s32 v0, v2;
	[tilespmem:$0x2910] =	vst v1  }
0x15a: {  	[tilespmem:$0x2810] =	vst v2  }
0x15b: {  	v1 =	vld [tilespmem:s23+$0x420];
	_ =	sdelay $0x4  }
0x15c: {  	v2 =	vand.u32 $0x3FFF, v1;
	v1 =	vshra.s32 v1, $0xE  }
0x15d: {  	v2 =	vadd.s32 v0, v2;
	[tilespmem:$0x2920] =	vst v1  }
0x15e: {  	[tilespmem:$0x2820] =	vst v2  }
0x15f: {  	v1 =	vld [tilespmem:s23+$0x430];
	_ =	sdelay $0x4  }
0x160: {  	v2 =	vand.u32 $0x3FFF, v1;
	v1 =	vshra.s32 v1, $0xE  }
0x161: {  	v2 =	vadd.s32 v0, v2;
	[tilespmem:$0x2930] =	vst v1  }
0x162: {  	[tilespmem:$0x2830] =	vst v2  }
0x163: {  	v1 =	vld [tilespmem:s23+$0x440];
	_ =	sdelay $0x4  }
0x164: {  	v2 =	vand.u32 $0x3FFF, v1;
	v1 =	vshra.s32 v1, $0xE  }
0x165: {  	v2 =	vadd.s32 v0, v2;
	[tilespmem:$0x2940] =	vst v1  }
0x166: {  	[tilespmem:$0x2840] =	vst v2  }
0x167: {  	v1 =	vld [tilespmem:s23+$0x450];
	_ =	sdelay $0x4  }
0x168: {  	v2 =	vand.u32 $0x3FFF, v1;
	v1 =	vshra.s32 v1, $0xE  }
0x169: {  	v2 =	vadd.s32 v0, v2;
	[tilespmem:$0x2950] =	vst v1  }
0x16a: {  	[tilespmem:$0x2850] =	vst v2  }
0x16b: {  	v1 =	vld [tilespmem:s23+$0x460];
	_ =	sdelay $0x4  }
0x16c: {  	v2 =	vand.u32 $0x3FFF, v1;
	v1 =	vshra.s32 v1, $0xE  }
0x16d: {  	v2 =	vadd.s32 v0, v2;
	[tilespmem:$0x2960] =	vst v1  }
0x16e: {  	[tilespmem:$0x2860] =	vst v2  }
0x16f: {  	v1 =	vld [tilespmem:s23+$0x470];
	_ =	sdelay $0x4  }
0x170: {  	v2 =	vand.u32 $0x3FFF, v1;
	v1 =	vshra.s32 v1, $0xE  }
0x171: {  	v2 =	vadd.s32 v0, v2;
	[tilespmem:$0x2970] =	vst v1  }
0x172: {  	[tilespmem:$0x2870] =	vst v2  }
0x173: {  	[tilespmem:s14], [sflag:$0x1] =	stream.indirect.gather [hbm4b:s4+s12], $0x80, s13, s12, $0xb8;
	[tilespmem:$0x1EA00] =	vst v63  }
0x174: {  	_ =	swait.ge [sflag:s19], $0x4000  }
0x175: {  	[sflag:s19] =	ssyncset.done $0x0  }
0x176: {  	[sflag:s19] =	ssyncadd.s32 $0xFFFFC000  }
0x177: {  	[spmem:s2] =	stream.indirect.scatter.add.f32 [tilespmem:s16], [sflag:$0x3], $0x80, s20, s12, $0xb8;
	[tilespmem:$0x1EA00] =	vst v63  }
0x178: {  	_ =	swait.ge [sflag:s11], $0x4000  }
0x179: {  	[sflag:s11] =	ssyncset.done $0x0  }
0x17a: {  	[sflag:s11] =	ssyncadd.s32 $0xFFFFC000  }
0x17b: {  	v1 =	vld [tilespmem:s23+$0x480];
	_ =	sdelay $0x4  }
0x17c: {  	v2 =	vand.u32 $0x3FFF, v1;
	v1 =	vshra.s32 v1, $0xE  }
0x17d: {  	v2 =	vadd.s32 v0, v2;
	[tilespmem:$0x2980] =	vst v1  }
0x17e: {  	[tilespmem:$0x2880] =	vst v2  }
0x17f: {  	v1 =	vld [tilespmem:s23+$0x490];
	_ =	sdelay $0x4  }
0x180: {  	v2 =	vand.u32 $0x3FFF, v1;
	v1 =	vshra.s32 v1, $0xE  }
0x181: {  	v2 =	vadd.s32 v0, v2;
	[tilespmem:$0x2990] =	vst v1  }
0x182: {  	[tilespmem:$0x2890] =	vst v2  }
0x183: {  	v1 =	vld [tilespmem:s23+$0x4A0];
	_ =	sdelay $0x4  }
0x184: {  	v2 =	vand.u32 $0x3FFF, v1;
	v1 =	vshra.s32 v1, $0xE  }
0x185: {  	v2 =	vadd.s32 v0, v2;
	[tilespmem:$0x29A0] =	vst v1  }
0x186: {  	[tilespmem:$0x28A0] =	vst v2  }
0x187: {  	v1 =	vld [tilespmem:s23+$0x4B0];
	_ =	sdelay $0x4  }
0x188: {  	v2 =	vand.u32 $0x3FFF, v1;
	v1 =	vshra.s32 v1, $0xE  }
0x189: {  	v2 =	vadd.s32 v0, v2;
	[tilespmem:$0x29B0] =	vst v1  }
0x18a: {  	[tilespmem:$0x28B0] =	vst v2  }
0x18b: {  	v1 =	vld [tilespmem:s23+$0x4C0];
	_ =	sdelay $0x4  }
0x18c: {  	v2 =	vand.u32 $0x3FFF, v1;
	v1 =	vshra.s32 v1, $0xE  }
0x18d: {  	v2 =	vadd.s32 v0, v2;
	[tilespmem:$0x29C0] =	vst v1  }
0x18e: {  	[tilespmem:$0x28C0] =	vst v2  }
0x18f: {  	v1 =	vld [tilespmem:s23+$0x4D0];
	_ =	sdelay $0x4  }
0x190: {  	v2 =	vand.u32 $0x3FFF, v1;
	v1 =	vshra.s32 v1, $0xE  }
0x191: {  	v2 =	vadd.s32 v0, v2;
	[tilespmem:$0x29D0] =	vst v1  }
0x192: {  	[tilespmem:$0x28D0] =	vst v2  }
0x193: {  	v1 =	vld [tilespmem:s23+$0x4E0];
	_ =	sdelay $0x4  }
0x194: {  	v2 =	vand.u32 $0x3FFF, v1;
	v1 =	vshra.s32 v1, $0xE  }
0x195: {  	v2 =	vadd.s32 v0, v2;
	[tilespmem:$0x29E0] =	vst v1  }
0x196: {  	[tilespmem:$0x28E0] =	vst v2  }
0x197: {  	v1 =	vld [tilespmem:s23+$0x4F0];
	_ =	sdelay $0x4  }
0x198: {  	v2 =	vand.u32 $0x3FFF, v1;
	v1 =	vshra.s32 v1, $0xE  }
0x199: {  	v2 =	vadd.s32 v0, v2;
	[tilespmem:$0x29F0] =	vst v1  }
0x19a: {  	[tilespmem:$0x28F0] =	vst v2  }
0x19b: {  	[tilespmem:s16], [sflag:$0x2] =	stream.indirect.gather [hbm4b:s4+s12], $0x80, s15, s12, $0xb8;
	[tilespmem:$0x1EA00] =	vst v63  }
0x19c: {  	_ =	swait.ge [sflag:s17], $0x4000  }
0x19d: {  	[sflag:s17] =	ssyncset.done $0x0  }
0x19e: {  	[sflag:s17] =	ssyncadd.s32 $0xFFFFC000  }
0x19f: {  	[spmem:s2] =	stream.indirect.scatter.add.f32 [tilespmem:s14], [sflag:$0x3], $0x80, s18, s12, $0xb8;
	[tilespmem:$0x1EA00] =	vst v63  }
0x1a0: {  	_ =	swait.ge [sflag:s11], $0x4000  }
0x1a1: {  	[sflag:s11] =	ssyncset.done $0x0  }
0x1a2: {  	[sflag:s11] =	ssyncadd.s32 $0xFFFFC000  }
0x1a3: {  	_ =	swait.ge [sflag:s19], $0x4000  }
0x1a4: {  	p0 =	sne.s32 s22, $0x8C00;
	[sflag:s19] =	ssyncset.done $0x0  }
.Ltmp0:
0x1a5: {  	[sflag:s19] =	ssyncadd.s32 $0xFFFFC000;
	(pc) =	sbr.rel @p0 .LBB2_2-.Ltmp0, $4  }
0x1a6: {  	[spmem:s2] =	stream.indirect.scatter.add.f32 [tilespmem:s16], [sflag:$0x3], $0x80, s20, s12, $0xb8;
	[tilespmem:$0x1EA00] =	vst v63  }
0x1a7: {  	_ =	swait.ge [sflag:s11], $0x4000  }
0x1a8: {  	[sflag:s11] =	ssyncset.done $0x0  }
0x1a9: {  	s22 =	sadd.s32 $0x1400, s22;
	[sflag:s11] =	ssyncadd.s32 $0xFFFFC000  }
0x1aa: {  	s21 =	sadd.s32 $0x1, s21  }
0x1ab: {  	p0 =	sne.s32 s21, s9  }
.Ltmp1:
0x1ac: {  	[bflag:$0x0] =	sbarrier.arrive $0xFFFF;
	(pc) =	sbr.rel @p0 .LBB2_1-.Ltmp1, $4  }
0x1ad: {  	[hbm:s8], [sflag:s6] =	dma.local [spmem:s10], $0x2800  }
0x1ae: {  	_ =	swait.ge [sflag:s11], $0x2800  }
0x1af: {  	[sflag:s11] =	ssyncset.done $0x0  }
0x1b0: {  	[sflag:s11] =	ssyncadd.s32 $0xFFFFD800  }
0x1b1: {  	_ =	sfence.sel $0x180000  }
0x1b2: {  	[bflag:$0x0] =	sbarrier.arrive $0xFFFF  }
0x1b3: {  	p0 =	sne.s32 s0, $0x0;
	_ =	strace $0x9000004A  }
0x1b4: {  	s0 =	sadd.s32 @!p0 $0x100000, s1;
	[bflag:$0x2] =	sbarrier.arrive $0xFFFF  }
0x1b5: {  	[sflag:s0] =	ssyncadd.tile.s32 @!p0 $0x1;
	_ =	shalt  }
.Lfunc_end2:
_tile_overlayer_lowered:
.L_overlay_start_2:
0x1b6: {  	(tag) =	ssettag $0x2  }
0x1b7: {  	s0 =	rddreg [dreg:$0x0];
	s2 =	stileid.u32  }
0x1b8: {  	s1 =	rddreg [dreg:$0x1];
	p0 =	sne.s32 s2, $0x0  }
0x1b9: {  	s3 =	rddreg [dreg:$0x2];
	[bflag:$0x3] =	sbarrier.arrive $0xFFFF;
	s2 =	simm.s32 @!p0 $0x1C03  }
0x1ba: {  	[timem:s3], [sflag:s2] =	dma.local @!p0 [hbm:s0], s1  }
0x1bb: {  	s0 =	simm.s32 @!p0 $0x3  }
0x1bc: {  	_ =	swait.ge @!p0 [sflag:s0], s1  }
0x1bd: {  	s1 =	ssub.s32 @!p0 $0x0, s1;
	[sflag:s0] =	ssyncset.done @!p0 $0x0  }
0x1be: {  	[sflag:s0] =	ssyncadd.s32 @!p0 s1  }
0x1bf: {  	[bflag:$0x3] =	sbarrier.arrive $0xFFFF  }
0x1c0: {  	_ =	shalt  }

// kernel: kernel.16.cloned.1.call-start
scs
__scs_entry_jumppad:
0x0: {  	(pc) =	sbr.rel $0x88, $3  }
0x1: {  	(tag) =	ssettag $0x0;
	lr =	simm.s32 $0x1  }
0x2: {  	[smem:$0x3F9B] =	sst lr;
	_ =	strace $0xD0000000  }
0x3: {  	_ = 	snop  }
0x4: {  	_ = 	snop  }
0x5: {  	_ = 	snop  }
0x6: {  	_ = 	snop  }
0x7: {  	_ = 	snop  }
__scs_overlays_trampoline_lowered:
0x8: {  	[smem:$0x3FAA] =	sst s0  }
0x9: {  	[smem:$0x3FAB] =	sst s1  }
0xa: {  	[smem:$0x3FAC] =	sst s2  }
0xb: {  	[smem:$0x3FAD] =	sst s3  }
0xc: {  	[smem:$0x3FAE] =	sst s4  }
0xd: {  	[smem:$0x3FAF] =	sst s5  }
0xe: {  	[smem:$0x3FB0] =	sst s6  }
0xf: {  	[smem:$0x3FB1] =	sst s7  }
0x10: {  	[smem:$0x3FB2] =	sst s8  }
0x11: {  	[smem:$0x3FB3] =	sst s9;
	s0 =	simm.s32 @!p0 $0x0  }
0x12: {  	s1 =	sld [smem:$0x3F99];
	s0 =	simm.s32 @p0 $0x1  }
0x13: {  	[smem:$0x3FB4] =	sst s0;
	s0 =	simm.s32 @!p1 $0x0  }
0x14: {  	s2 =	sld [smem:$0x3F98];
	s0 =	simm.s32 @p1 $0x1  }
0x15: {  	[smem:$0x3FB5] =	sst s0;
	s0 =	simm.s32 @!p2 $0x0  }
0x16: {  	s3 =	sld [smem:$0x3FDB];
	s0 =	simm.s32 @p2 $0x1  }
0x17: {  	s4 =	simm.s32 $0x1BF5;
	[smem:$0x3FB7] =	sst s0  }
0x18: {  	s0 =	sld [smem:$0x3F9A];
	_ =	swait.ge [sflag:s4], $0x0  }
0x19: {  	s7 =	sld [smem:$0x3F9B]  }
0x1a: {  	s8 =	sadd.s32 $0xFFFFE003, lr  }
0x1b: {  	s9 =	sadd.s32 $0xFFFFFEF7, lr;
	s5 =	simm.s32 $0xFFFFFFFF;
	p2 =	slt.u32 s8, $0xFFFFF086  }
0x1c: {  	p1 =	slt.u32 s9, $0xF7A;
	s5 =	simm.s32 @!p2 $0x0  }
0x1d: {  	s5 =	simm.s32 @p1 $0x1;
	p0 =	seq.s32 s7, s2  }
0x1e: {  	s7 =	smul.u32 @!p0 $0xF7A, s2;
	p2 =	seq.s32 @!p0 s5, $0x0  }
0x1f: {  	s9 =	smul.u32 $0xF7A, s1;
	s8 =	simm.s32 @!p0 $0x1BF5;
	p2 =	por !p2, p0  }
0x20: {  	[sflag:s8] =	ssyncset.s32 @!p0 $0xFFFFF086;
	s6 =	sadd.s32 @!p0 s3, s7;
	s7 =	simm.s32 @!p0 $0x108  }
0x21: {  	s3 =	sadd.s32 s3, s9;
	s6 =	sadd.s32 @!p0 $0x88, s6;
	s7 =	simm.s32 @p2 $0x1082  }
0x22: {  	[simem:s7], [sflag:s8] =	dma.local @!p0 [hbm:s6], $0xF7A  }
0x23: {  	s9 =	sor.u32 $0xD0000000, s2;
	s6 =	simm.s32 $0x108;
	_ =	swait.ge @!p0 [sflag:s8], $0x0  }
0x24: {  	s3 =	sadd.s32 $0x88, s3;
	s6 =	simm.s32 @!p1 $0x1082;
	[sflag:s4] =	ssyncset.s32 $0xFFFFF086  }
0x25: {  	[simem:s6], [sflag:s4] =	dma.local [hbm:s3], $0xF7A  }
0x26: {  	[smem:$0x3F9B] =	sst s1;
	(tag) =	ssettag s2;
	_ =	strace s9  }
0x27: {  	s1 =	sld [smem:$0x3FAB]  }
0x28: {  	s2 =	sld [smem:$0x3FAC]  }
0x29: {  	s4 =	sld [smem:$0x3FAE]  }
0x2a: {  	p0 =	seq.s32 s5, $0x0;
	s5 =	sld [smem:$0x3FAF]  }
0x2b: {  	s6 =	sld [smem:$0x3FB0]  }
0x2c: {  	s7 =	sld [smem:$0x3FB1]  }
0x2d: {  	s3 =	simm.s32 $0x108;
	s8 =	sld [smem:$0x3FB2]  }
0x2e: {  	s3 =	simm.s32 @!p0 $0x1082;
	s9 =	sld [smem:$0x3FB3]  }
0x2f: {  	lr =	sadd.s32 s0, s3;
	s0 =	sld [smem:$0x3FAA]  }
0x30: {  	s3 =	sld [smem:$0x3FAD]  }
0x31: {  	[smem:$0x3FB6] =	sst s10  }
0x32: {  	s10 =	sld [smem:$0x3FB4];
	_ =	sdelay $0x3  }
0x33: {  	p0 =	seq.s32 s10, $0x1;
	s10 =	sld [smem:$0x3FB6];
	_ =	sdelay $0x3  }
0x34: {  	[smem:$0x3FB6] =	sst s10  }
0x35: {  	s10 =	sld [smem:$0x3FB5];
	_ =	sdelay $0x3  }
0x36: {  	p1 =	seq.s32 s10, $0x1;
	s10 =	sld [smem:$0x3FB6];
	_ =	sdelay $0x3  }
0x37: {  	[smem:$0x3FB6] =	sst s10  }
0x38: {  	s10 =	sld [smem:$0x3FB7]  }
0x39: {  	_ = 	snop;
	(pc) =	sbr.ind lr, $3  }
0x3a: {  	_ = 	snop  }
0x3b: {  	_ = 	snop  }
0x3c: {  	p2 =	seq.s32 s10, $0x1;
	s10 =	sld [smem:$0x3FB6]  }
0x3d: {  	_ =	shalt  }
0x3e: {  	_ =	shalt  }
0x3f: {  	_ =	shalt  }
0x40: {  	_ =	shalt  }
0x41: {  	_ =	shalt  }
0x42: {  	_ =	shalt  }
0x43: {  	_ =	shalt  }
0x44: {  	_ =	shalt  }
0x45: {  	_ =	shalt  }
0x46: {  	_ =	shalt  }
0x47: {  	_ =	shalt  }
0x48: {  	_ =	shalt  }
0x49: {  	_ =	shalt  }
0x4a: {  	_ =	shalt  }
0x4b: {  	_ =	shalt  }
0x4c: {  	_ =	shalt  }
0x4d: {  	_ =	shalt  }
0x4e: {  	_ =	shalt  }
0x4f: {  	_ =	shalt  }
0x50: {  	_ =	shalt  }
0x51: {  	_ =	shalt  }
0x52: {  	_ =	shalt  }
0x53: {  	_ =	shalt  }
0x54: {  	_ =	shalt  }
0x55: {  	_ =	shalt  }
0x56: {  	_ =	shalt  }
0x57: {  	_ =	shalt  }
0x58: {  	_ =	shalt  }
0x59: {  	_ =	shalt  }
0x5a: {  	_ =	shalt  }
0x5b: {  	_ =	shalt  }
0x5c: {  	_ =	shalt  }
0x5d: {  	_ =	shalt  }
0x5e: {  	_ =	shalt  }
0x5f: {  	_ =	shalt  }
0x60: {  	_ =	shalt  }
0x61: {  	_ =	shalt  }
0x62: {  	_ =	shalt  }
0x63: {  	_ =	shalt  }
0x64: {  	_ =	shalt  }
0x65: {  	_ =	shalt  }
0x66: {  	_ =	shalt  }
0x67: {  	_ =	shalt  }
0x68: {  	_ =	shalt  }
0x69: {  	_ =	shalt  }
0x6a: {  	_ =	shalt  }
0x6b: {  	_ =	shalt  }
0x6c: {  	_ =	shalt  }
0x6d: {  	_ =	shalt  }
0x6e: {  	_ =	shalt  }
0x6f: {  	_ =	shalt  }
0x70: {  	_ =	shalt  }
0x71: {  	_ =	shalt  }
0x72: {  	_ =	shalt  }
0x73: {  	_ =	shalt  }
0x74: {  	_ =	shalt  }
0x75: {  	_ =	shalt  }
0x76: {  	_ =	shalt  }
0x77: {  	_ =	shalt  }
0x78: {  	_ =	shalt  }
0x79: {  	_ =	shalt  }
0x7a: {  	_ =	shalt  }
0x7b: {  	_ =	shalt  }
0x7c: {  	_ =	shalt  }
0x7d: {  	_ =	shalt  }
0x7e: {  	_ =	shalt  }
0x7f: {  	_ =	shalt  }
0x80: {  	_ =	shalt  }
0x81: {  	_ =	shalt  }
0x82: {  	_ =	shalt  }
0x83: {  	_ =	shalt  }
0x84: {  	_ =	shalt  }
0x85: {  	_ =	shalt  }
0x86: {  	_ =	shalt  }
0x87: {  	_ =	shalt  }
.Lfunc_end0:
.L_simem_size_0:
called_computation.2_lowered:
.L_overlay_start_0:
0x88: {  	s2 =	sld [smem:$0x3FD9]  }
0x89: {  	s3 =	sld [smem:$0x3FFE];
	_ =	sdelay $0x1  }
0x8a: {  	s1 =	srdreg.scid  }
0x8b: {  	s0 =	sand.u32 $0x1, s1  }
0x8c: {  	s17 =	sshll.u32 s0, $0xA;
	s2 =	sadd.s32 s3, s2  }
0x8d: {  	s2 =	sadd.s32 s2, s17  }
0x8e: {  	[smem:$0x3FC2] =	sst s2  }
0x8f: {  	_ = 	snop  }
0x90: {  	s2 =	sld [smem:$0x3FD0];
	(tm) =	ssettm $0x1  }
0x91: {  	s18 =	sld [smem:$0x3FFB];
	_ =	sdelay $0x3  }
0x92: {  	_ =	strace s18  }
0x93: {  	s3 =	sld [smem:$0x3FFC];
	_ =	sdelay $0x3  }
0x94: {  	_ =	strace s3  }
0x95: {  	s3 =	sld [smem:$0x3FFD];
	_ =	sdelay $0x3  }
0x96: {  	_ =	strace s3  }
0x97: {  	_ =	strace $0x8FFFFFFF  }
0x98: {  	s19 =	sld [smem:$0x3FDB];
	_ =	sdelay $0x1  }
0x99: {  	s4 =	simm.s32 $_scs_section_size  }
0x9a: {  	s5 =	simm.s32 $_size__tile_overlayer_lowered;
	s6 =	simm.s32 $_tile_overlayer_lowered  }
0x9b: {  	s22 =	simm.s32 $0x1BFF;
	s21 =	sshll.u32 s6, $0x1;
	s3 =	sadd.s32 s4, s19  }
0x9c: {  	s7 =	simm.s32 $0x0;
	s20 =	sshll.u32 s5, $0x1;
	s5 =	sadd.s32 s21, s3  }
0x9d: {  	[timem:s7], [sflag:s22] =	dma.local [hbm:s5], s20  }
0x9e: {  	_ =	swait.ge [sflag:s22], s20  }
0x9f: {  	s4 =	ssub.s32 $0x0, s20;
	[sflag:s22] =	ssyncset.done $0x0  }
0xa0: {  	[sflag:s22] =	ssyncadd.s32 s4;
	_ =	sdelay $0x1  }
0xa1: {  	s23 =	simm.s32 $0x1B8B  }
0xa2: {  	_ =	swait.ge [sflag:s23], $0x1  }
0xa3: {  	[sflag:s23] =	ssyncset.done $0x0  }
0xa4: {  	s25 =	simm.s32 $0x1B8E;
	s24 =	sld [smem:$0x3FFE];
	[sflag:s23] =	ssyncadd.s32 $0xFFFFFFFF  }
0xa5: {  	s26 =	simm.s32 $execute0_lowered;
	[smem:$0x3FD2] =	sst s25  }
0xa6: {  	s5 =	sshll.u32 s26, $0x1;
	_ =	strace $0x8000004C;
	[dreg:$0x1] =	wrdreg $0xFFFFFFFF  }
0xa7: {  	s28 =	simm.s32 $_size_execute0_lowered;
	s3 =	sadd.s32 s3, s5;
	[dreg:$0x0] =	wrdreg $0x0  }
0xa8: {  	s5 =	sshll.u32 s28, $0x1;
	[dreg:$0x2] =	wrdreg s3  }
0xa9: {  	[dreg:$0x3] =	wrdreg s5  }
0xaa: {  	[dreg:$0x4] =	wrdreg $0xC0  }
0xab: {  	_ =	task [dreg:s7], $0x5FFFF  }
0xac: {  	[dreg:$0x1] =	wrdreg $0xFFFFFFFF  }
0xad: {  	[dreg:$0x0] =	wrdreg $0x60  }
0xae: {  	[dreg:$0x2] =	wrdreg s24  }
0xaf: {  	[dreg:$0x3] =	wrdreg s2  }
0xb0: {  	[dreg:$0x4] =	wrdreg $0x96000  }
0xb1: {  	[dreg:$0x5] =	wrdreg $0xBE000  }
0xb2: {  	[dreg:$0x6] =	wrdreg $0x9  }
0xb3: {  	_ =	task.clear_ibuf [dreg:s7], $0x7FFFF;
	_ =	strace $0x9000004C  }
0xb4: {  	s29 =	simm.s32 $0x9;
	_ =	strace $0x8000004E  }
0xb5: {  	_ =	swait.ge [sflag:s29], $0x1  }
0xb6: {  	[sflag:s29] =	ssyncadd.s32 $0xFFFFFFFF  }
0xb7: {  	_ =	strace $0x9000004E  }
0xb8: {  	_ =	sfence  }
0xb9: {  	s30 =	sld [smem:$0x0];
	_ =	sdelay $0x2  }
0xba: {  	s31 =	sshll.u32 s1, $0xD;
	s1 =	sshrl.u32 s1, $0x2  }
0xbb: {  	s3 =	sand.u32 $0x4000, s31;
	s1 =	sadd.s32 s1, s30  }
0xbc: {  	s0 =	sor.u32 s3, s0;
	s1 =	sshll.u32 s1, $0x11  }
0xbd: {  	s0 =	sor.u32 s1, s0  }
0xbe: {  	s0 =	sadd.s32 $0x8F2B, s0  }
0xbf: {  	[sflag:s0] =	ssyncadd.remote.s32 $0x1  }
0xc0: {  	_ =	sfence.sel $0xFFFF  }
0xc1: {  	[dreg:$0x0] =	wrdreg $0xFFFFFFFF;
	(pc) =	sbr.abs _section_cstart, $3  }
0xc2: {  	[dreg:$0x1] =	wrdreg $0xFFFFFFFF  }
0xc3: {  	_ =	task.clear_ibuf [dreg:s7], $0x2FFFF;
	_ =	strace $0x9FFFFFFF  }
0xc4: {  	(tm) =	ssettm $0x7FFFFFFF  }
0xc5: {  	_ =	shalt  }
tec
execute0_lowered:
.L_overlay_start_1:
0x0: {  	(tag) =	ssettag $0x1  }
0x1: {  	s6 =	rddreg [dreg:$0x0]  }
0x2: {  	s1 =	rddreg [dreg:$0x1]  }
0x3: {  	s0 =	srdreg.scid;
	s3 =	rddreg [dreg:$0x2]  }
0x4: {  	s4 =	rddreg [dreg:$0x3];
	s5 =	simm.s32 $0x0;
	s16 =	simm.s32 $0x1600  }
0x5: {  	s17 =	simm.s32 $0x1480;
	s18 =	simm.s32 $0x5600;
	s19 =	simm.s32 $0x1  }
0x6: {  	s20 =	simm.s32 $0x1500;
	s21 =	simm.s32 $0x2;
	s22 =	simm.s32 $0x1580  }
0x7: {  	s23 =	simm.s32 $0x0;
	s7 =	sand.u32 $0x1, s0;
	s0 =	stileid.u32  }
0x8: {  	[smem:$0x7FF] =	sst s5;
	s2 =	sshll.u32 s7, $0x4;
	s9 =	smul.u32 $0x14000, s0  }
0x9: {  	s10 =	smul.u32 $0x140000, s7;
	s7 =	ssub.s32 $0x2, s7;
	s2 =	sor.u32 s0, s2  }
0xa: {  	s12 =	sshll.u32 s0, $0x6;
	s31 =	sshrl.u32 s7, $0x1;
	s8 =	smul.u32 $0x280, s2  }
0xb: {  	s2 =	rddreg [dreg:$0x4];
	_ =	strace $0x8000004D;
	s11 =	sshrl.u32 s9, $0x3  }
0xc: {  	s10 =	sadd.s32 s9, s10;
	s13 =	ssub.s32 s7, s31;
	s14 =	sadd.s32 s9, s3  }
0xd: {  	s15 =	sadd.s32 s9, s4;
	s11 =	sadd.s32 s11, s6;
	s10 =	sshrl.u32 s10, $0x3  }
0xe: {  	s8 =	sadd.s32 s8, s6;
	s10 =	sadd.s32 s10, s6;
	s6 =	sor.u32 $0x1C03, s12  }
0xf: {  	s7 =	sadd.s32 $0x5C800, s11;
	s11 =	sshrl.u32 s14, $0x3;
	s12 =	simm.s32 $0x3  }
0x10: {  	s14 =	simm.s32 $0x80;
	s8 =	sadd.s32 $0x57800, s8;
	s9 =	sadd.s32 $0x84800, s10  }
0x11: {  	s10 =	smax.u32 s13, $0x1;
	s13 =	sshrl.u32 s15, $0x3;
	s15 =	simm.s32 $0x1400  }
.LBB2_1:
0x12: {  	[spmem:s11], [sflag:s6] =	dma.local [hbm:s1], $0x2800  }
0x13: {  	_ =	swait.ge [sflag:s12], $0x2800  }
0x14: {  	[sflag:s12] =	ssyncset.done $0x0  }
0x15: {  	[sflag:s12] =	ssyncadd.s32 $0xFFFFD800  }
0x16: {  	[spmem:s13], [sflag:s6] =	dma.local [hbm:s7], $0x2800  }
0x17: {  	_ =	swait.ge [sflag:s12], $0x2800  }
0x18: {  	[sflag:s12] =	ssyncset.done $0x0  }
0x19: {  	[sflag:s12] =	ssyncadd.s32 $0xFFFFD800  }
0x1a: {  	[tilespmem:s5], [sflag:$0x3] =	stream.linear.gather [hbm4b:s8+s5], $0x1400, $0x38;
	[tilespmem:$0xE600] =	vst v63  }
0x1b: {  	_ =	swait.ge [sflag:s12], $0x1400  }
0x1c: {  	[sflag:s12] =	ssyncset.done $0x0  }
0x1d: {  	[sflag:s12] =	ssyncadd.s32 $0xFFFFEC00  }
0x1e: {  	s24 =	simm.s32 $0x0;
	[bflag:$0x0] =	sbarrier.arrive $0xFFFF  }
.LBB2_2:
0x1f: {  	s25 =	sshra.s32 s24, $0x2  }
0x20: {  	v0 =	vld [tilespmem:s25+$0x0];
	_ =	sdelay $0x4  }
0x21: {  	v1 =	vand.u32 $0x3FFF, v0  }
0x22: {  	v0 =	vshra.s32 v0, $0xE;
	[tilespmem:$0x1400] =	vst v1  }
0x23: {  	[tilespmem:$0x1500] =	vst v0  }
0x24: {  	v0 =	vld [tilespmem:s25+$0x10];
	_ =	sdelay $0x4  }
0x25: {  	v37 =	vand.u32 $0x3FFF, v0  }
0x26: {  	v0 =	vshra.s32 v0, $0xE;
	[tilespmem:$0x1410] =	vst v37  }
0x27: {  	[tilespmem:$0x1510] =	vst v0  }
0x28: {  	v0 =	vld [tilespmem:s25+$0x20];
	_ =	sdelay $0x4  }
0x29: {  	v38 =	vand.u32 $0x3FFF, v0  }
0x2a: {  	v0 =	vshra.s32 v0, $0xE;
	[tilespmem:$0x1420] =	vst v38  }
0x2b: {  	[tilespmem:$0x1520] =	vst v0  }
0x2c: {  	v0 =	vld [tilespmem:s25+$0x30];
	_ =	sdelay $0x4  }
0x2d: {  	v39 =	vand.u32 $0x3FFF, v0  }
0x2e: {  	v0 =	vshra.s32 v0, $0xE;
	[tilespmem:$0x1430] =	vst v39  }
0x2f: {  	[tilespmem:$0x1530] =	vst v0  }
0x30: {  	v0 =	vld [tilespmem:s25+$0x40];
	_ =	sdelay $0x4  }
0x31: {  	v40 =	vand.u32 $0x3FFF, v0  }
0x32: {  	v0 =	vshra.s32 v0, $0xE;
	[tilespmem:$0x1440] =	vst v40  }
0x33: {  	[tilespmem:$0x1540] =	vst v0  }
0x34: {  	v0 =	vld [tilespmem:s25+$0x50];
	_ =	sdelay $0x4  }
0x35: {  	v41 =	vand.u32 $0x3FFF, v0  }
0x36: {  	v0 =	vshra.s32 v0, $0xE;
	[tilespmem:$0x1450] =	vst v41  }
0x37: {  	[tilespmem:$0x1550] =	vst v0  }
0x38: {  	v0 =	vld [tilespmem:s25+$0x60];
	_ =	sdelay $0x4  }
0x39: {  	v42 =	vand.u32 $0x3FFF, v0  }
0x3a: {  	v0 =	vshra.s32 v0, $0xE;
	[tilespmem:$0x1460] =	vst v42  }
0x3b: {  	[tilespmem:$0x1560] =	vst v0  }
0x3c: {  	v0 =	vld [tilespmem:s25+$0x70];
	_ =	sdelay $0x4  }
0x3d: {  	v43 =	vand.u32 $0x3FFF, v0  }
0x3e: {  	v0 =	vshra.s32 v0, $0xE;
	[tilespmem:$0x1470] =	vst v43  }
0x3f: {  	[tilespmem:$0x1570] =	vst v0  }
0x40: {  	[tilespmem:s16], [sflag:$0x1] =	stream.indirect.gather [spmem:s4], $0x10, s15, s14, $0xb8;
	[tilespmem:$0xE600] =	vst v63  }
0x41: {  	v0 =	vld [tilespmem:s25+$0x80];
	_ =	sdelay $0x4  }
0x42: {  	v44 =	vand.u32 $0x3FFF, v0  }
0x43: {  	v0 =	vshra.s32 v0, $0xE;
	[tilespmem:$0x1480] =	vst v44  }
0x44: {  	[tilespmem:$0x1580] =	vst v0  }
0x45: {  	v0 =	vld [tilespmem:s25+$0x90];
	_ =	sdelay $0x4  }
0x46: {  	v45 =	vand.u32 $0x3FFF, v0  }
0x47: {  	v0 =	vshra.s32 v0, $0xE;
	[tilespmem:$0x1490] =	vst v45  }
0x48: {  	[tilespmem:$0x1590] =	vst v0  }
0x49: {  	v0 =	vld [tilespmem:s25+$0xA0];
	_ =	sdelay $0x4  }
0x4a: {  	v46 =	vand.u32 $0x3FFF, v0  }
0x4b: {  	v0 =	vshra.s32 v0, $0xE;
	[tilespmem:$0x14A0] =	vst v46  }
0x4c: {  	[tilespmem:$0x15A0] =	vst v0  }
0x4d: {  	v0 =	vld [tilespmem:s25+$0xB0];
	_ =	sdelay $0x4  }
0x4e: {  	v47 =	vand.u32 $0x3FFF, v0  }
0x4f: {  	v0 =	vshra.s32 v0, $0xE;
	[tilespmem:$0x14B0] =	vst v47  }
0x50: {  	[tilespmem:$0x15B0] =	vst v0  }
0x51: {  	v0 =	vld [tilespmem:s25+$0xC0];
	_ =	sdelay $0x4  }
0x52: {  	v48 =	vand.u32 $0x3FFF, v0  }
0x53: {  	v0 =	vshra.s32 v0, $0xE;
	[tilespmem:$0x14C0] =	vst v48  }
0x54: {  	[tilespmem:$0x15C0] =	vst v0  }
0x55: {  	v0 =	vld [tilespmem:s25+$0xD0];
	_ =	sdelay $0x4  }
0x56: {  	v49 =	vand.u32 $0x3FFF, v0  }
0x57: {  	v0 =	vshra.s32 v0, $0xE;
	[tilespmem:$0x14D0] =	vst v49  }
0x58: {  	[tilespmem:$0x15D0] =	vst v0  }
0x59: {  	v0 =	vld [tilespmem:s25+$0xE0];
	_ =	sdelay $0x4  }
0x5a: {  	v50 =	vand.u32 $0x3FFF, v0  }
0x5b: {  	v0 =	vshra.s32 v0, $0xE;
	[tilespmem:$0x14E0] =	vst v50  }
0x5c: {  	[tilespmem:$0x15E0] =	vst v0  }
0x5d: {  	v0 =	vld [tilespmem:s25+$0xF0];
	_ =	sdelay $0x4  }
0x5e: {  	v51 =	vand.u32 $0x3FFF, v0  }
0x5f: {  	v0 =	vshra.s32 v0, $0xE;
	[tilespmem:$0x14F0] =	vst v51  }
0x60: {  	[tilespmem:$0x15F0] =	vst v0  }
0x61: {  	[tilespmem:s18], [sflag:$0x2] =	stream.indirect.gather [spmem:s4], $0x10, s17, s14, $0xb8;
	[tilespmem:$0xE600] =	vst v63  }
0x62: {  	_ =	swait.ge [sflag:s19], $0x800  }
0x63: {  	[sflag:s19] =	ssyncset.done $0x0  }
0x64: {  	[sflag:s19] =	ssyncadd.s32 $0xFFFFF800  }
0x65: {  	[spmem:s3] =	stream.indirect.scatter.add.f32 [tilespmem:s16], [sflag:$0x3], $0x10, s20, s14, $0xb8;
	[tilespmem:$0xE600] =	vst v63  }
0x66: {  	_ =	swait.ge [sflag:s12], $0x800  }
0x67: {  	[sflag:s12] =	ssyncset.done $0x0  }
0x68: {  	[sflag:s12] =	ssyncadd.s32 $0xFFFFF800  }
0x69: {  	v52 =	vld [tilespmem:s25+$0x100];
	_ =	sdelay $0x4  }
0x6a: {  	v53 =	vand.u32 $0x3FFF, v52  }
0x6b: {  	v0 =	vshra.s32 v52, $0xE;
	[tilespmem:$0x1400] =	vst v53  }
0x6c: {  	[tilespmem:$0x1500] =	vst v0  }
0x6d: {  	v0 =	vld [tilespmem:s25+$0x110];
	_ =	sdelay $0x4  }
0x6e: {  	v54 =	vand.u32 $0x3FFF, v0  }
0x6f: {  	v0 =	vshra.s32 v0, $0xE;
	[tilespmem:$0x1410] =	vst v54  }
0x70: {  	[tilespmem:$0x1510] =	vst v0  }
0x71: {  	v0 =	vld [tilespmem:s25+$0x120];
	_ =	sdelay $0x4  }
0x72: {  	v55 =	vand.u32 $0x3FFF, v0  }
0x73: {  	v0 =	vshra.s32 v0, $0xE;
	[tilespmem:$0x1420] =	vst v55  }
0x74: {  	[tilespmem:$0x1520] =	vst v0  }
0x75: {  	v0 =	vld [tilespmem:s25+$0x130];
	_ =	sdelay $0x4  }
0x76: {  	v56 =	vand.u32 $0x3FFF, v0  }
0x77: {  	v0 =	vshra.s32 v0, $0xE;
	[tilespmem:$0x1430] =	vst v56  }
0x78: {  	[tilespmem:$0x1530] =	vst v0  }
0x79: {  	v0 =	vld [tilespmem:s25+$0x140];
	_ =	sdelay $0x4  }
0x7a: {  	v57 =	vand.u32 $0x3FFF, v0  }
0x7b: {  	v0 =	vshra.s32 v0, $0xE;
	[tilespmem:$0x1440] =	vst v57  }
0x7c: {  	[tilespmem:$0x1540] =	vst v0  }
0x7d: {  	v0 =	vld [tilespmem:s25+$0x150];
	_ =	sdelay $0x4  }
0x7e: {  	v58 =	vand.u32 $0x3FFF, v0  }
0x7f: {  	v0 =	vshra.s32 v0, $0xE;
	[tilespmem:$0x1450] =	vst v58  }
0x80: {  	[tilespmem:$0x1550] =	vst v0  }
0x81: {  	v0 =	vld [tilespmem:s25+$0x160];
	_ =	sdelay $0x4  }
0x82: {  	v59 =	vand.u32 $0x3FFF, v0  }
0x83: {  	v0 =	vshra.s32 v0, $0xE;
	[tilespmem:$0x1460] =	vst v59  }
0x84: {  	[tilespmem:$0x1560] =	vst v0  }
0x85: {  	v0 =	vld [tilespmem:s25+$0x170];
	_ =	sdelay $0x4  }
0x86: {  	v60 =	vand.u32 $0x3FFF, v0  }
0x87: {  	v0 =	vshra.s32 v0, $0xE;
	[tilespmem:$0x1470] =	vst v60  }
0x88: {  	[tilespmem:$0x1570] =	vst v0  }
0x89: {  	[tilespmem:s16], [sflag:$0x1] =	stream.indirect.gather [spmem:s4], $0x10, s15, s14, $0xb8;
	[tilespmem:$0xE600] =	vst v63  }
0x8a: {  	_ =	swait.ge [sflag:s21], $0x800  }
0x8b: {  	[sflag:s21] =	ssyncset.done $0x0  }
0x8c: {  	[sflag:s21] =	ssyncadd.s32 $0xFFFFF800  }
0x8d: {  	[spmem:s3] =	stream.indirect.scatter.add.f32 [tilespmem:s18], [sflag:$0x3], $0x10, s22, s14, $0xb8;
	[tilespmem:$0xE600] =	vst v63  }
0x8e: {  	_ =	swait.ge [sflag:s12], $0x800  }
0x8f: {  	[sflag:s12] =	ssyncset.done $0x0  }
0x90: {  	[sflag:s12] =	ssyncadd.s32 $0xFFFFF800  }
0x91: {  	v61 =	vld [tilespmem:s25+$0x180];
	_ =	sdelay $0x4  }
0x92: {  	v62 =	vand.u32 $0x3FFF, v61  }
0x93: {  	v0 =	vshra.s32 v61, $0xE;
	[tilespmem:$0x1480] =	vst v62  }
0x94: {  	[tilespmem:$0x1580] =	vst v0  }
0x95: {  	v0 =	vld [tilespmem:s25+$0x190];
	_ =	sdelay $0x4  }
0x96: {  	v63 =	vand.u32 $0x3FFF, v0  }
0x97: {  	v0 =	vshra.s32 v0, $0xE;
	[tilespmem:$0x1490] =	vst v63  }
0x98: {  	[tilespmem:$0x1590] =	vst v0  }
0x99: {  	v0 =	vld [tilespmem:s25+$0x1A0];
	_ =	sdelay $0x4  }
0x9a: {  	v4 =	vand.u32 $0x3FFF, v0  }
0x9b: {  	v0 =	vshra.s32 v0, $0xE;
	[tilespmem:$0x14A0] =	vst v4  }
0x9c: {  	[tilespmem:$0x15A0] =	vst v0  }
0x9d: {  	v0 =	vld [tilespmem:s25+$0x1B0];
	_ =	sdelay $0x4  }
0x9e: {  	v5 =	vand.u32 $0x3FFF, v0  }
0x9f: {  	v0 =	vshra.s32 v0, $0xE;
	[tilespmem:$0x14B0] =	vst v5  }
0xa0: {  	[tilespmem:$0x15B0] =	vst v0  }
0xa1: {  	v0 =	vld [tilespmem:s25+$0x1C0];
	_ =	sdelay $0x4  }
0xa2: {  	v6 =	vand.u32 $0x3FFF, v0  }
0xa3: {  	v0 =	vshra.s32 v0, $0xE;
	[tilespmem:$0x14C0] =	vst v6  }
0xa4: {  	[tilespmem:$0x15C0] =	vst v0  }
0xa5: {  	v0 =	vld [tilespmem:s25+$0x1D0];
	_ =	sdelay $0x4  }
0xa6: {  	v7 =	vand.u32 $0x3FFF, v0  }
0xa7: {  	v0 =	vshra.s32 v0, $0xE;
	[tilespmem:$0x14D0] =	vst v7  }
0xa8: {  	[tilespmem:$0x15D0] =	vst v0  }
0xa9: {  	v0 =	vld [tilespmem:s25+$0x1E0];
	_ =	sdelay $0x4  }
0xaa: {  	v8 =	vand.u32 $0x3FFF, v0  }
0xab: {  	v0 =	vshra.s32 v0, $0xE;
	[tilespmem:$0x14E0] =	vst v8  }
0xac: {  	[tilespmem:$0x15E0] =	vst v0  }
0xad: {  	v0 =	vld [tilespmem:s25+$0x1F0];
	_ =	sdelay $0x4  }
0xae: {  	v9 =	vand.u32 $0x3FFF, v0  }
0xaf: {  	v0 =	vshra.s32 v0, $0xE;
	[tilespmem:$0x14F0] =	vst v9  }
0xb0: {  	[tilespmem:$0x15F0] =	vst v0  }
0xb1: {  	[tilespmem:s18], [sflag:$0x2] =	stream.indirect.gather [spmem:s4], $0x10, s17, s14, $0xb8;
	[tilespmem:$0xE600] =	vst v63  }
0xb2: {  	_ =	swait.ge [sflag:s19], $0x800  }
0xb3: {  	[sflag:s19] =	ssyncset.done $0x0  }
0xb4: {  	[sflag:s19] =	ssyncadd.s32 $0xFFFFF800  }
0xb5: {  	[spmem:s3] =	stream.indirect.scatter.add.f32 [tilespmem:s16], [sflag:$0x3], $0x10, s20, s14, $0xb8;
	[tilespmem:$0xE600] =	vst v63  }
0xb6: {  	_ =	swait.ge [sflag:s12], $0x800  }
0xb7: {  	[sflag:s12] =	ssyncset.done $0x0  }
0xb8: {  	[sflag:s12] =	ssyncadd.s32 $0xFFFFF800  }
0xb9: {  	v10 =	vld [tilespmem:s25+$0x200];
	_ =	sdelay $0x4  }
0xba: {  	v11 =	vand.u32 $0x3FFF, v10  }
0xbb: {  	v0 =	vshra.s32 v10, $0xE;
	[tilespmem:$0x1400] =	vst v11  }
0xbc: {  	[tilespmem:$0x1500] =	vst v0  }
0xbd: {  	v0 =	vld [tilespmem:s25+$0x210];
	_ =	sdelay $0x4  }
0xbe: {  	v12 =	vand.u32 $0x3FFF, v0  }
0xbf: {  	v0 =	vshra.s32 v0, $0xE;
	[tilespmem:$0x1410] =	vst v12  }
0xc0: {  	[tilespmem:$0x1510] =	vst v0  }
0xc1: {  	v0 =	vld [tilespmem:s25+$0x220];
	_ =	sdelay $0x4  }
0xc2: {  	v13 =	vand.u32 $0x3FFF, v0  }
0xc3: {  	v0 =	vshra.s32 v0, $0xE;
	[tilespmem:$0x1420] =	vst v13  }
0xc4: {  	[tilespmem:$0x1520] =	vst v0  }
0xc5: {  	v0 =	vld [tilespmem:s25+$0x230];
	_ =	sdelay $0x4  }
0xc6: {  	v14 =	vand.u32 $0x3FFF, v0  }
0xc7: {  	v0 =	vshra.s32 v0, $0xE;
	[tilespmem:$0x1430] =	vst v14  }
0xc8: {  	[tilespmem:$0x1530] =	vst v0  }
0xc9: {  	v0 =	vld [tilespmem:s25+$0x240];
	_ =	sdelay $0x4  }
0xca: {  	v15 =	vand.u32 $0x3FFF, v0  }
0xcb: {  	v0 =	vshra.s32 v0, $0xE;
	[tilespmem:$0x1440] =	vst v15  }
0xcc: {  	[tilespmem:$0x1540] =	vst v0  }
0xcd: {  	v0 =	vld [tilespmem:s25+$0x250];
	_ =	sdelay $0x4  }
0xce: {  	v16 =	vand.u32 $0x3FFF, v0  }
0xcf: {  	v0 =	vshra.s32 v0, $0xE;
	[tilespmem:$0x1450] =	vst v16  }
0xd0: {  	[tilespmem:$0x1550] =	vst v0  }
0xd1: {  	v0 =	vld [tilespmem:s25+$0x260];
	_ =	sdelay $0x4  }
0xd2: {  	v17 =	vand.u32 $0x3FFF, v0  }
0xd3: {  	v0 =	vshra.s32 v0, $0xE;
	[tilespmem:$0x1460] =	vst v17  }
0xd4: {  	[tilespmem:$0x1560] =	vst v0  }
0xd5: {  	v0 =	vld [tilespmem:s25+$0x270];
	_ =	sdelay $0x4  }
0xd6: {  	v18 =	vand.u32 $0x3FFF, v0  }
0xd7: {  	v0 =	vshra.s32 v0, $0xE;
	[tilespmem:$0x1470] =	vst v18  }
0xd8: {  	[tilespmem:$0x1570] =	vst v0  }
0xd9: {  	[tilespmem:s16], [sflag:$0x1] =	stream.indirect.gather [spmem:s4], $0x10, s15, s14, $0xb8;
	[tilespmem:$0xE600] =	vst v63  }
0xda: {  	_ =	swait.ge [sflag:s21], $0x800  }
0xdb: {  	[sflag:s21] =	ssyncset.done $0x0  }
0xdc: {  	[sflag:s21] =	ssyncadd.s32 $0xFFFFF800  }
0xdd: {  	[spmem:s3] =	stream.indirect.scatter.add.f32 [tilespmem:s18], [sflag:$0x3], $0x10, s22, s14, $0xb8;
	[tilespmem:$0xE600] =	vst v63  }
0xde: {  	_ =	swait.ge [sflag:s12], $0x800  }
0xdf: {  	[sflag:s12] =	ssyncset.done $0x0  }
0xe0: {  	[sflag:s12] =	ssyncadd.s32 $0xFFFFF800  }
0xe1: {  	v19 =	vld [tilespmem:s25+$0x280];
	_ =	sdelay $0x4  }
0xe2: {  	v20 =	vand.u32 $0x3FFF, v19  }
0xe3: {  	v0 =	vshra.s32 v19, $0xE;
	[tilespmem:$0x1480] =	vst v20  }
0xe4: {  	[tilespmem:$0x1580] =	vst v0  }
0xe5: {  	v0 =	vld [tilespmem:s25+$0x290];
	_ =	sdelay $0x4  }
0xe6: {  	v21 =	vand.u32 $0x3FFF, v0  }
0xe7: {  	v0 =	vshra.s32 v0, $0xE;
	[tilespmem:$0x1490] =	vst v21  }
0xe8: {  	[tilespmem:$0x1590] =	vst v0  }
0xe9: {  	v0 =	vld [tilespmem:s25+$0x2A0];
	_ =	sdelay $0x4  }
0xea: {  	v22 =	vand.u32 $0x3FFF, v0  }
0xeb: {  	v0 =	vshra.s32 v0, $0xE;
	[tilespmem:$0x14A0] =	vst v22  }
0xec: {  	[tilespmem:$0x15A0] =	vst v0  }
0xed: {  	v0 =	vld [tilespmem:s25+$0x2B0];
	_ =	sdelay $0x4  }
0xee: {  	v23 =	vand.u32 $0x3FFF, v0  }
0xef: {  	v0 =	vshra.s32 v0, $0xE;
	[tilespmem:$0x14B0] =	vst v23  }
0xf0: {  	[tilespmem:$0x15B0] =	vst v0  }
0xf1: {  	v0 =	vld [tilespmem:s25+$0x2C0];
	_ =	sdelay $0x4  }
0xf2: {  	v24 =	vand.u32 $0x3FFF, v0  }
0xf3: {  	v0 =	vshra.s32 v0, $0xE;
	[tilespmem:$0x14C0] =	vst v24  }
0xf4: {  	[tilespmem:$0x15C0] =	vst v0  }
0xf5: {  	v0 =	vld [tilespmem:s25+$0x2D0];
	_ =	sdelay $0x4  }
0xf6: {  	v25 =	vand.u32 $0x3FFF, v0  }
0xf7: {  	v0 =	vshra.s32 v0, $0xE;
	[tilespmem:$0x14D0] =	vst v25  }
0xf8: {  	[tilespmem:$0x15D0] =	vst v0  }
0xf9: {  	v0 =	vld [tilespmem:s25+$0x2E0];
	_ =	sdelay $0x4  }
0xfa: {  	v26 =	vand.u32 $0x3FFF, v0  }
0xfb: {  	v0 =	vshra.s32 v0, $0xE;
	[tilespmem:$0x14E0] =	vst v26  }
0xfc: {  	[tilespmem:$0x15E0] =	vst v0  }
0xfd: {  	v0 =	vld [tilespmem:s25+$0x2F0];
	_ =	sdelay $0x4  }
0xfe: {  	v27 =	vand.u32 $0x3FFF, v0  }
0xff: {  	v0 =	vshra.s32 v0, $0xE;
	[tilespmem:$0x14F0] =	vst v27  }
0x100: {  	[tilespmem:$0x15F0] =	vst v0  }
0x101: {  	[tilespmem:s18], [sflag:$0x2] =	stream.indirect.gather [spmem:s4], $0x10, s17, s14, $0xb8;
	[tilespmem:$0xE600] =	vst v63  }
0x102: {  	_ =	swait.ge [sflag:s19], $0x800  }
0x103: {  	[sflag:s19] =	ssyncset.done $0x0  }
0x104: {  	[sflag:s19] =	ssyncadd.s32 $0xFFFFF800  }
0x105: {  	[spmem:s3] =	stream.indirect.scatter.add.f32 [tilespmem:s16], [sflag:$0x3], $0x10, s20, s14, $0xb8;
	[tilespmem:$0xE600] =	vst v63  }
0x106: {  	_ =	swait.ge [sflag:s12], $0x800  }
0x107: {  	[sflag:s12] =	ssyncset.done $0x0  }
0x108: {  	[sflag:s12] =	ssyncadd.s32 $0xFFFFF800  }
0x109: {  	v28 =	vld [tilespmem:s25+$0x300];
	_ =	sdelay $0x4  }
0x10a: {  	v29 =	vand.u32 $0x3FFF, v28  }
0x10b: {  	v0 =	vshra.s32 v28, $0xE;
	[tilespmem:$0x1400] =	vst v29  }
0x10c: {  	[tilespmem:$0x1500] =	vst v0  }
0x10d: {  	v0 =	vld [tilespmem:s25+$0x310];
	_ =	sdelay $0x4  }
0x10e: {  	v30 =	vand.u32 $0x3FFF, v0  }
0x10f: {  	v0 =	vshra.s32 v0, $0xE;
	[tilespmem:$0x1410] =	vst v30  }
0x110: {  	[tilespmem:$0x1510] =	vst v0  }
0x111: {  	v0 =	vld [tilespmem:s25+$0x320];
	_ =	sdelay $0x4  }
0x112: {  	v31 =	vand.u32 $0x3FFF, v0  }
0x113: {  	v0 =	vshra.s32 v0, $0xE;
	[tilespmem:$0x1420] =	vst v31  }
0x114: {  	[tilespmem:$0x1520] =	vst v0  }
0x115: {  	v0 =	vld [tilespmem:s25+$0x330];
	_ =	sdelay $0x4  }
0x116: {  	v32 =	vand.u32 $0x3FFF, v0  }
0x117: {  	v0 =	vshra.s32 v0, $0xE;
	[tilespmem:$0x1430] =	vst v32  }
0x118: {  	[tilespmem:$0x1530] =	vst v0  }
0x119: {  	v0 =	vld [tilespmem:s25+$0x340];
	_ =	sdelay $0x4  }
0x11a: {  	v33 =	vand.u32 $0x3FFF, v0  }
0x11b: {  	v0 =	vshra.s32 v0, $0xE;
	[tilespmem:$0x1440] =	vst v33  }
0x11c: {  	[tilespmem:$0x1540] =	vst v0  }
0x11d: {  	v0 =	vld [tilespmem:s25+$0x350];
	_ =	sdelay $0x4  }
0x11e: {  	v34 =	vand.u32 $0x3FFF, v0  }
0x11f: {  	v0 =	vshra.s32 v0, $0xE;
	[tilespmem:$0x1450] =	vst v34  }
0x120: {  	[tilespmem:$0x1550] =	vst v0  }
0x121: {  	v0 =	vld [tilespmem:s25+$0x360];
	_ =	sdelay $0x4  }
0x122: {  	v35 =	vand.u32 $0x3FFF, v0  }
0x123: {  	v0 =	vshra.s32 v0, $0xE;
	[tilespmem:$0x1460] =	vst v35  }
0x124: {  	[tilespmem:$0x1560] =	vst v0  }
0x125: {  	v0 =	vld [tilespmem:s25+$0x370];
	_ =	sdelay $0x4  }
0x126: {  	v36 =	vand.u32 $0x3FFF, v0  }
0x127: {  	v0 =	vshra.s32 v0, $0xE;
	[tilespmem:$0x1470] =	vst v36  }
0x128: {  	[tilespmem:$0x1570] =	vst v0  }
0x129: {  	[tilespmem:s16], [sflag:$0x1] =	stream.indirect.gather [spmem:s4], $0x10, s15, s14, $0xb8;
	[tilespmem:$0xE600] =	vst v63  }
0x12a: {  	_ =	swait.ge [sflag:s21], $0x800  }
0x12b: {  	[sflag:s21] =	ssyncset.done $0x0  }
0x12c: {  	[sflag:s21] =	ssyncadd.s32 $0xFFFFF800  }
0x12d: {  	[spmem:s3] =	stream.indirect.scatter.add.f32 [tilespmem:s18], [sflag:$0x3], $0x10, s22, s14, $0xb8;
	[tilespmem:$0xE600] =	vst v63  }
0x12e: {  	_ =	swait.ge [sflag:s12], $0x800  }
0x12f: {  	[sflag:s12] =	ssyncset.done $0x0  }
0x130: {  	[sflag:s12] =	ssyncadd.s32 $0xFFFFF800  }
0x131: {  	v37 =	vld [tilespmem:s25+$0x380];
	_ =	sdelay $0x4  }
0x132: {  	v38 =	vand.u32 $0x3FFF, v37  }
0x133: {  	v0 =	vshra.s32 v37, $0xE;
	[tilespmem:$0x1480] =	vst v38  }
0x134: {  	[tilespmem:$0x1580] =	vst v0  }
0x135: {  	v0 =	vld [tilespmem:s25+$0x390];
	_ =	sdelay $0x4  }
0x136: {  	v39 =	vand.u32 $0x3FFF, v0  }
0x137: {  	v0 =	vshra.s32 v0, $0xE;
	[tilespmem:$0x1490] =	vst v39  }
0x138: {  	[tilespmem:$0x1590] =	vst v0  }
0x139: {  	v0 =	vld [tilespmem:s25+$0x3A0];
	_ =	sdelay $0x4  }
0x13a: {  	v40 =	vand.u32 $0x3FFF, v0  }
0x13b: {  	v0 =	vshra.s32 v0, $0xE;
	[tilespmem:$0x14A0] =	vst v40  }
0x13c: {  	[tilespmem:$0x15A0] =	vst v0  }
0x13d: {  	v0 =	vld [tilespmem:s25+$0x3B0];
	_ =	sdelay $0x4  }
0x13e: {  	v41 =	vand.u32 $0x3FFF, v0  }
0x13f: {  	v0 =	vshra.s32 v0, $0xE;
	[tilespmem:$0x14B0] =	vst v41  }
0x140: {  	[tilespmem:$0x15B0] =	vst v0  }
0x141: {  	v0 =	vld [tilespmem:s25+$0x3C0];
	_ =	sdelay $0x4  }
0x142: {  	v42 =	vand.u32 $0x3FFF, v0  }
0x143: {  	v0 =	vshra.s32 v0, $0xE;
	[tilespmem:$0x14C0] =	vst v42  }
0x144: {  	[tilespmem:$0x15C0] =	vst v0  }
0x145: {  	v0 =	vld [tilespmem:s25+$0x3D0];
	_ =	sdelay $0x4  }
0x146: {  	v43 =	vand.u32 $0x3FFF, v0  }
0x147: {  	v0 =	vshra.s32 v0, $0xE;
	[tilespmem:$0x14D0] =	vst v43  }
0x148: {  	[tilespmem:$0x15D0] =	vst v0  }
0x149: {  	v0 =	vld [tilespmem:s25+$0x3E0];
	_ =	sdelay $0x4  }
0x14a: {  	v44 =	vand.u32 $0x3FFF, v0  }
0x14b: {  	v0 =	vshra.s32 v0, $0xE;
	[tilespmem:$0x14E0] =	vst v44  }
0x14c: {  	[tilespmem:$0x15E0] =	vst v0  }
0x14d: {  	v0 =	vld [tilespmem:s25+$0x3F0];
	_ =	sdelay $0x4  }
0x14e: {  	v45 =	vand.u32 $0x3FFF, v0  }
0x14f: {  	v0 =	vshra.s32 v0, $0xE;
	[tilespmem:$0x14F0] =	vst v45  }
0x150: {  	[tilespmem:$0x15F0] =	vst v0  }
0x151: {  	[tilespmem:s18], [sflag:$0x2] =	stream.indirect.gather [spmem:s4], $0x10, s17, s14, $0xb8;
	[tilespmem:$0xE600] =	vst v63  }
0x152: {  	_ =	swait.ge [sflag:s19], $0x800  }
0x153: {  	[sflag:s19] =	ssyncset.done $0x0  }
0x154: {  	[sflag:s19] =	ssyncadd.s32 $0xFFFFF800  }
0x155: {  	[spmem:s3] =	stream.indirect.scatter.add.f32 [tilespmem:s16], [sflag:$0x3], $0x10, s20, s14, $0xb8;
	[tilespmem:$0xE600] =	vst v63  }
0x156: {  	_ =	swait.ge [sflag:s12], $0x800  }
0x157: {  	[sflag:s12] =	ssyncset.done $0x0  }
0x158: {  	[sflag:s12] =	ssyncadd.s32 $0xFFFFF800  }
0x159: {  	v46 =	vld [tilespmem:s25+$0x400];
	_ =	sdelay $0x4  }
0x15a: {  	v47 =	vand.u32 $0x3FFF, v46  }
0x15b: {  	v0 =	vshra.s32 v46, $0xE;
	[tilespmem:$0x1400] =	vst v47  }
0x15c: {  	[tilespmem:$0x1500] =	vst v0  }
0x15d: {  	v0 =	vld [tilespmem:s25+$0x410];
	_ =	sdelay $0x4  }
0x15e: {  	v48 =	vand.u32 $0x3FFF, v0  }
0x15f: {  	v0 =	vshra.s32 v0, $0xE;
	[tilespmem:$0x1410] =	vst v48  }
0x160: {  	[tilespmem:$0x1510] =	vst v0  }
0x161: {  	v0 =	vld [tilespmem:s25+$0x420];
	_ =	sdelay $0x4  }
0x162: {  	v49 =	vand.u32 $0x3FFF, v0  }
0x163: {  	v0 =	vshra.s32 v0, $0xE;
	[tilespmem:$0x1420] =	vst v49  }
0x164: {  	[tilespmem:$0x1520] =	vst v0  }
0x165: {  	v0 =	vld [tilespmem:s25+$0x430];
	_ =	sdelay $0x4  }
0x166: {  	v50 =	vand.u32 $0x3FFF, v0  }
0x167: {  	v0 =	vshra.s32 v0, $0xE;
	[tilespmem:$0x1430] =	vst v50  }
0x168: {  	[tilespmem:$0x1530] =	vst v0  }
0x169: {  	v0 =	vld [tilespmem:s25+$0x440];
	_ =	sdelay $0x4  }
0x16a: {  	v51 =	vand.u32 $0x3FFF, v0  }
0x16b: {  	v0 =	vshra.s32 v0, $0xE;
	[tilespmem:$0x1440] =	vst v51  }
0x16c: {  	[tilespmem:$0x1540] =	vst v0  }
0x16d: {  	v0 =	vld [tilespmem:s25+$0x450];
	_ =	sdelay $0x4  }
0x16e: {  	v52 =	vand.u32 $0x3FFF, v0  }
0x16f: {  	v0 =	vshra.s32 v0, $0xE;
	[tilespmem:$0x1450] =	vst v52  }
0x170: {  	[tilespmem:$0x1550] =	vst v0  }
0x171: {  	v0 =	vld [tilespmem:s25+$0x460];
	_ =	sdelay $0x4  }
0x172: {  	v53 =	vand.u32 $0x3FFF, v0  }
0x173: {  	v0 =	vshra.s32 v0, $0xE;
	[tilespmem:$0x1460] =	vst v53  }
0x174: {  	[tilespmem:$0x1560] =	vst v0  }
0x175: {  	v0 =	vld [tilespmem:s25+$0x470];
	_ =	sdelay $0x4  }
0x176: {  	v54 =	vand.u32 $0x3FFF, v0  }
0x177: {  	v0 =	vshra.s32 v0, $0xE;
	[tilespmem:$0x1470] =	vst v54  }
0x178: {  	[tilespmem:$0x1570] =	vst v0  }
0x179: {  	[tilespmem:s16], [sflag:$0x1] =	stream.indirect.gather [spmem:s4], $0x10, s15, s14, $0xb8;
	[tilespmem:$0xE600] =	vst v63  }
0x17a: {  	_ =	swait.ge [sflag:s21], $0x800  }
0x17b: {  	[sflag:s21] =	ssyncset.done $0x0  }
0x17c: {  	[sflag:s21] =	ssyncadd.s32 $0xFFFFF800  }
0x17d: {  	[spmem:s3] =	stream.indirect.scatter.add.f32 [tilespmem:s18], [sflag:$0x3], $0x10, s22, s14, $0xb8;
	[tilespmem:$0xE600] =	vst v63  }
0x17e: {  	_ =	swait.ge [sflag:s12], $0x800  }
0x17f: {  	[sflag:s12] =	ssyncset.done $0x0  }
0x180: {  	[sflag:s12] =	ssyncadd.s32 $0xFFFFF800  }
0x181: {  	v55 =	vld [tilespmem:s25+$0x480];
	_ =	sdelay $0x4  }
0x182: {  	v56 =	vand.u32 $0x3FFF, v55  }
0x183: {  	v0 =	vshra.s32 v55, $0xE;
	[tilespmem:$0x1480] =	vst v56  }
0x184: {  	[tilespmem:$0x1580] =	vst v0  }
0x185: {  	v0 =	vld [tilespmem:s25+$0x490];
	_ =	sdelay $0x4  }
0x186: {  	v57 =	vand.u32 $0x3FFF, v0  }
0x187: {  	v0 =	vshra.s32 v0, $0xE;
	[tilespmem:$0x1490] =	vst v57  }
0x188: {  	[tilespmem:$0x1590] =	vst v0  }
0x189: {  	v0 =	vld [tilespmem:s25+$0x4A0];
	_ =	sdelay $0x4  }
0x18a: {  	v58 =	vand.u32 $0x3FFF, v0  }
0x18b: {  	v0 =	vshra.s32 v0, $0xE;
	[tilespmem:$0x14A0] =	vst v58  }
0x18c: {  	[tilespmem:$0x15A0] =	vst v0  }
0x18d: {  	v0 =	vld [tilespmem:s25+$0x4B0];
	_ =	sdelay $0x4  }
0x18e: {  	v59 =	vand.u32 $0x3FFF, v0  }
0x18f: {  	v0 =	vshra.s32 v0, $0xE;
	[tilespmem:$0x14B0] =	vst v59  }
0x190: {  	[tilespmem:$0x15B0] =	vst v0  }
0x191: {  	v0 =	vld [tilespmem:s25+$0x4C0];
	_ =	sdelay $0x4  }
0x192: {  	v60 =	vand.u32 $0x3FFF, v0  }
0x193: {  	v0 =	vshra.s32 v0, $0xE;
	[tilespmem:$0x14C0] =	vst v60  }
0x194: {  	[tilespmem:$0x15C0] =	vst v0  }
0x195: {  	v0 =	vld [tilespmem:s25+$0x4D0];
	_ =	sdelay $0x4  }
0x196: {  	v61 =	vand.u32 $0x3FFF, v0  }
0x197: {  	v0 =	vshra.s32 v0, $0xE;
	[tilespmem:$0x14D0] =	vst v61  }
0x198: {  	[tilespmem:$0x15D0] =	vst v0  }
0x199: {  	v0 =	vld [tilespmem:s25+$0x4E0];
	_ =	sdelay $0x4  }
0x19a: {  	v62 =	vand.u32 $0x3FFF, v0  }
0x19b: {  	v0 =	vshra.s32 v0, $0xE;
	[tilespmem:$0x14E0] =	vst v62  }
0x19c: {  	[tilespmem:$0x15E0] =	vst v0  }
0x19d: {  	v0 =	vld [tilespmem:s25+$0x4F0];
	_ =	sdelay $0x4  }
0x19e: {  	v63 =	vand.u32 $0x3FFF, v0  }
0x19f: {  	v0 =	vshra.s32 v0, $0xE;
	[tilespmem:$0x14F0] =	vst v63  }
0x1a0: {  	[tilespmem:$0x15F0] =	vst v0  }
0x1a1: {  	[tilespmem:s18], [sflag:$0x2] =	stream.indirect.gather [spmem:s4], $0x10, s17, s14, $0xb8;
	[tilespmem:$0xE600] =	vst v63  }
0x1a2: {  	_ =	swait.ge [sflag:s19], $0x800  }
0x1a3: {  	[sflag:s19] =	ssyncset.done $0x0  }
0x1a4: {  	[sflag:s19] =	ssyncadd.s32 $0xFFFFF800  }
0x1a5: {  	[spmem:s3] =	stream.indirect.scatter.add.f32 [tilespmem:s16], [sflag:$0x3], $0x10, s20, s14, $0xb8;
	[tilespmem:$0xE600] =	vst v63  }
0x1a6: {  	_ =	swait.ge [sflag:s12], $0x800  }
0x1a7: {  	[sflag:s12] =	ssyncset.done $0x0  }
0x1a8: {  	[sflag:s12] =	ssyncadd.s32 $0xFFFFF800  }
0x1a9: {  	_ =	swait.ge [sflag:s21], $0x800  }
0x1aa: {  	p0 =	sne.s32 s24, $0x3C00;
	[sflag:s21] =	ssyncset.done $0x0  }
.Ltmp0:
0x1ab: {  	[sflag:s21] =	ssyncadd.s32 $0xFFFFF800;
	(pc) =	sbr.rel @p0 .LBB2_2-.Ltmp0, $4  }
0x1ac: {  	[spmem:s3] =	stream.indirect.scatter.add.f32 [tilespmem:s18], [sflag:$0x3], $0x10, s22, s14, $0xb8;
	[tilespmem:$0xE600] =	vst v63  }
0x1ad: {  	_ =	swait.ge [sflag:s12], $0x800  }
0x1ae: {  	[sflag:s12] =	ssyncset.done $0x0  }
0x1af: {  	s24 =	sadd.s32 $0x1400, s24;
	[sflag:s12] =	ssyncadd.s32 $0xFFFFF800  }
0x1b0: {  	s23 =	sadd.s32 $0x1, s23  }
0x1b1: {  	p0 =	sne.s32 s23, s10  }
.Ltmp1:
0x1b2: {  	[bflag:$0x0] =	sbarrier.arrive $0xFFFF;
	(pc) =	sbr.rel @p0 .LBB2_1-.Ltmp1, $4  }
0x1b3: {  	[hbm:s9], [sflag:s6] =	dma.local [spmem:s11], $0x2800  }
0x1b4: {  	_ =	swait.ge [sflag:s12], $0x2800  }
0x1b5: {  	[sflag:s12] =	ssyncset.done $0x0  }
0x1b6: {  	[sflag:s12] =	ssyncadd.s32 $0xFFFFD800  }
0x1b7: {  	_ =	sfence.sel $0x180000  }
0x1b8: {  	[bflag:$0x0] =	sbarrier.arrive $0xFFFF  }
0x1b9: {  	p0 =	sne.s32 s0, $0x0;
	_ =	strace $0x9000004D  }
0x1ba: {  	s0 =	sadd.s32 @!p0 $0x100000, s2;
	[bflag:$0x2] =	sbarrier.arrive $0xFFFF  }
0x1bb: {  	[sflag:s0] =	ssyncadd.tile.s32 @!p0 $0x1;
	_ =	shalt  }
.Lfunc_end2:
_tile_overlayer_lowered:
.L_overlay_start_2:
0x1bc: {  	(tag) =	ssettag $0x2  }
0x1bd: {  	s0 =	rddreg [dreg:$0x0];
	s2 =	stileid.u32  }
0x1be: {  	s1 =	rddreg [dreg:$0x1];
	p0 =	sne.s32 s2, $0x0  }
0x1bf: {  	s3 =	rddreg [dreg:$0x2];
	[bflag:$0x3] =	sbarrier.arrive $0xFFFF;
	s2 =	simm.s32 @!p0 $0x1C03  }
0x1c0: {  	[timem:s3], [sflag:s2] =	dma.local @!p0 [hbm:s0], s1  }
0x1c1: {  	s0 =	simm.s32 @!p0 $0x3  }
0x1c2: {  	_ =	swait.ge @!p0 [sflag:s0], s1  }
0x1c3: {  	s1 =	ssub.s32 @!p0 $0x0, s1;
	[sflag:s0] =	ssyncset.done @!p0 $0x0  }
0x1c4: {  	[sflag:s0] =	ssyncadd.s32 @!p0 s1  }
0x1c5: {  	[bflag:$0x3] =	sbarrier.arrive $0xFFFF  }
0x1c6: {  	_ =	shalt  }

</sc_bundles>
